<compile_context>
chip_gen: v7x
topology: tpu7x:2x2x1
jax: 0.10.2.dev20260603
libtpu: 0.0.44.dev20260713+nightly
codegen_flags: <defaults>
</compile_context>

<pallas_src>
import functools

import jax
import jax.numpy as jnp
from jax import lax
from jax.experimental import pallas as pl
from jax.experimental.pallas import tpu as pltpu
from jax.experimental.pallas import tpu_sc as plsc

EPS_LUB = 0.0001

N_NODES = 100000
N_EDGES = 6400000
M_ROWS = N_NODES + N_EDGES
NEB = N_EDGES // 128
NOB = (M_ROWS + 127) // 128
NVB = N_NODES // 128
VREM = N_NODES - NVB * 128
BOUND = NVB
FIRST_EB = BOUND + 1
LAST_EB = NOB - 1
MAIN_BLOCKS = LAST_EB - FIRST_EB
BPT = 3125
OB = 25
KOFF = [(96 + 16 * g) // 128 for g in range(8)]
OOFF = [(96 + 16 * g) % 128 for g in range(8)]


def _emit_block(tbl, ebuf, obuf, t):
    for g in range(8):
        v0 = ebuf[t + KOFF[g], 0, pl.ds(OOFF[g], 16)]
        v1 = ebuf[t + KOFF[g], 1, pl.ds(OOFF[g], 16)]
        g0 = plsc.load_gather(tbl, [v0])
        g1 = plsc.load_gather(tbl, [v1])
        obuf[t, 0, pl.ds(16 * g, 16)] = jnp.maximum(g0, g1) + EPS_LUB


def _body(fcols_hbm, eblk_hbm, out_hbm, tbl, ebuf, obuf, bebuf, bbuf,
          semi, semo, vsem):
    c = lax.axis_index("c")
    s = lax.axis_index("s")
    col = c

    pltpu.sync_copy(fcols_hbm.at[col], tbl)

    def vcopy(b):
        return pltpu.make_async_copy(
            tbl.at[pl.ds(b * 128, 128)], out_hbm.at[b, col], vsem
        )

    def vblock(k, carry):
        b = s + 16 * k

        @pl.when(b < NVB)
        def _():
            vcopy(b).start()

        return carry

    lax.fori_loop(0, (NVB + 15) // 16, vblock, 0)

    @pl.when(s == 0)
    def _boundary():
        pltpu.sync_copy(eblk_hbm.at[0], bebuf)
        for g in range(2):
            bbuf[pl.ds(16 * g, 16)] = tbl[pl.ds(NVB * 128 + 16 * g, 16)]
        for g in range(2, 8):
            v0 = bebuf[0, pl.ds(16 * g - 32, 16)]
            v1 = bebuf[1, pl.ds(16 * g - 32, 16)]
            g0 = plsc.load_gather(tbl, [v0])
            g1 = plsc.load_gather(tbl, [v1])
            bbuf[pl.ds(16 * g, 16)] = jnp.maximum(g0, g1) + EPS_LUB
        pltpu.sync_copy(bbuf, out_hbm.at[BOUND, col])

    @pl.when(s == 1)
    def _tail():
        pltpu.sync_copy(eblk_hbm.at[NEB - 1], bebuf)
        for g in range(2):
            v0 = bebuf[0, pl.ds(96 + 16 * g, 16)]
            v1 = bebuf[1, pl.ds(96 + 16 * g, 16)]
            g0 = plsc.load_gather(tbl, [v0])
            g1 = plsc.load_gather(tbl, [v1])
            m = jnp.maximum(g0, g1) + EPS_LUB
            for g2 in range(g, 8, 2):
                bbuf[pl.ds(16 * g2, 16)] = m
        pltpu.sync_copy(bbuf, out_hbm.at[LAST_EB, col])

    tile_b0 = FIRST_EB + s * BPT
    nch = BPT // OB - jnp.where(s == 15, 1, 0)

    def in_copy(k, slot):
        ib0 = tile_b0 - FIRST_EB + k * OB
        return pltpu.make_async_copy(
            eblk_hbm.at[pl.ds(ib0, OB + 1)], ebuf.at[slot], semi.at[slot]
        )

    def out_copy(k, slot):
        ob0 = tile_b0 + k * OB
        return pltpu.make_async_copy(
            obuf.at[slot],
            out_hbm.at[pl.ds(ob0, OB), pl.ds(col, 1), :],
            semo.at[slot],
        )

    in_copy(0, 0).start()
    in_copy(1, 1).start()

    def chunk(k, carry):
        slot = lax.rem(k, 3)
        in_copy(k, slot).wait()

        @pl.when(k + 2 < nch)
        def _():
            in_copy(k + 2, lax.rem(k + 2, 3)).start()

        @pl.when(k >= 3)
        def _():
            out_copy(k - 3, slot).wait()

        @plsc.parallel_loop(0, OB, unroll=4)
        def _blocks(t):
            _emit_block(tbl, ebuf.at[slot], obuf.at[slot], t)

        out_copy(k, slot).start()
        return carry

    lax.fori_loop(0, nch, chunk, 0)
    out_copy(nch - 3, lax.rem(nch - 3, 3)).wait()
    out_copy(nch - 2, lax.rem(nch - 2, 3)).wait()
    out_copy(nch - 1, lax.rem(nch - 1, 3)).wait()

    def vdrain(k, carry):
        b = s + 16 * k

        @pl.when(b < NVB)
        def _():
            vcopy(b).wait()

        return carry

    lax.fori_loop(0, (NVB + 15) // 16, vdrain, 0)

    @pl.when(s == 15)
    def _short_tail():
        k = BPT // OB - 1
        ob0 = tile_b0 + k * OB
        ib0 = ob0 - FIRST_EB
        pltpu.sync_copy(eblk_hbm.at[pl.ds(ib0, OB)],
                        ebuf.at[0, pl.ds(0, OB)])

        @plsc.parallel_loop(0, OB - 1, unroll=2)
        def _blocks(t):
            _emit_block(tbl, ebuf.at[0], obuf.at[0], t)
        pltpu.sync_copy(
            obuf.at[0, pl.ds(0, OB - 1)],
            out_hbm.at[pl.ds(ob0, OB - 1), pl.ds(col, 1), :],
        )


@jax.jit
def _run(fcols, eblk):
    mesh = plsc.VectorSubcoreMesh(
        core_axis_name="c", subcore_axis_name="s"
    )
    k = functools.partial(
        pl.kernel,
        mesh=mesh,
        out_type=jax.ShapeDtypeStruct((NOB, 2, 128), jnp.float32),
        scratch_types=[
            pltpu.VMEM((N_NODES,), jnp.float32),
            pltpu.VMEM((3, OB + 1, 2, 128), jnp.int32),
            pltpu.VMEM((3, OB, 1, 128), jnp.float32),
            pltpu.VMEM((2, 128), jnp.int32),
            pltpu.VMEM((128,), jnp.float32),
            pltpu.SemaphoreType.DMA((3,)),
            pltpu.SemaphoreType.DMA((3,)),
            pltpu.SemaphoreType.DMA,
        ],
        compiler_params=pltpu.CompilerParams(
            use_tc_tiling_on_sc=False, needs_layout_passes=False
        ),
    )(_body)
    return k(fcols, eblk)


def kernel(f_v, edges):
    f_v = f_v.astype(jnp.float32)
    fcols = f_v.T
    eblk = (
        edges.astype(jnp.int32)
        .reshape(NEB, 128, 2)
        .transpose(0, 2, 1)
    )
    out_blk = _run(fcols, eblk)
    out = out_blk.transpose(0, 2, 1).reshape(NOB * 128, 2)
    return out[:M_ROWS]

# --- scband reference (transcript-rebuilt; emitter-appended) ---
"""Pipeline reference for scband-multi-pers-diff-fixec-centers-3624952397857 (READ-ONLY COPY).

The authoritative reference and input builder live on the scoring server;
editing this copy changes nothing except your own understanding.
"""

import jax, jax.numpy as jnp
import numpy as np

EPS = 0.0001

def setup_inputs(seed: int = 0) -> dict:
    key = jax.random.key(seed)
    k1, k2 = jax.random.split(key)
    n_nodes = 100000
    n_edges = 6400000
    f_v = jax.random.uniform(k1, (n_nodes, 2), dtype=jnp.float32)
    edges = jax.random.randint(k2, (n_edges, 2), 0, n_nodes, dtype=jnp.int64)
    return {"f_v": f_v, "edges": edges}

def reference(f_v, edges):
    # Faithful translation of compute_lub: the core kernel of the
    # multi-persistence lower-upper-bound filtration extension.
    # For each edge, gather the two endpoint filtration values along each
    # coordinate axis and take the max (least upper bound), then append
    # the edge filtration rows below the vertex filtration rows.
    f_v_x = f_v[:, 0]
    f_v_y = f_v[:, 1]
    # gather endpoint x-values: [E, 2] then reduce-max over endpoints
    e_x = jnp.max(jnp.take(f_v_x, edges, axis=0), axis=1)
    e_y = jnp.max(jnp.take(f_v_y, edges, axis=0), axis=1)
    f_e = jnp.stack([e_x, e_y], axis=1) + EPS
    f = jnp.concatenate([f_v, f_e], axis=0)
    return f

if __name__ == "__main__":
    import jax
    _d = setup_inputs()
    print(jax.jit(kernel)(*tuple(_d.values())))

</pallas_src>

<mosaic_0001>
#map = affine_map<(d0, d1) -> (0, 0)>
#map1 = affine_map<(d0, d1) -> (0, 0, 0)>
module attributes {stable_mosaic.version = 14 : i64} {
  func.func @_body(%arg0: i32, %arg1: i32, %arg2: memref<2x100000xf32, #tpu.memory_space<hbm>>, %arg3: memref<50000x2x128xi32, #tpu.memory_space<hbm>>, %arg4: memref<50782x2x128xf32, #tpu.memory_space<hbm>>, %arg5: memref<100000xf32, #tpu.memory_space<vmem>>, %arg6: memref<3x26x2x128xi32, #tpu.memory_space<vmem>>, %arg7: memref<3x25x1x128xf32, #tpu.memory_space<vmem>>, %arg8: memref<2x128xi32, #tpu.memory_space<vmem>>, %arg9: memref<128xf32, #tpu.memory_space<vmem>>, %arg10: memref<3x!tpu.dma_semaphore, #tpu.memory_space<semaphore_mem>>, %arg11: memref<3x!tpu.dma_semaphore, #tpu.memory_space<semaphore_mem>>, %arg12: memref<!tpu.dma_semaphore, #tpu.memory_space<semaphore_mem>>) attributes {dimension_semantics = [#tpu.dimension_semantics<core_parallel>, #tpu.dimension_semantics<subcore_parallel>], iteration_bounds = array<i64: 2, 16>, scalar_prefetch = 0 : i64, scratch_operands = 8 : i64, tpu.core_type = #tpu.core_type<sc_vector_subcore>, window_params = [{transform_indices = #map}, {transform_indices = #map1}, {transform_indices = #map1}]} {
    "tpu.region"() ({
      %run_scoped3A = tpu.sem_alloc : memref<!tpu.dma_semaphore, #tpu.memory_space<semaphore_mem>>
      %dma_start3A_158 = arith.constant 0 : i32
      %dma_start3A_159 = tpu.memref_slice %arg2[%arg0, %dma_start3A_158] : memref<2x100000xf32, #tpu.memory_space<hbm>> -> memref<1x100000xf32, #tpu.memory_space<hbm>>
      %dma_start3A_160 = tpu.memref_squeeze %dma_start3A_159 : memref<1x100000xf32, #tpu.memory_space<hbm>> -> memref<100000xf32, #tpu.memory_space<hbm>>
      %dma_start3A_161 = arith.constant 0 : i32
      %dma_start3A_162 = tpu.memref_slice %arg2[%arg0, %dma_start3A_161] : memref<2x100000xf32, #tpu.memory_space<hbm>> -> memref<1x100000xf32, #tpu.memory_space<hbm>>
      %dma_start3A_163 = tpu.memref_squeeze %dma_start3A_162 : memref<1x100000xf32, #tpu.memory_space<hbm>> -> memref<100000xf32, #tpu.memory_space<hbm>>
      tpu.enqueue_dma source(%dma_start3A_163 : memref<100000xf32, #tpu.memory_space<hbm>>) target(%arg5 : memref<100000xf32, #tpu.memory_space<vmem>>) target_semaphore(%run_scoped3A : memref<!tpu.dma_semaphore, #tpu.memory_space<semaphore_mem>>)
      %dma_wait3A_164 = arith.constant 0 : i32
      %dma_wait3A_165 = tpu.memref_slice %arg2[%arg0, %dma_wait3A_164] : memref<2x100000xf32, #tpu.memory_space<hbm>> -> memref<1x100000xf32, #tpu.memory_space<hbm>>
      %dma_wait3A_166 = tpu.memref_squeeze %dma_wait3A_165 : memref<1x100000xf32, #tpu.memory_space<hbm>> -> memref<100000xf32, #tpu.memory_space<hbm>>
      %dma_wait3A_167 = arith.constant 0 : i32
      %dma_wait3A_168 = tpu.memref_slice %arg2[%arg0, %dma_wait3A_167] : memref<2x100000xf32, #tpu.memory_space<hbm>> -> memref<1x100000xf32, #tpu.memory_space<hbm>>
      %dma_wait3A_169 = tpu.memref_squeeze %dma_wait3A_168 : memref<1x100000xf32, #tpu.memory_space<hbm>> -> memref<100000xf32, #tpu.memory_space<hbm>>
      tpu.wait_dma2 semaphore(%run_scoped3A : memref<!tpu.dma_semaphore, #tpu.memory_space<semaphore_mem>>) src(%dma_wait3A_169 : memref<100000xf32, #tpu.memory_space<hbm>>) dst(%arg5 : memref<100000xf32, #tpu.memory_space<vmem>>)
      tpu.yield
    }) : () -> ()
    %scan3A = arith.constant 0 : i32
    %scan3A_0 = arith.constant 0 : i32
    %scan3A_1 = arith.constant 49 : i32
    %scan3A_2 = arith.addi %scan3A_0, %scan3A_1 : i32
    %scan3A_3 = arith.constant 1 : i32
    scf.for %scan3A_158 = %scan3A_0 to %scan3A_2 step %scan3A_3  : i32 {
      %mul3A_159 = arith.constant 16 : i32
      %mul3A_160 = arith.muli %mul3A_159, %scan3A_158 : i32
      %add3A_161 = arith.addi %arg1, %mul3A_160 : i32
      %lt3A = arith.constant 781 : i32
      %lt3A_162 = arith.cmpi slt, %add3A_161, %lt3A : i32
      %convert_element_type3A_163 = arith.extui %lt3A_162 : i1 to i32
      %cond3A_164 = arith.constant 0 : i32
      %cond3A_165 = arith.cmpi ne, %convert_element_type3A_163, %cond3A_164 : i32
      scf.if %cond3A_165 {
        %mul3A_166 = arith.constant 128 : i32
        %mul3A_167 = arith.muli %add3A_161, %mul3A_166 : i32
        %dma_start3A_168 = tpu.memref_slice %arg5[%mul3A_167] : memref<100000xf32, #tpu.memory_space<vmem>> -> memref<128xf32, #tpu.memory_space<vmem>>
        %dma_start3A_169 = arith.constant 0 : i32
        %dma_start3A_170 = tpu.memref_slice %arg4[%add3A_161, %arg0, %dma_start3A_169] : memref<50782x2x128xf32, #tpu.memory_space<hbm>> -> memref<1x1x128xf32, #tpu.memory_space<hbm>>
        %dma_start3A_171 = tpu.memref_squeeze %dma_start3A_170 : memref<1x1x128xf32, #tpu.memory_space<hbm>> -> memref<128xf32, #tpu.memory_space<hbm>>
        %dma_start3A_172 = arith.constant 0 : i32
        %dma_start3A_173 = tpu.memref_slice %arg4[%add3A_161, %arg0, %dma_start3A_172] : memref<50782x2x128xf32, #tpu.memory_space<hbm>> -> memref<1x1x128xf32, #tpu.memory_space<hbm>>
        %dma_start3A_174 = tpu.memref_squeeze %dma_start3A_173 : memref<1x1x128xf32, #tpu.memory_space<hbm>> -> memref<128xf32, #tpu.memory_space<hbm>>
        %dma_start3A_175 = tpu.memref_slice %arg5[%mul3A_167] : memref<100000xf32, #tpu.memory_space<vmem>> -> memref<128xf32, #tpu.memory_space<vmem>>
        tpu.enqueue_dma source(%dma_start3A_175 : memref<128xf32, #tpu.memory_space<vmem>>) target(%dma_start3A_174 : memref<128xf32, #tpu.memory_space<hbm>>) target_semaphore(%arg12 : memref<!tpu.dma_semaphore, #tpu.memory_space<semaphore_mem>>)
      } else {
      }
    }
    %scan3A_4 = arith.constant 49 : i32
    %eq3A = arith.constant 0 : i32
    %eq3A_5 = arith.cmpi eq, %arg1, %eq3A : i32
    %convert_element_type3A = arith.extui %eq3A_5 : i1 to i32
    %cond3A = arith.constant 0 : i32
    %cond3A_6 = arith.cmpi ne, %convert_element_type3A, %cond3A : i32
    scf.if %cond3A_6 {
      %run_scoped3A = arith.constant 0 : i32
      "tpu.region"() ({
        %run_scoped3A_259 = tpu.sem_alloc : memref<!tpu.dma_semaphore, #tpu.memory_space<semaphore_mem>>
        %dma_start3A_260 = arith.constant 0 : i32
        %dma_start3A_261 = arith.constant 0 : i32
        %dma_start3A_262 = tpu.memref_slice %arg3[%run_scoped3A, %dma_start3A_260, %dma_start3A_261] : memref<50000x2x128xi32, #tpu.memory_space<hbm>> -> memref<1x2x128xi32, #tpu.memory_space<hbm>>
        %dma_start3A_263 = tpu.memref_squeeze %dma_start3A_262 : memref<1x2x128xi32, #tpu.memory_space<hbm>> -> memref<2x128xi32, #tpu.memory_space<hbm>>
        %dma_start3A_264 = arith.constant 0 : i32
        %dma_start3A_265 = arith.constant 0 : i32
        %dma_start3A_266 = tpu.memref_slice %arg3[%run_scoped3A, %dma_start3A_264, %dma_start3A_265] : memref<50000x2x128xi32, #tpu.memory_space<hbm>> -> memref<1x2x128xi32, #tpu.memory_space<hbm>>
        %dma_start3A_267 = tpu.memref_squeeze %dma_start3A_266 : memref<1x2x128xi32, #tpu.memory_space<hbm>> -> memref<2x128xi32, #tpu.memory_space<hbm>>
        tpu.enqueue_dma source(%dma_start3A_267 : memref<2x128xi32, #tpu.memory_space<hbm>>) target(%arg8 : memref<2x128xi32, #tpu.memory_space<vmem>>) target_semaphore(%run_scoped3A_259 : memref<!tpu.dma_semaphore, #tpu.memory_space<semaphore_mem>>)
        %dma_wait3A_268 = arith.constant 0 : i32
        %dma_wait3A_269 = arith.constant 0 : i32
        %dma_wait3A_270 = tpu.memref_slice %arg3[%run_scoped3A, %dma_wait3A_268, %dma_wait3A_269] : memref<50000x2x128xi32, #tpu.memory_space<hbm>> -> memref<1x2x128xi32, #tpu.memory_space<hbm>>
        %dma_wait3A_271 = tpu.memref_squeeze %dma_wait3A_270 : memref<1x2x128xi32, #tpu.memory_space<hbm>> -> memref<2x128xi32, #tpu.memory_space<hbm>>
        %dma_wait3A_272 = arith.constant 0 : i32
        %dma_wait3A_273 = arith.constant 0 : i32
        %dma_wait3A_274 = tpu.memref_slice %arg3[%run_scoped3A, %dma_wait3A_272, %dma_wait3A_273] : memref<50000x2x128xi32, #tpu.memory_space<hbm>> -> memref<1x2x128xi32, #tpu.memory_space<hbm>>
        %dma_wait3A_275 = tpu.memref_squeeze %dma_wait3A_274 : memref<1x2x128xi32, #tpu.memory_space<hbm>> -> memref<2x128xi32, #tpu.memory_space<hbm>>
        tpu.wait_dma2 semaphore(%run_scoped3A_259 : memref<!tpu.dma_semaphore, #tpu.memory_space<semaphore_mem>>) src(%dma_wait3A_275 : memref<2x128xi32, #tpu.memory_space<hbm>>) dst(%arg8 : memref<2x128xi32, #tpu.memory_space<vmem>>)
        tpu.yield
      }) : () -> ()
      %get3A = arith.constant 99968 : index
      %get3A_158 = tpu.vector_load %arg5[%get3A] {strides = array<i32>} : memref<100000xf32, #tpu.memory_space<vmem>>, vector<16xf32>,
      %swap3A = arith.constant 0 : index
      %swap3A_159 = tpu.vector_load %arg9[%swap3A] {strides = array<i32>} : memref<128xf32, #tpu.memory_space<vmem>>, vector<16xf32>,
      tpu.vector_store %arg9[%swap3A], %get3A_158 {strides = array<i32>} : memref<128xf32, #tpu.memory_space<vmem>>, vector<16xf32>,
      %get3A_160 = arith.constant 99984 : index
      %get3A_161 = tpu.vector_load %arg5[%get3A_160] {strides = array<i32>} : memref<100000xf32, #tpu.memory_space<vmem>>, vector<16xf32>,
      %swap3A_162 = arith.constant 16 : index
      %swap3A_163 = tpu.vector_load %arg9[%swap3A_162] {strides = array<i32>} : memref<128xf32, #tpu.memory_space<vmem>>, vector<16xf32>,
      tpu.vector_store %arg9[%swap3A_162], %get3A_161 {strides = array<i32>} : memref<128xf32, #tpu.memory_space<vmem>>, vector<16xf32>,
      %get3A_164 = arith.constant 0 : i32
      %get3A_165 = arith.index_cast %get3A_164 : i32 to index
      %get3A_166 = arith.constant 0 : index
      %get3A_167 = tpu.vector_load %arg8[%get3A_165, %get3A_166] {strides = array<i32>} : memref<2x128xi32, #tpu.memory_space<vmem>>, vector<16xi32>,
      %get3A_168 = arith.constant 1 : i32
      %get3A_169 = arith.index_cast %get3A_168 : i32 to index
      %get3A_170 = arith.constant 0 : index
      %get3A_171 = tpu.vector_load %arg8[%get3A_169, %get3A_170] {strides = array<i32>} : memref<2x128xi32, #tpu.memory_space<vmem>>, vector<16xi32>,
      %gather3A = tpu.vector_load_idx %arg5[%get3A_167] : memref<100000xf32, #tpu.memory_space<vmem>>[vector<16xi32>], vector<16xf32>,
      %gather3A_172 = tpu.vector_load_idx %arg5[%get3A_171] : memref<100000xf32, #tpu.memory_space<vmem>>[vector<16xi32>], vector<16xf32>,
      %max3A = arith.maximumf %gather3A, %gather3A_172 : vector<16xf32>
      %add3A_173 = arith.constant 9.99999974E-5 : f32
      %add3A_174 = vector.broadcast %add3A_173 : f32 to vector<16xf32>
      %add3A_175 = arith.addf %max3A, %add3A_174 : vector<16xf32>
      %swap3A_176 = arith.constant 32 : index
      %swap3A_177 = tpu.vector_load %arg9[%swap3A_176] {strides = array<i32>} : memref<128xf32, #tpu.memory_space<vmem>>, vector<16xf32>,
      tpu.vector_store %arg9[%swap3A_176], %add3A_175 {strides = array<i32>} : memref<128xf32, #tpu.memory_space<vmem>>, vector<16xf32>,
      %get3A_178 = arith.constant 0 : i32
      %get3A_179 = arith.index_cast %get3A_178 : i32 to index
      %get3A_180 = arith.constant 16 : index
      %get3A_181 = tpu.vector_load %arg8[%get3A_179, %get3A_180] {strides = array<i32>} : memref<2x128xi32, #tpu.memory_space<vmem>>, vector<16xi32>,
      %get3A_182 = arith.constant 1 : i32
      %get3A_183 = arith.index_cast %get3A_182 : i32 to index
      %get3A_184 = arith.constant 16 : index
      %get3A_185 = tpu.vector_load %arg8[%get3A_183, %get3A_184] {strides = array<i32>} : memref<2x128xi32, #tpu.memory_space<vmem>>, vector<16xi32>,
      %gather3A_186 = tpu.vector_load_idx %arg5[%get3A_181] : memref<100000xf32, #tpu.memory_space<vmem>>[vector<16xi32>], vector<16xf32>,
      %gather3A_187 = tpu.vector_load_idx %arg5[%get3A_185] : memref<100000xf32, #tpu.memory_space<vmem>>[vector<16xi32>], vector<16xf32>,
      %max3A_188 = arith.maximumf %gather3A_186, %gather3A_187 : vector<16xf32>
      %add3A_189 = arith.constant 9.99999974E-5 : f32
      %add3A_190 = vector.broadcast %add3A_189 : f32 to vector<16xf32>
      %add3A_191 = arith.addf %max3A_188, %add3A_190 : vector<16xf32>
      %swap3A_192 = arith.constant 48 : index
      %swap3A_193 = tpu.vector_load %arg9[%swap3A_192] {strides = array<i32>} : memref<128xf32, #tpu.memory_space<vmem>>, vector<16xf32>,
      tpu.vector_store %arg9[%swap3A_192], %add3A_191 {strides = array<i32>} : memref<128xf32, #tpu.memory_space<vmem>>, vector<16xf32>,
      %get3A_194 = arith.constant 0 : i32
      %get3A_195 = arith.index_cast %get3A_194 : i32 to index
      %get3A_196 = arith.constant 32 : index
      %get3A_197 = tpu.vector_load %arg8[%get3A_195, %get3A_196] {strides = array<i32>} : memref<2x128xi32, #tpu.memory_space<vmem>>, vector<16xi32>,
      %get3A_198 = arith.constant 1 : i32
      %get3A_199 = arith.index_cast %get3A_198 : i32 to index
      %get3A_200 = arith.constant 32 : index
      %get3A_201 = tpu.vector_load %arg8[%get3A_199, %get3A_200] {strides = array<i32>} : memref<2x128xi32, #tpu.memory_space<vmem>>, vector<16xi32>,
      %gather3A_202 = tpu.vector_load_idx %arg5[%get3A_197] : memref<100000xf32, #tpu.memory_space<vmem>>[vector<16xi32>], vector<16xf32>,
      %gather3A_203 = tpu.vector_load_idx %arg5[%get3A_201] : memref<100000xf32, #tpu.memory_space<vmem>>[vector<16xi32>], vector<16xf32>,
      %max3A_204 = arith.maximumf %gather3A_202, %gather3A_203 : vector<16xf32>
      %add3A_205 = arith.constant 9.99999974E-5 : f32
      %add3A_206 = vector.broadcast %add3A_205 : f32 to vector<16xf32>
      %add3A_207 = arith.addf %max3A_204, %add3A_206 : vector<16xf32>
      %swap3A_208 = arith.constant 64 : index
      %swap3A_209 = tpu.vector_load %arg9[%swap3A_208] {strides = array<i32>} : memref<128xf32, #tpu.memory_space<vmem>>, vector<16xf32>,
      tpu.vector_store %arg9[%swap3A_208], %add3A_207 {strides = array<i32>} : memref<128xf32, #tpu.memory_space<vmem>>, vector<16xf32>,
      %get3A_210 = arith.constant 0 : i32
      %get3A_211 = arith.index_cast %get3A_210 : i32 to index
      %get3A_212 = arith.constant 48 : index
      %get3A_213 = tpu.vector_load %arg8[%get3A_211, %get3A_212] {strides = array<i32>} : memref<2x128xi32, #tpu.memory_space<vmem>>, vector<16xi32>,
      %get3A_214 = arith.constant 1 : i32
      %get3A_215 = arith.index_cast %get3A_214 : i32 to index
      %get3A_216 = arith.constant 48 : index
      %get3A_217 = tpu.vector_load %arg8[%get3A_215, %get3A_216] {strides = array<i32>} : memref<2x128xi32, #tpu.memory_space<vmem>>, vector<16xi32>,
      %gather3A_218 = tpu.vector_load_idx %arg5[%get3A_213] : memref<100000xf32, #tpu.memory_space<vmem>>[vector<16xi32>], vector<16xf32>,
      %gather3A_219 = tpu.vector_load_idx %arg5[%get3A_217] : memref<100000xf32, #tpu.memory_space<vmem>>[vector<16xi32>], vector<16xf32>,
      %max3A_220 = arith.maximumf %gather3A_218, %gather3A_219 : vector<16xf32>
      %add3A_221 = arith.constant 9.99999974E-5 : f32
      %add3A_222 = vector.broadcast %add3A_221 : f32 to vector<16xf32>
      %add3A_223 = arith.addf %max3A_220, %add3A_222 : vector<16xf32>
      %swap3A_224 = arith.constant 80 : index
      %swap3A_225 = tpu.vector_load %arg9[%swap3A_224] {strides = array<i32>} : memref<128xf32, #tpu.memory_space<vmem>>, vector<16xf32>,
      tpu.vector_store %arg9[%swap3A_224], %add3A_223 {strides = array<i32>} : memref<128xf32, #tpu.memory_space<vmem>>, vector<16xf32>,
      %get3A_226 = arith.constant 0 : i32
      %get3A_227 = arith.index_cast %get3A_226 : i32 to index
      %get3A_228 = arith.constant 64 : index
      %get3A_229 = tpu.vector_load %arg8[%get3A_227, %get3A_228] {strides = array<i32>} : memref<2x128xi32, #tpu.memory_space<vmem>>, vector<16xi32>,
      %get3A_230 = arith.constant 1 : i32
      %get3A_231 = arith.index_cast %get3A_230 : i32 to index
      %get3A_232 = arith.constant 64 : index
      %get3A_233 = tpu.vector_load %arg8[%get3A_231, %get3A_232] {strides = array<i32>} : memref<2x128xi32, #tpu.memory_space<vmem>>, vector<16xi32>,
      %gather3A_234 = tpu.vector_load_idx %arg5[%get3A_229] : memref<100000xf32, #tpu.memory_space<vmem>>[vector<16xi32>], vector<16xf32>,
      %gather3A_235 = tpu.vector_load_idx %arg5[%get3A_233] : memref<100000xf32, #tpu.memory_space<vmem>>[vector<16xi32>], vector<16xf32>,
      %max3A_236 = arith.maximumf %gather3A_234, %gather3A_235 : vector<16xf32>
      %add3A_237 = arith.constant 9.99999974E-5 : f32
      %add3A_238 = vector.broadcast %add3A_237 : f32 to vector<16xf32>
      %add3A_239 = arith.addf %max3A_236, %add3A_238 : vector<16xf32>
      %swap3A_240 = arith.constant 96 : index
      %swap3A_241 = tpu.vector_load %arg9[%swap3A_240] {strides = array<i32>} : memref<128xf32, #tpu.memory_space<vmem>>, vector<16xf32>,
      tpu.vector_store %arg9[%swap3A_240], %add3A_239 {strides = array<i32>} : memref<128xf32, #tpu.memory_space<vmem>>, vector<16xf32>,
      %get3A_242 = arith.constant 0 : i32
      %get3A_243 = arith.index_cast %get3A_242 : i32 to index
      %get3A_244 = arith.constant 80 : index
      %get3A_245 = tpu.vector_load %arg8[%get3A_243, %get3A_244] {strides = array<i32>} : memref<2x128xi32, #tpu.memory_space<vmem>>, vector<16xi32>,
      %get3A_246 = arith.constant 1 : i32
      %get3A_247 = arith.index_cast %get3A_246 : i32 to index
      %get3A_248 = arith.constant 80 : index
      %get3A_249 = tpu.vector_load %arg8[%get3A_247, %get3A_248] {strides = array<i32>} : memref<2x128xi32, #tpu.memory_space<vmem>>, vector<16xi32>,
      %gather3A_250 = tpu.vector_load_idx %arg5[%get3A_245] : memref<100000xf32, #tpu.memory_space<vmem>>[vector<16xi32>], vector<16xf32>,
      %gather3A_251 = tpu.vector_load_idx %arg5[%get3A_249] : memref<100000xf32, #tpu.memory_space<vmem>>[vector<16xi32>], vector<16xf32>,
      %max3A_252 = arith.maximumf %gather3A_250, %gather3A_251 : vector<16xf32>
      %add3A_253 = arith.constant 9.99999974E-5 : f32
      %add3A_254 = vector.broadcast %add3A_253 : f32 to vector<16xf32>
      %add3A_255 = arith.addf %max3A_252, %add3A_254 : vector<16xf32>
      %swap3A_256 = arith.constant 112 : index
      %swap3A_257 = tpu.vector_load %arg9[%swap3A_256] {strides = array<i32>} : memref<128xf32, #tpu.memory_space<vmem>>, vector<16xf32>,
      tpu.vector_store %arg9[%swap3A_256], %add3A_255 {strides = array<i32>} : memref<128xf32, #tpu.memory_space<vmem>>, vector<16xf32>,
      %run_scoped3A_258 = arith.constant 781 : i32
      "tpu.region"() ({
        %run_scoped3A_259 = tpu.sem_alloc : memref<!tpu.dma_semaphore, #tpu.memory_space<semaphore_mem>>
        %dma_start3A_260 = arith.constant 0 : i32
        %dma_start3A_261 = tpu.memref_slice %arg4[%run_scoped3A_258, %arg0, %dma_start3A_260] : memref<50782x2x128xf32, #tpu.memory_space<hbm>> -> memref<1x1x128xf32, #tpu.memory_space<hbm>>
        %dma_start3A_262 = tpu.memref_squeeze %dma_start3A_261 : memref<1x1x128xf32, #tpu.memory_space<hbm>> -> memref<128xf32, #tpu.memory_space<hbm>>
        %dma_start3A_263 = arith.constant 0 : i32
        %dma_start3A_264 = tpu.memref_slice %arg4[%run_scoped3A_258, %arg0, %dma_start3A_263] : memref<50782x2x128xf32, #tpu.memory_space<hbm>> -> memref<1x1x128xf32, #tpu.memory_space<hbm>>
        %dma_start3A_265 = tpu.memref_squeeze %dma_start3A_264 : memref<1x1x128xf32, #tpu.memory_space<hbm>> -> memref<128xf32, #tpu.memory_space<hbm>>
        tpu.enqueue_dma source(%arg9 : memref<128xf32, #tpu.memory_space<vmem>>) target(%dma_start3A_265 : memref<128xf32, #tpu.memory_space<hbm>>) target_semaphore(%run_scoped3A_259 : memref<!tpu.dma_semaphore, #tpu.memory_space<semaphore_mem>>)
        %dma_wait3A_266 = arith.constant 0 : i32
        %dma_wait3A_267 = tpu.memref_slice %arg4[%run_scoped3A_258, %arg0, %dma_wait3A_266] : memref<50782x2x128xf32, #tpu.memory_space<hbm>> -> memref<1x1x128xf32, #tpu.memory_space<hbm>>
        %dma_wait3A_268 = tpu.memref_squeeze %dma_wait3A_267 : memref<1x1x128xf32, #tpu.memory_space<hbm>> -> memref<128xf32, #tpu.memory_space<hbm>>
        %dma_wait3A_269 = arith.constant 0 : i32
        %dma_wait3A_270 = tpu.memref_slice %arg4[%run_scoped3A_258, %arg0, %dma_wait3A_269] : memref<50782x2x128xf32, #tpu.memory_space<hbm>> -> memref<1x1x128xf32, #tpu.memory_space<hbm>>
        %dma_wait3A_271 = tpu.memref_squeeze %dma_wait3A_270 : memref<1x1x128xf32, #tpu.memory_space<hbm>> -> memref<128xf32, #tpu.memory_space<hbm>>
        tpu.wait_dma2 semaphore(%run_scoped3A_259 : memref<!tpu.dma_semaphore, #tpu.memory_space<semaphore_mem>>) src(%arg9 : memref<128xf32, #tpu.memory_space<vmem>>) dst(%dma_wait3A_271 : memref<128xf32, #tpu.memory_space<hbm>>)
        tpu.yield
      }) : () -> ()
    } else {
    }
    %eq3A_7 = arith.constant 1 : i32
    %eq3A_8 = arith.cmpi eq, %arg1, %eq3A_7 : i32
    %convert_element_type3A_9 = arith.extui %eq3A_8 : i1 to i32
    %cond3A_10 = arith.constant 0 : i32
    %cond3A_11 = arith.cmpi ne, %convert_element_type3A_9, %cond3A_10 : i32
    scf.if %cond3A_11 {
      %run_scoped3A = arith.constant 49999 : i32
      "tpu.region"() ({
        %run_scoped3A_199 = tpu.sem_alloc : memref<!tpu.dma_semaphore, #tpu.memory_space<semaphore_mem>>
        %dma_start3A_200 = arith.constant 0 : i32
        %dma_start3A_201 = arith.constant 0 : i32
        %dma_start3A_202 = tpu.memref_slice %arg3[%run_scoped3A, %dma_start3A_200, %dma_start3A_201] : memref<50000x2x128xi32, #tpu.memory_space<hbm>> -> memref<1x2x128xi32, #tpu.memory_space<hbm>>
        %dma_start3A_203 = tpu.memref_squeeze %dma_start3A_202 : memref<1x2x128xi32, #tpu.memory_space<hbm>> -> memref<2x128xi32, #tpu.memory_space<hbm>>
        %dma_start3A_204 = arith.constant 0 : i32
        %dma_start3A_205 = arith.constant 0 : i32
        %dma_start3A_206 = tpu.memref_slice %arg3[%run_scoped3A, %dma_start3A_204, %dma_start3A_205] : memref<50000x2x128xi32, #tpu.memory_space<hbm>> -> memref<1x2x128xi32, #tpu.memory_space<hbm>>
        %dma_start3A_207 = tpu.memref_squeeze %dma_start3A_206 : memref<1x2x128xi32, #tpu.memory_space<hbm>> -> memref<2x128xi32, #tpu.memory_space<hbm>>
        tpu.enqueue_dma source(%dma_start3A_207 : memref<2x128xi32, #tpu.memory_space<hbm>>) target(%arg8 : memref<2x128xi32, #tpu.memory_space<vmem>>) target_semaphore(%run_scoped3A_199 : memref<!tpu.dma_semaphore, #tpu.memory_space<semaphore_mem>>)
        %dma_wait3A_208 = arith.constant 0 : i32
        %dma_wait3A_209 = arith.constant 0 : i32
        %dma_wait3A_210 = tpu.memref_slice %arg3[%run_scoped3A, %dma_wait3A_208, %dma_wait3A_209] : memref<50000x2x128xi32, #tpu.memory_space<hbm>> -> memref<1x2x128xi32, #tpu.memory_space<hbm>>
        %dma_wait3A_211 = tpu.memref_squeeze %dma_wait3A_210 : memref<1x2x128xi32, #tpu.memory_space<hbm>> -> memref<2x128xi32, #tpu.memory_space<hbm>>
        %dma_wait3A_212 = arith.constant 0 : i32
        %dma_wait3A_213 = arith.constant 0 : i32
        %dma_wait3A_214 = tpu.memref_slice %arg3[%run_scoped3A, %dma_wait3A_212, %dma_wait3A_213] : memref<50000x2x128xi32, #tpu.memory_space<hbm>> -> memref<1x2x128xi32, #tpu.memory_space<hbm>>
        %dma_wait3A_215 = tpu.memref_squeeze %dma_wait3A_214 : memref<1x2x128xi32, #tpu.memory_space<hbm>> -> memref<2x128xi32, #tpu.memory_space<hbm>>
        tpu.wait_dma2 semaphore(%run_scoped3A_199 : memref<!tpu.dma_semaphore, #tpu.memory_space<semaphore_mem>>) src(%dma_wait3A_215 : memref<2x128xi32, #tpu.memory_space<hbm>>) dst(%arg8 : memref<2x128xi32, #tpu.memory_space<vmem>>)
        tpu.yield
      }) : () -> ()
      %get3A = arith.constant 0 : i32
      %get3A_158 = arith.index_cast %get3A : i32 to index
      %get3A_159 = arith.constant 96 : index
      %get3A_160 = tpu.vector_load %arg8[%get3A_158, %get3A_159] {strides = array<i32>} : memref<2x128xi32, #tpu.memory_space<vmem>>, vector<16xi32>,
      %get3A_161 = arith.constant 1 : i32
      %get3A_162 = arith.index_cast %get3A_161 : i32 to index
      %get3A_163 = arith.constant 96 : index
      %get3A_164 = tpu.vector_load %arg8[%get3A_162, %get3A_163] {strides = array<i32>} : memref<2x128xi32, #tpu.memory_space<vmem>>, vector<16xi32>,
      %gather3A = tpu.vector_load_idx %arg5[%get3A_160] : memref<100000xf32, #tpu.memory_space<vmem>>[vector<16xi32>], vector<16xf32>,
      %gather3A_165 = tpu.vector_load_idx %arg5[%get3A_164] : memref<100000xf32, #tpu.memory_space<vmem>>[vector<16xi32>], vector<16xf32>,
      %max3A = arith.maximumf %gather3A, %gather3A_165 : vector<16xf32>
      %add3A_166 = arith.constant 9.99999974E-5 : f32
      %add3A_167 = vector.broadcast %add3A_166 : f32 to vector<16xf32>
      %add3A_168 = arith.addf %max3A, %add3A_167 : vector<16xf32>
      %swap3A = arith.constant 0 : index
      %swap3A_169 = tpu.vector_load %arg9[%swap3A] {strides = array<i32>} : memref<128xf32, #tpu.memory_space<vmem>>, vector<16xf32>,
      tpu.vector_store %arg9[%swap3A], %add3A_168 {strides = array<i32>} : memref<128xf32, #tpu.memory_space<vmem>>, vector<16xf32>,
      %swap3A_170 = arith.constant 32 : index
      %swap3A_171 = tpu.vector_load %arg9[%swap3A_170] {strides = array<i32>} : memref<128xf32, #tpu.memory_space<vmem>>, vector<16xf32>,
      tpu.vector_store %arg9[%swap3A_170], %add3A_168 {strides = array<i32>} : memref<128xf32, #tpu.memory_space<vmem>>, vector<16xf32>,
      %swap3A_172 = arith.constant 64 : index
      %swap3A_173 = tpu.vector_load %arg9[%swap3A_172] {strides = array<i32>} : memref<128xf32, #tpu.memory_space<vmem>>, vector<16xf32>,
      tpu.vector_store %arg9[%swap3A_172], %add3A_168 {strides = array<i32>} : memref<128xf32, #tpu.memory_space<vmem>>, vector<16xf32>,
      %swap3A_174 = arith.constant 96 : index
      %swap3A_175 = tpu.vector_load %arg9[%swap3A_174] {strides = array<i32>} : memref<128xf32, #tpu.memory_space<vmem>>, vector<16xf32>,
      tpu.vector_store %arg9[%swap3A_174], %add3A_168 {strides = array<i32>} : memref<128xf32, #tpu.memory_space<vmem>>, vector<16xf32>,
      %get3A_176 = arith.constant 0 : i32
      %get3A_177 = arith.index_cast %get3A_176 : i32 to index
      %get3A_178 = arith.constant 112 : index
      %get3A_179 = tpu.vector_load %arg8[%get3A_177, %get3A_178] {strides = array<i32>} : memref<2x128xi32, #tpu.memory_space<vmem>>, vector<16xi32>,
      %get3A_180 = arith.constant 1 : i32
      %get3A_181 = arith.index_cast %get3A_180 : i32 to index
      %get3A_182 = arith.constant 112 : index
      %get3A_183 = tpu.vector_load %arg8[%get3A_181, %get3A_182] {strides = array<i32>} : memref<2x128xi32, #tpu.memory_space<vmem>>, vector<16xi32>,
      %gather3A_184 = tpu.vector_load_idx %arg5[%get3A_179] : memref<100000xf32, #tpu.memory_space<vmem>>[vector<16xi32>], vector<16xf32>,
      %gather3A_185 = tpu.vector_load_idx %arg5[%get3A_183] : memref<100000xf32, #tpu.memory_space<vmem>>[vector<16xi32>], vector<16xf32>,
      %max3A_186 = arith.maximumf %gather3A_184, %gather3A_185 : vector<16xf32>
      %add3A_187 = arith.constant 9.99999974E-5 : f32
      %add3A_188 = vector.broadcast %add3A_187 : f32 to vector<16xf32>
      %add3A_189 = arith.addf %max3A_186, %add3A_188 : vector<16xf32>
      %swap3A_190 = arith.constant 16 : index
      %swap3A_191 = tpu.vector_load %arg9[%swap3A_190] {strides = array<i32>} : memref<128xf32, #tpu.memory_space<vmem>>, vector<16xf32>,
      tpu.vector_store %arg9[%swap3A_190], %add3A_189 {strides = array<i32>} : memref<128xf32, #tpu.memory_space<vmem>>, vector<16xf32>,
      %swap3A_192 = arith.constant 48 : index
      %swap3A_193 = tpu.vector_load %arg9[%swap3A_192] {strides = array<i32>} : memref<128xf32, #tpu.memory_space<vmem>>, vector<16xf32>,
      tpu.vector_store %arg9[%swap3A_192], %add3A_189 {strides = array<i32>} : memref<128xf32, #tpu.memory_space<vmem>>, vector<16xf32>,
      %swap3A_194 = arith.constant 80 : index
      %swap3A_195 = tpu.vector_load %arg9[%swap3A_194] {strides = array<i32>} : memref<128xf32, #tpu.memory_space<vmem>>, vector<16xf32>,
      tpu.vector_store %arg9[%swap3A_194], %add3A_189 {strides = array<i32>} : memref<128xf32, #tpu.memory_space<vmem>>, vector<16xf32>,
      %swap3A_196 = arith.constant 112 : index
      %swap3A_197 = tpu.vector_load %arg9[%swap3A_196] {strides = array<i32>} : memref<128xf32, #tpu.memory_space<vmem>>, vector<16xf32>,
      tpu.vector_store %arg9[%swap3A_196], %add3A_189 {strides = array<i32>} : memref<128xf32, #tpu.memory_space<vmem>>, vector<16xf32>,
      %run_scoped3A_198 = arith.constant 50781 : i32
      "tpu.region"() ({
        %run_scoped3A_199 = tpu.sem_alloc : memref<!tpu.dma_semaphore, #tpu.memory_space<semaphore_mem>>
        %dma_start3A_200 = arith.constant 0 : i32
        %dma_start3A_201 = tpu.memref_slice %arg4[%run_scoped3A_198, %arg0, %dma_start3A_200] : memref<50782x2x128xf32, #tpu.memory_space<hbm>> -> memref<1x1x128xf32, #tpu.memory_space<hbm>>
        %dma_start3A_202 = tpu.memref_squeeze %dma_start3A_201 : memref<1x1x128xf32, #tpu.memory_space<hbm>> -> memref<128xf32, #tpu.memory_space<hbm>>
        %dma_start3A_203 = arith.constant 0 : i32
        %dma_start3A_204 = tpu.memref_slice %arg4[%run_scoped3A_198, %arg0, %dma_start3A_203] : memref<50782x2x128xf32, #tpu.memory_space<hbm>> -> memref<1x1x128xf32, #tpu.memory_space<hbm>>
        %dma_start3A_205 = tpu.memref_squeeze %dma_start3A_204 : memref<1x1x128xf32, #tpu.memory_space<hbm>> -> memref<128xf32, #tpu.memory_space<hbm>>
        tpu.enqueue_dma source(%arg9 : memref<128xf32, #tpu.memory_space<vmem>>) target(%dma_start3A_205 : memref<128xf32, #tpu.memory_space<hbm>>) target_semaphore(%run_scoped3A_199 : memref<!tpu.dma_semaphore, #tpu.memory_space<semaphore_mem>>)
        %dma_wait3A_206 = arith.constant 0 : i32
        %dma_wait3A_207 = tpu.memref_slice %arg4[%run_scoped3A_198, %arg0, %dma_wait3A_206] : memref<50782x2x128xf32, #tpu.memory_space<hbm>> -> memref<1x1x128xf32, #tpu.memory_space<hbm>>
        %dma_wait3A_208 = tpu.memref_squeeze %dma_wait3A_207 : memref<1x1x128xf32, #tpu.memory_space<hbm>> -> memref<128xf32, #tpu.memory_space<hbm>>
        %dma_wait3A_209 = arith.constant 0 : i32
        %dma_wait3A_210 = tpu.memref_slice %arg4[%run_scoped3A_198, %arg0, %dma_wait3A_209] : memref<50782x2x128xf32, #tpu.memory_space<hbm>> -> memref<1x1x128xf32, #tpu.memory_space<hbm>>
        %dma_wait3A_211 = tpu.memref_squeeze %dma_wait3A_210 : memref<1x1x128xf32, #tpu.memory_space<hbm>> -> memref<128xf32, #tpu.memory_space<hbm>>
        tpu.wait_dma2 semaphore(%run_scoped3A_199 : memref<!tpu.dma_semaphore, #tpu.memory_space<semaphore_mem>>) src(%arg9 : memref<128xf32, #tpu.memory_space<vmem>>) dst(%dma_wait3A_211 : memref<128xf32, #tpu.memory_space<hbm>>)
        tpu.yield
      }) : () -> ()
    } else {
    }
    %mul3A = arith.constant 3125 : i32
    %mul3A_12 = arith.muli %arg1, %mul3A : i32
    %add3A = arith.constant 782 : i32
    %add3A_13 = arith.addi %add3A, %mul3A_12 : i32
    %eq3A_14 = arith.constant 15 : i32
    %eq3A_15 = arith.cmpi eq, %arg1, %eq3A_14 : i32
    %jit3A = arith.constant 1 : i32
    %jit3A_16 = arith.constant 0 : i32
    %select_n3A = arith.select %eq3A_15, %jit3A, %jit3A_16 : i32
    %sub3A = arith.constant 125 : i32
    %sub3A_17 = arith.subi %sub3A, %select_n3A : i32
    %sub3A_18 = arith.constant 782 : i32
    %sub3A_19 = arith.subi %add3A_13, %sub3A_18 : i32
    %add3A_20 = arith.constant 0 : i32
    %add3A_21 = arith.addi %sub3A_19, %add3A_20 : i32
    %dma_start3A = arith.constant 0 : i32
    %dma_start3A_22 = arith.constant 0 : i32
    %dma_start3A_23 = arith.constant 0 : i32
    %dma_start3A_24 = arith.constant 0 : i32
    %dma_start3A_25 = arith.constant 0 : i32
    %dma_start3A_26 = tpu.memref_slice %arg6[%dma_start3A, %dma_start3A_23, %dma_start3A_24, %dma_start3A_25] : memref<3x26x2x128xi32, #tpu.memory_space<vmem>> -> memref<1x26x2x128xi32, #tpu.memory_space<vmem>>
    %dma_start3A_27 = tpu.memref_squeeze %dma_start3A_26 : memref<1x26x2x128xi32, #tpu.memory_space<vmem>> -> memref<26x2x128xi32, #tpu.memory_space<vmem>>
    %dma_start3A_28 = arith.constant 0 : i32
    %dma_start3A_29 = arith.constant 0 : i32
    %dma_start3A_30 = tpu.memref_slice %arg3[%add3A_21, %dma_start3A_28, %dma_start3A_29] : memref<50000x2x128xi32, #tpu.memory_space<hbm>> -> memref<26x2x128xi32, #tpu.memory_space<hbm>>
    %dma_start3A_31 = tpu.memref_slice %arg10[%dma_start3A_22] : memref<3x!tpu.dma_semaphore, #tpu.memory_space<semaphore_mem>> -> memref<1x!tpu.dma_semaphore, #tpu.memory_space<semaphore_mem>>
    %dma_start3A_32 = tpu.memref_squeeze %dma_start3A_31 : memref<1x!tpu.dma_semaphore, #tpu.memory_space<semaphore_mem>> -> memref<!tpu.dma_semaphore, #tpu.memory_space<semaphore_mem>>
    %dma_start3A_33 = arith.constant 0 : i32
    %dma_start3A_34 = arith.constant 0 : i32
    %dma_start3A_35 = arith.constant 0 : i32
    %dma_start3A_36 = tpu.memref_slice %arg6[%dma_start3A, %dma_start3A_33, %dma_start3A_34, %dma_start3A_35] : memref<3x26x2x128xi32, #tpu.memory_space<vmem>> -> memref<1x26x2x128xi32, #tpu.memory_space<vmem>>
    %dma_start3A_37 = tpu.memref_squeeze %dma_start3A_36 : memref<1x26x2x128xi32, #tpu.memory_space<vmem>> -> memref<26x2x128xi32, #tpu.memory_space<vmem>>
    %dma_start3A_38 = arith.constant 0 : i32
    %dma_start3A_39 = arith.constant 0 : i32
    %dma_start3A_40 = tpu.memref_slice %arg3[%add3A_21, %dma_start3A_38, %dma_start3A_39] : memref<50000x2x128xi32, #tpu.memory_space<hbm>> -> memref<26x2x128xi32, #tpu.memory_space<hbm>>
    tpu.enqueue_dma source(%dma_start3A_40 : memref<26x2x128xi32, #tpu.memory_space<hbm>>) target(%dma_start3A_37 : memref<26x2x128xi32, #tpu.memory_space<vmem>>) target_semaphore(%dma_start3A_32 : memref<!tpu.dma_semaphore, #tpu.memory_space<semaphore_mem>>)
    %sub3A_41 = arith.constant 782 : i32
    %sub3A_42 = arith.subi %add3A_13, %sub3A_41 : i32
    %add3A_43 = arith.constant 25 : i32
    %add3A_44 = arith.addi %sub3A_42, %add3A_43 : i32
    %dma_start3A_45 = arith.constant 1 : i32
    %dma_start3A_46 = arith.constant 1 : i32
    %dma_start3A_47 = arith.constant 0 : i32
    %dma_start3A_48 = arith.constant 0 : i32
    %dma_start3A_49 = arith.constant 0 : i32
    %dma_start3A_50 = tpu.memref_slice %arg6[%dma_start3A_45, %dma_start3A_47, %dma_start3A_48, %dma_start3A_49] : memref<3x26x2x128xi32, #tpu.memory_space<vmem>> -> memref<1x26x2x128xi32, #tpu.memory_space<vmem>>
    %dma_start3A_51 = tpu.memref_squeeze %dma_start3A_50 : memref<1x26x2x128xi32, #tpu.memory_space<vmem>> -> memref<26x2x128xi32, #tpu.memory_space<vmem>>
    %dma_start3A_52 = arith.constant 0 : i32
    %dma_start3A_53 = arith.constant 0 : i32
    %dma_start3A_54 = tpu.memref_slice %arg3[%add3A_44, %dma_start3A_52, %dma_start3A_53] : memref<50000x2x128xi32, #tpu.memory_space<hbm>> -> memref<26x2x128xi32, #tpu.memory_space<hbm>>
    %dma_start3A_55 = tpu.memref_slice %arg10[%dma_start3A_46] : memref<3x!tpu.dma_semaphore, #tpu.memory_space<semaphore_mem>> -> memref<1x!tpu.dma_semaphore, #tpu.memory_space<semaphore_mem>>
    %dma_start3A_56 = tpu.memref_squeeze %dma_start3A_55 : memref<1x!tpu.dma_semaphore, #tpu.memory_space<semaphore_mem>> -> memref<!tpu.dma_semaphore, #tpu.memory_space<semaphore_mem>>
    %dma_start3A_57 = arith.constant 0 : i32
    %dma_start3A_58 = arith.constant 0 : i32
    %dma_start3A_59 = arith.constant 0 : i32
    %dma_start3A_60 = tpu.memref_slice %arg6[%dma_start3A_45, %dma_start3A_57, %dma_start3A_58, %dma_start3A_59] : memref<3x26x2x128xi32, #tpu.memory_space<vmem>> -> memref<1x26x2x128xi32, #tpu.memory_space<vmem>>
    %dma_start3A_61 = tpu.memref_squeeze %dma_start3A_60 : memref<1x26x2x128xi32, #tpu.memory_space<vmem>> -> memref<26x2x128xi32, #tpu.memory_space<vmem>>
    %dma_start3A_62 = arith.constant 0 : i32
    %dma_start3A_63 = arith.constant 0 : i32
    %dma_start3A_64 = tpu.memref_slice %arg3[%add3A_44, %dma_start3A_62, %dma_start3A_63] : memref<50000x2x128xi32, #tpu.memory_space<hbm>> -> memref<26x2x128xi32, #tpu.memory_space<hbm>>
    tpu.enqueue_dma source(%dma_start3A_64 : memref<26x2x128xi32, #tpu.memory_space<hbm>>) target(%dma_start3A_61 : memref<26x2x128xi32, #tpu.memory_space<vmem>>) target_semaphore(%dma_start3A_56 : memref<!tpu.dma_semaphore, #tpu.memory_space<semaphore_mem>>)
    %while3A = arith.constant 0 : i32
    %while3A_65 = arith.constant 0 : i32
    %while3A_66 = arith.subi %sub3A_17, %while3A_65 : i32
    %while3A_67 = arith.addi %while3A_65, %while3A_66 : i32
    %while3A_68 = arith.constant 1 : i32
    %while3A_69 = arith.divsi %while3A_66, %while3A_68 : i32
    %while3A_70 = arith.muli %while3A_69, %while3A_68 : i32
    %while3A_71 = arith.addi %while3A_65, %while3A_70 : i32
    %while3A_72 = arith.constant 1 : i32
    scf.for %while3A_158 = %while3A_65 to %while3A_71 step %while3A_72  : i32 {
      %rem3A_159 = arith.constant 3 : i32
      %rem3A_160 = arith.remsi %while3A_158, %rem3A_159 : i32
      %sub3A_161 = arith.constant 782 : i32
      %sub3A_162 = arith.subi %add3A_13, %sub3A_161 : i32
      %mul3A_163 = arith.constant 25 : i32
      %mul3A_164 = arith.muli %while3A_158, %mul3A_163 : i32
      %add3A_165 = arith.addi %sub3A_162, %mul3A_164 : i32
      %dma_wait3A_166 = arith.constant 0 : i32
      %dma_wait3A_167 = arith.constant 0 : i32
      %dma_wait3A_168 = arith.constant 0 : i32
      %dma_wait3A_169 = tpu.memref_slice %arg6[%rem3A_160, %dma_wait3A_166, %dma_wait3A_167, %dma_wait3A_168] : memref<3x26x2x128xi32, #tpu.memory_space<vmem>> -> memref<1x26x2x128xi32, #tpu.memory_space<vmem>>
      %dma_wait3A_170 = tpu.memref_squeeze %dma_wait3A_169 : memref<1x26x2x128xi32, #tpu.memory_space<vmem>> -> memref<26x2x128xi32, #tpu.memory_space<vmem>>
      %dma_wait3A_171 = arith.constant 0 : i32
      %dma_wait3A_172 = arith.constant 0 : i32
      %dma_wait3A_173 = tpu.memref_slice %arg3[%add3A_165, %dma_wait3A_171, %dma_wait3A_172] : memref<50000x2x128xi32, #tpu.memory_space<hbm>> -> memref<26x2x128xi32, #tpu.memory_space<hbm>>
      %dma_wait3A_174 = tpu.memref_slice %arg10[%rem3A_160] : memref<3x!tpu.dma_semaphore, #tpu.memory_space<semaphore_mem>> -> memref<1x!tpu.dma_semaphore, #tpu.memory_space<semaphore_mem>>
      %dma_wait3A_175 = tpu.memref_squeeze %dma_wait3A_174 : memref<1x!tpu.dma_semaphore, #tpu.memory_space<semaphore_mem>> -> memref<!tpu.dma_semaphore, #tpu.memory_space<semaphore_mem>>
      %dma_wait3A_176 = arith.constant 0 : i32
      %dma_wait3A_177 = arith.constant 0 : i32
      %dma_wait3A_178 = arith.constant 0 : i32
      %dma_wait3A_179 = tpu.memref_slice %arg6[%rem3A_160, %dma_wait3A_176, %dma_wait3A_177, %dma_wait3A_178] : memref<3x26x2x128xi32, #tpu.memory_space<vmem>> -> memref<1x26x2x128xi32, #tpu.memory_space<vmem>>
      %dma_wait3A_180 = tpu.memref_squeeze %dma_wait3A_179 : memref<1x26x2x128xi32, #tpu.memory_space<vmem>> -> memref<26x2x128xi32, #tpu.memory_space<vmem>>
      %dma_wait3A_181 = arith.constant 0 : i32
      %dma_wait3A_182 = arith.constant 0 : i32
      %dma_wait3A_183 = tpu.memref_slice %arg3[%add3A_165, %dma_wait3A_181, %dma_wait3A_182] : memref<50000x2x128xi32, #tpu.memory_space<hbm>> -> memref<26x2x128xi32, #tpu.memory_space<hbm>>
      tpu.wait_dma2 semaphore(%dma_wait3A_175 : memref<!tpu.dma_semaphore, #tpu.memory_space<semaphore_mem>>) src(%dma_wait3A_183 : memref<26x2x128xi32, #tpu.memory_space<hbm>>) dst(%dma_wait3A_180 : memref<26x2x128xi32, #tpu.memory_space<vmem>>)
      %add3A_184 = arith.constant 2 : i32
      %add3A_185 = arith.addi %while3A_158, %add3A_184 : i32
      %lt3A = arith.cmpi slt, %add3A_185, %sub3A_17 : i32
      %convert_element_type3A_186 = arith.extui %lt3A : i1 to i32
      %cond3A_187 = arith.constant 0 : i32
      %cond3A_188 = arith.cmpi ne, %convert_element_type3A_186, %cond3A_187 : i32
      scf.if %cond3A_188 {
        %add3A_214 = arith.constant 2 : i32
        %add3A_215 = arith.addi %while3A_158, %add3A_214 : i32
        %add3A_216 = arith.constant 2 : i32
        %add3A_217 = arith.addi %while3A_158, %add3A_216 : i32
        %rem3A_218 = arith.constant 3 : i32
        %rem3A_219 = arith.remsi %add3A_217, %rem3A_218 : i32
        %sub3A_220 = arith.constant 782 : i32
        %sub3A_221 = arith.subi %add3A_13, %sub3A_220 : i32
        %mul3A_222 = arith.constant 25 : i32
        %mul3A_223 = arith.muli %add3A_215, %mul3A_222 : i32
        %add3A_224 = arith.addi %sub3A_221, %mul3A_223 : i32
        %dma_start3A_225 = arith.constant 0 : i32
        %dma_start3A_226 = arith.constant 0 : i32
        %dma_start3A_227 = arith.constant 0 : i32
        %dma_start3A_228 = tpu.memref_slice %arg6[%rem3A_219, %dma_start3A_225, %dma_start3A_226, %dma_start3A_227] : memref<3x26x2x128xi32, #tpu.memory_space<vmem>> -> memref<1x26x2x128xi32, #tpu.memory_space<vmem>>
        %dma_start3A_229 = tpu.memref_squeeze %dma_start3A_228 : memref<1x26x2x128xi32, #tpu.memory_space<vmem>> -> memref<26x2x128xi32, #tpu.memory_space<vmem>>
        %dma_start3A_230 = arith.constant 0 : i32
        %dma_start3A_231 = arith.constant 0 : i32
        %dma_start3A_232 = tpu.memref_slice %arg3[%add3A_224, %dma_start3A_230, %dma_start3A_231] : memref<50000x2x128xi32, #tpu.memory_space<hbm>> -> memref<26x2x128xi32, #tpu.memory_space<hbm>>
        %dma_start3A_233 = tpu.memref_slice %arg10[%rem3A_219] : memref<3x!tpu.dma_semaphore, #tpu.memory_space<semaphore_mem>> -> memref<1x!tpu.dma_semaphore, #tpu.memory_space<semaphore_mem>>
        %dma_start3A_234 = tpu.memref_squeeze %dma_start3A_233 : memref<1x!tpu.dma_semaphore, #tpu.memory_space<semaphore_mem>> -> memref<!tpu.dma_semaphore, #tpu.memory_space<semaphore_mem>>
        %dma_start3A_235 = arith.constant 0 : i32
        %dma_start3A_236 = arith.constant 0 : i32
        %dma_start3A_237 = arith.constant 0 : i32
        %dma_start3A_238 = tpu.memref_slice %arg6[%rem3A_219, %dma_start3A_235, %dma_start3A_236, %dma_start3A_237] : memref<3x26x2x128xi32, #tpu.memory_space<vmem>> -> memref<1x26x2x128xi32, #tpu.memory_space<vmem>>
        %dma_start3A_239 = tpu.memref_squeeze %dma_start3A_238 : memref<1x26x2x128xi32, #tpu.memory_space<vmem>> -> memref<26x2x128xi32, #tpu.memory_space<vmem>>
        %dma_start3A_240 = arith.constant 0 : i32
        %dma_start3A_241 = arith.constant 0 : i32
        %dma_start3A_242 = tpu.memref_slice %arg3[%add3A_224, %dma_start3A_240, %dma_start3A_241] : memref<50000x2x128xi32, #tpu.memory_space<hbm>> -> memref<26x2x128xi32, #tpu.memory_space<hbm>>
        tpu.enqueue_dma source(%dma_start3A_242 : memref<26x2x128xi32, #tpu.memory_space<hbm>>) target(%dma_start3A_239 : memref<26x2x128xi32, #tpu.memory_space<vmem>>) target_semaphore(%dma_start3A_234 : memref<!tpu.dma_semaphore, #tpu.memory_space<semaphore_mem>>)
      } else {
      }
      %ge3A = arith.constant 3 : i32
      %ge3A_189 = arith.cmpi sge, %while3A_158, %ge3A : i32
      %convert_element_type3A_190 = arith.extui %ge3A_189 : i1 to i32
      %cond3A_191 = arith.constant 0 : i32
      %cond3A_192 = arith.cmpi ne, %convert_element_type3A_190, %cond3A_191 : i32
      scf.if %cond3A_192 {
        %sub3A_214 = arith.constant 3 : i32
        %sub3A_215 = arith.subi %while3A_158, %sub3A_214 : i32
        %mul3A_216 = arith.constant 25 : i32
        %mul3A_217 = arith.muli %sub3A_215, %mul3A_216 : i32
        %add3A_218 = arith.addi %add3A_13, %mul3A_217 : i32
        %dma_wait3A_219 = arith.constant 0 : i32
        %dma_wait3A_220 = arith.constant 0 : i32
        %dma_wait3A_221 = arith.constant 0 : i32
        %dma_wait3A_222 = tpu.memref_slice %arg7[%rem3A_160, %dma_wait3A_219, %dma_wait3A_220, %dma_wait3A_221] : memref<3x25x1x128xf32, #tpu.memory_space<vmem>> -> memref<1x25x1x128xf32, #tpu.memory_space<vmem>>
        %dma_wait3A_223 = tpu.memref_squeeze %dma_wait3A_222 : memref<1x25x1x128xf32, #tpu.memory_space<vmem>> -> memref<25x1x128xf32, #tpu.memory_space<vmem>>
        %dma_wait3A_224 = arith.constant 0 : i32
        %dma_wait3A_225 = tpu.memref_slice %arg4[%add3A_218, %arg0, %dma_wait3A_224] : memref<50782x2x128xf32, #tpu.memory_space<hbm>> -> memref<25x1x128xf32, #tpu.memory_space<hbm>>
        %dma_wait3A_226 = tpu.memref_slice %arg11[%rem3A_160] : memref<3x!tpu.dma_semaphore, #tpu.memory_space<semaphore_mem>> -> memref<1x!tpu.dma_semaphore, #tpu.memory_space<semaphore_mem>>
        %dma_wait3A_227 = tpu.memref_squeeze %dma_wait3A_226 : memref<1x!tpu.dma_semaphore, #tpu.memory_space<semaphore_mem>> -> memref<!tpu.dma_semaphore, #tpu.memory_space<semaphore_mem>>
        %dma_wait3A_228 = arith.constant 0 : i32
        %dma_wait3A_229 = tpu.memref_slice %arg4[%add3A_218, %arg0, %dma_wait3A_228] : memref<50782x2x128xf32, #tpu.memory_space<hbm>> -> memref<25x1x128xf32, #tpu.memory_space<hbm>>
        %dma_wait3A_230 = arith.constant 0 : i32
        %dma_wait3A_231 = arith.constant 0 : i32
        %dma_wait3A_232 = arith.constant 0 : i32
        %dma_wait3A_233 = tpu.memref_slice %arg7[%rem3A_160, %dma_wait3A_230, %dma_wait3A_231, %dma_wait3A_232] : memref<3x25x1x128xf32, #tpu.memory_space<vmem>> -> memref<1x25x1x128xf32, #tpu.memory_space<vmem>>
        %dma_wait3A_234 = tpu.memref_squeeze %dma_wait3A_233 : memref<1x25x1x128xf32, #tpu.memory_space<vmem>> -> memref<25x1x128xf32, #tpu.memory_space<vmem>>
        tpu.wait_dma2 semaphore(%dma_wait3A_227 : memref<!tpu.dma_semaphore, #tpu.memory_space<semaphore_mem>>) src(%dma_wait3A_234 : memref<25x1x128xf32, #tpu.memory_space<vmem>>) dst(%dma_wait3A_229 : memref<25x1x128xf32, #tpu.memory_space<hbm>>)
      } else {
      }
      %parallel_loop3A = arith.constant 0 : i32
      %parallel_loop3A_193 = arith.constant 25 : i32
      %parallel_loop3A_194 = arith.constant 1 : i32
      scf.for %parallel_loop3A_214 = %parallel_loop3A to %parallel_loop3A_193 step %parallel_loop3A_194  : i32 {
        %parallel_loop3A_215 = arith.constant 0 : i32
        %parallel_loop3A_216 = arith.addi %parallel_loop3A_214, %parallel_loop3A_215 : i32
        %parallel_loop3A_217 = arith.constant 0 : i32
        %parallel_loop3A_218 = arith.constant 0 : i32
        %parallel_loop3A_219 = arith.constant 0 : i32
        %parallel_loop3A_220 = arith.constant 0 : i32
        %parallel_loop3A_221 = tpu.memref_slice %arg6[%rem3A_160, %parallel_loop3A_218, %parallel_loop3A_219, %parallel_loop3A_220] : memref<3x26x2x128xi32, #tpu.memory_space<vmem>> -> memref<1x26x2x128xi32, #tpu.memory_space<vmem>>
        %parallel_loop3A_222 = tpu.memref_squeeze %parallel_loop3A_221 : memref<1x26x2x128xi32, #tpu.memory_space<vmem>> -> memref<26x2x128xi32, #tpu.memory_space<vmem>>
        %parallel_loop3A_223 = arith.index_cast %parallel_loop3A_216 : i32 to index
        %parallel_loop3A_224 = arith.index_cast %parallel_loop3A_217 : i32 to index
        %parallel_loop3A_225 = arith.constant 96 : index
        %parallel_loop3A_226 = tpu.vector_load %parallel_loop3A_222[%parallel_loop3A_223, %parallel_loop3A_224, %parallel_loop3A_225] {strides = array<i32>} : memref<26x2x128xi32, #tpu.memory_space<vmem>>, vector<16xi32>,
        %parallel_loop3A_227 = arith.constant 0 : i32
        %parallel_loop3A_228 = arith.addi %parallel_loop3A_214, %parallel_loop3A_227 : i32
        %parallel_loop3A_229 = arith.constant 1 : i32
        %parallel_loop3A_230 = arith.constant 0 : i32
        %parallel_loop3A_231 = arith.constant 0 : i32
        %parallel_loop3A_232 = arith.constant 0 : i32
        %parallel_loop3A_233 = tpu.memref_slice %arg6[%rem3A_160, %parallel_loop3A_230, %parallel_loop3A_231, %parallel_loop3A_232] : memref<3x26x2x128xi32, #tpu.memory_space<vmem>> -> memref<1x26x2x128xi32, #tpu.memory_space<vmem>>
        %parallel_loop3A_234 = tpu.memref_squeeze %parallel_loop3A_233 : memref<1x26x2x128xi32, #tpu.memory_space<vmem>> -> memref<26x2x128xi32, #tpu.memory_space<vmem>>
        %parallel_loop3A_235 = arith.index_cast %parallel_loop3A_228 : i32 to index
        %parallel_loop3A_236 = arith.index_cast %parallel_loop3A_229 : i32 to index
        %parallel_loop3A_237 = arith.constant 96 : index
        %parallel_loop3A_238 = tpu.vector_load %parallel_loop3A_234[%parallel_loop3A_235, %parallel_loop3A_236, %parallel_loop3A_237] {strides = array<i32>} : memref<26x2x128xi32, #tpu.memory_space<vmem>>, vector<16xi32>,
        %parallel_loop3A_239 = tpu.vector_load_idx %arg5[%parallel_loop3A_226] : memref<100000xf32, #tpu.memory_space<vmem>>[vector<16xi32>], vector<16xf32>,
        %parallel_loop3A_240 = tpu.vector_load_idx %arg5[%parallel_loop3A_238] : memref<100000xf32, #tpu.memory_space<vmem>>[vector<16xi32>], vector<16xf32>,
        %parallel_loop3A_241 = arith.maximumf %parallel_loop3A_239, %parallel_loop3A_240 : vector<16xf32>
        %parallel_loop3A_242 = arith.constant 9.99999974E-5 : f32
        %parallel_loop3A_243 = vector.broadcast %parallel_loop3A_242 : f32 to vector<16xf32>
        %parallel_loop3A_244 = arith.addf %parallel_loop3A_241, %parallel_loop3A_243 : vector<16xf32>
        %parallel_loop3A_245 = arith.constant 0 : i32
        %parallel_loop3A_246 = arith.constant 0 : i32
        %parallel_loop3A_247 = arith.constant 0 : i32
        %parallel_loop3A_248 = arith.constant 0 : i32
        %parallel_loop3A_249 = tpu.memref_slice %arg7[%rem3A_160, %parallel_loop3A_246, %parallel_loop3A_247, %parallel_loop3A_248] : memref<3x25x1x128xf32, #tpu.memory_space<vmem>> -> memref<1x25x1x128xf32, #tpu.memory_space<vmem>>
        %parallel_loop3A_250 = tpu.memref_squeeze %parallel_loop3A_249 : memref<1x25x1x128xf32, #tpu.memory_space<vmem>> -> memref<25x1x128xf32, #tpu.memory_space<vmem>>
        %parallel_loop3A_251 = arith.index_cast %parallel_loop3A_214 : i32 to index
        %parallel_loop3A_252 = arith.index_cast %parallel_loop3A_245 : i32 to index
        %parallel_loop3A_253 = arith.constant 0 : index
        %parallel_loop3A_254 = tpu.vector_load %parallel_loop3A_250[%parallel_loop3A_251, %parallel_loop3A_252, %parallel_loop3A_253] {strides = array<i32>} : memref<25x1x128xf32, #tpu.memory_space<vmem>>, vector<16xf32>,
        tpu.vector_store %parallel_loop3A_250[%parallel_loop3A_251, %parallel_loop3A_252, %parallel_loop3A_253], %parallel_loop3A_244 {strides = array<i32>} : memref<25x1x128xf32, #tpu.memory_space<vmem>>, vector<16xf32>,
        %parallel_loop3A_255 = arith.constant 0 : i32
        %parallel_loop3A_256 = arith.addi %parallel_loop3A_214, %parallel_loop3A_255 : i32
        %parallel_loop3A_257 = arith.constant 0 : i32
        %parallel_loop3A_258 = arith.constant 0 : i32
        %parallel_loop3A_259 = arith.constant 0 : i32
        %parallel_loop3A_260 = arith.constant 0 : i32
        %parallel_loop3A_261 = tpu.memref_slice %arg6[%rem3A_160, %parallel_loop3A_258, %parallel_loop3A_259, %parallel_loop3A_260] : memref<3x26x2x128xi32, #tpu.memory_space<vmem>> -> memref<1x26x2x128xi32, #tpu.memory_space<vmem>>
        %parallel_loop3A_262 = tpu.memref_squeeze %parallel_loop3A_261 : memref<1x26x2x128xi32, #tpu.memory_space<vmem>> -> memref<26x2x128xi32, #tpu.memory_space<vmem>>
        %parallel_loop3A_263 = arith.index_cast %parallel_loop3A_256 : i32 to index
        %parallel_loop3A_264 = arith.index_cast %parallel_loop3A_257 : i32 to index
        %parallel_loop3A_265 = arith.constant 112 : index
        %parallel_loop3A_266 = tpu.vector_load %parallel_loop3A_262[%parallel_loop3A_263, %parallel_loop3A_264, %parallel_loop3A_265] {strides = array<i32>} : memref<26x2x128xi32, #tpu.memory_space<vmem>>, vector<16xi32>,
        %parallel_loop3A_267 = arith.constant 0 : i32
        %parallel_loop3A_268 = arith.addi %parallel_loop3A_214, %parallel_loop3A_267 : i32
        %parallel_loop3A_269 = arith.constant 1 : i32
        %parallel_loop3A_270 = arith.constant 0 : i32
        %parallel_loop3A_271 = arith.constant 0 : i32
        %parallel_loop3A_272 = arith.constant 0 : i32
        %parallel_loop3A_273 = tpu.memref_slice %arg6[%rem3A_160, %parallel_loop3A_270, %parallel_loop3A_271, %parallel_loop3A_272] : memref<3x26x2x128xi32, #tpu.memory_space<vmem>> -> memref<1x26x2x128xi32, #tpu.memory_space<vmem>>
        %parallel_loop3A_274 = tpu.memref_squeeze %parallel_loop3A_273 : memref<1x26x2x128xi32, #tpu.memory_space<vmem>> -> memref<26x2x128xi32, #tpu.memory_space<vmem>>
        %parallel_loop3A_275 = arith.index_cast %parallel_loop3A_268 : i32 to index
        %parallel_loop3A_276 = arith.index_cast %parallel_loop3A_269 : i32 to index
        %parallel_loop3A_277 = arith.constant 112 : index
        %parallel_loop3A_278 = tpu.vector_load %parallel_loop3A_274[%parallel_loop3A_275, %parallel_loop3A_276, %parallel_loop3A_277] {strides = array<i32>} : memref<26x2x128xi32, #tpu.memory_space<vmem>>, vector<16xi32>,
        %parallel_loop3A_279 = tpu.vector_load_idx %arg5[%parallel_loop3A_266] : memref<100000xf32, #tpu.memory_space<vmem>>[vector<16xi32>], vector<16xf32>,
        %parallel_loop3A_280 = tpu.vector_load_idx %arg5[%parallel_loop3A_278] : memref<100000xf32, #tpu.memory_space<vmem>>[vector<16xi32>], vector<16xf32>,
        %parallel_loop3A_281 = arith.maximumf %parallel_loop3A_279, %parallel_loop3A_280 : vector<16xf32>
        %parallel_loop3A_282 = arith.constant 9.99999974E-5 : f32
        %parallel_loop3A_283 = vector.broadcast %parallel_loop3A_282 : f32 to vector<16xf32>
        %parallel_loop3A_284 = arith.addf %parallel_loop3A_281, %parallel_loop3A_283 : vector<16xf32>
        %parallel_loop3A_285 = arith.constant 0 : i32
        %parallel_loop3A_286 = arith.constant 0 : i32
        %parallel_loop3A_287 = arith.constant 0 : i32
        %parallel_loop3A_288 = arith.constant 0 : i32
        %parallel_loop3A_289 = tpu.memref_slice %arg7[%rem3A_160, %parallel_loop3A_286, %parallel_loop3A_287, %parallel_loop3A_288] : memref<3x25x1x128xf32, #tpu.memory_space<vmem>> -> memref<1x25x1x128xf32, #tpu.memory_space<vmem>>
        %parallel_loop3A_290 = tpu.memref_squeeze %parallel_loop3A_289 : memref<1x25x1x128xf32, #tpu.memory_space<vmem>> -> memref<25x1x128xf32, #tpu.memory_space<vmem>>
        %parallel_loop3A_291 = arith.index_cast %parallel_loop3A_214 : i32 to index
        %parallel_loop3A_292 = arith.index_cast %parallel_loop3A_285 : i32 to index
        %parallel_loop3A_293 = arith.constant 16 : index
        %parallel_loop3A_294 = tpu.vector_load %parallel_loop3A_290[%parallel_loop3A_291, %parallel_loop3A_292, %parallel_loop3A_293] {strides = array<i32>} : memref<25x1x128xf32, #tpu.memory_space<vmem>>, vector<16xf32>,
        tpu.vector_store %parallel_loop3A_290[%parallel_loop3A_291, %parallel_loop3A_292, %parallel_loop3A_293], %parallel_loop3A_284 {strides = array<i32>} : memref<25x1x128xf32, #tpu.memory_space<vmem>>, vector<16xf32>,
        %parallel_loop3A_295 = arith.constant 1 : i32
        %parallel_loop3A_296 = arith.addi %parallel_loop3A_214, %parallel_loop3A_295 : i32
        %parallel_loop3A_297 = arith.constant 0 : i32
        %parallel_loop3A_298 = arith.constant 0 : i32
        %parallel_loop3A_299 = arith.constant 0 : i32
        %parallel_loop3A_300 = arith.constant 0 : i32
        %parallel_loop3A_301 = tpu.memref_slice %arg6[%rem3A_160, %parallel_loop3A_298, %parallel_loop3A_299, %parallel_loop3A_300] : memref<3x26x2x128xi32, #tpu.memory_space<vmem>> -> memref<1x26x2x128xi32, #tpu.memory_space<vmem>>
        %parallel_loop3A_302 = tpu.memref_squeeze %parallel_loop3A_301 : memref<1x26x2x128xi32, #tpu.memory_space<vmem>> -> memref<26x2x128xi32, #tpu.memory_space<vmem>>
        %parallel_loop3A_303 = arith.index_cast %parallel_loop3A_296 : i32 to index
        %parallel_loop3A_304 = arith.index_cast %parallel_loop3A_297 : i32 to index
        %parallel_loop3A_305 = arith.constant 0 : index
        %parallel_loop3A_306 = tpu.vector_load %parallel_loop3A_302[%parallel_loop3A_303, %parallel_loop3A_304, %parallel_loop3A_305] {strides = array<i32>} : memref<26x2x128xi32, #tpu.memory_space<vmem>>, vector<16xi32>,
        %parallel_loop3A_307 = arith.constant 1 : i32
        %parallel_loop3A_308 = arith.addi %parallel_loop3A_214, %parallel_loop3A_307 : i32
        %parallel_loop3A_309 = arith.constant 1 : i32
        %parallel_loop3A_310 = arith.constant 0 : i32
        %parallel_loop3A_311 = arith.constant 0 : i32
        %parallel_loop3A_312 = arith.constant 0 : i32
        %parallel_loop3A_313 = tpu.memref_slice %arg6[%rem3A_160, %parallel_loop3A_310, %parallel_loop3A_311, %parallel_loop3A_312] : memref<3x26x2x128xi32, #tpu.memory_space<vmem>> -> memref<1x26x2x128xi32, #tpu.memory_space<vmem>>
        %parallel_loop3A_314 = tpu.memref_squeeze %parallel_loop3A_313 : memref<1x26x2x128xi32, #tpu.memory_space<vmem>> -> memref<26x2x128xi32, #tpu.memory_space<vmem>>
        %parallel_loop3A_315 = arith.index_cast %parallel_loop3A_308 : i32 to index
        %parallel_loop3A_316 = arith.index_cast %parallel_loop3A_309 : i32 to index
        %parallel_loop3A_317 = arith.constant 0 : index
        %parallel_loop3A_318 = tpu.vector_load %parallel_loop3A_314[%parallel_loop3A_315, %parallel_loop3A_316, %parallel_loop3A_317] {strides = array<i32>} : memref<26x2x128xi32, #tpu.memory_space<vmem>>, vector<16xi32>,
        %parallel_loop3A_319 = tpu.vector_load_idx %arg5[%parallel_loop3A_306] : memref<100000xf32, #tpu.memory_space<vmem>>[vector<16xi32>], vector<16xf32>,
        %parallel_loop3A_320 = tpu.vector_load_idx %arg5[%parallel_loop3A_318] : memref<100000xf32, #tpu.memory_space<vmem>>[vector<16xi32>], vector<16xf32>,
        %parallel_loop3A_321 = arith.maximumf %parallel_loop3A_319, %parallel_loop3A_320 : vector<16xf32>
        %parallel_loop3A_322 = arith.constant 9.99999974E-5 : f32
        %parallel_loop3A_323 = vector.broadcast %parallel_loop3A_322 : f32 to vector<16xf32>
        %parallel_loop3A_324 = arith.addf %parallel_loop3A_321, %parallel_loop3A_323 : vector<16xf32>
        %parallel_loop3A_325 = arith.constant 0 : i32
        %parallel_loop3A_326 = arith.constant 0 : i32
        %parallel_loop3A_327 = arith.constant 0 : i32
        %parallel_loop3A_328 = arith.constant 0 : i32
        %parallel_loop3A_329 = tpu.memref_slice %arg7[%rem3A_160, %parallel_loop3A_326, %parallel_loop3A_327, %parallel_loop3A_328] : memref<3x25x1x128xf32, #tpu.memory_space<vmem>> -> memref<1x25x1x128xf32, #tpu.memory_space<vmem>>
        %parallel_loop3A_330 = tpu.memref_squeeze %parallel_loop3A_329 : memref<1x25x1x128xf32, #tpu.memory_space<vmem>> -> memref<25x1x128xf32, #tpu.memory_space<vmem>>
        %parallel_loop3A_331 = arith.index_cast %parallel_loop3A_214 : i32 to index
        %parallel_loop3A_332 = arith.index_cast %parallel_loop3A_325 : i32 to index
        %parallel_loop3A_333 = arith.constant 32 : index
        %parallel_loop3A_334 = tpu.vector_load %parallel_loop3A_330[%parallel_loop3A_331, %parallel_loop3A_332, %parallel_loop3A_333] {strides = array<i32>} : memref<25x1x128xf32, #tpu.memory_space<vmem>>, vector<16xf32>,
        tpu.vector_store %parallel_loop3A_330[%parallel_loop3A_331, %parallel_loop3A_332, %parallel_loop3A_333], %parallel_loop3A_324 {strides = array<i32>} : memref<25x1x128xf32, #tpu.memory_space<vmem>>, vector<16xf32>,
        %parallel_loop3A_335 = arith.constant 1 : i32
        %parallel_loop3A_336 = arith.addi %parallel_loop3A_214, %parallel_loop3A_335 : i32
        %parallel_loop3A_337 = arith.constant 0 : i32
        %parallel_loop3A_338 = arith.constant 0 : i32
        %parallel_loop3A_339 = arith.constant 0 : i32
        %parallel_loop3A_340 = arith.constant 0 : i32
        %parallel_loop3A_341 = tpu.memref_slice %arg6[%rem3A_160, %parallel_loop3A_338, %parallel_loop3A_339, %parallel_loop3A_340] : memref<3x26x2x128xi32, #tpu.memory_space<vmem>> -> memref<1x26x2x128xi32, #tpu.memory_space<vmem>>
        %parallel_loop3A_342 = tpu.memref_squeeze %parallel_loop3A_341 : memref<1x26x2x128xi32, #tpu.memory_space<vmem>> -> memref<26x2x128xi32, #tpu.memory_space<vmem>>
        %parallel_loop3A_343 = arith.index_cast %parallel_loop3A_336 : i32 to index
        %parallel_loop3A_344 = arith.index_cast %parallel_loop3A_337 : i32 to index
        %parallel_loop3A_345 = arith.constant 16 : index
        %parallel_loop3A_346 = tpu.vector_load %parallel_loop3A_342[%parallel_loop3A_343, %parallel_loop3A_344, %parallel_loop3A_345] {strides = array<i32>} : memref<26x2x128xi32, #tpu.memory_space<vmem>>, vector<16xi32>,
        %parallel_loop3A_347 = arith.constant 1 : i32
        %parallel_loop3A_348 = arith.addi %parallel_loop3A_214, %parallel_loop3A_347 : i32
        %parallel_loop3A_349 = arith.constant 1 : i32
        %parallel_loop3A_350 = arith.constant 0 : i32
        %parallel_loop3A_351 = arith.constant 0 : i32
        %parallel_loop3A_352 = arith.constant 0 : i32
        %parallel_loop3A_353 = tpu.memref_slice %arg6[%rem3A_160, %parallel_loop3A_350, %parallel_loop3A_351, %parallel_loop3A_352] : memref<3x26x2x128xi32, #tpu.memory_space<vmem>> -> memref<1x26x2x128xi32, #tpu.memory_space<vmem>>
        %parallel_loop3A_354 = tpu.memref_squeeze %parallel_loop3A_353 : memref<1x26x2x128xi32, #tpu.memory_space<vmem>> -> memref<26x2x128xi32, #tpu.memory_space<vmem>>
        %parallel_loop3A_355 = arith.index_cast %parallel_loop3A_348 : i32 to index
        %parallel_loop3A_356 = arith.index_cast %parallel_loop3A_349 : i32 to index
        %parallel_loop3A_357 = arith.constant 16 : index
        %parallel_loop3A_358 = tpu.vector_load %parallel_loop3A_354[%parallel_loop3A_355, %parallel_loop3A_356, %parallel_loop3A_357] {strides = array<i32>} : memref<26x2x128xi32, #tpu.memory_space<vmem>>, vector<16xi32>,
        %parallel_loop3A_359 = tpu.vector_load_idx %arg5[%parallel_loop3A_346] : memref<100000xf32, #tpu.memory_space<vmem>>[vector<16xi32>], vector<16xf32>,
        %parallel_loop3A_360 = tpu.vector_load_idx %arg5[%parallel_loop3A_358] : memref<100000xf32, #tpu.memory_space<vmem>>[vector<16xi32>], vector<16xf32>,
        %parallel_loop3A_361 = arith.maximumf %parallel_loop3A_359, %parallel_loop3A_360 : vector<16xf32>
        %parallel_loop3A_362 = arith.constant 9.99999974E-5 : f32
        %parallel_loop3A_363 = vector.broadcast %parallel_loop3A_362 : f32 to vector<16xf32>
        %parallel_loop3A_364 = arith.addf %parallel_loop3A_361, %parallel_loop3A_363 : vector<16xf32>
        %parallel_loop3A_365 = arith.constant 0 : i32
        %parallel_loop3A_366 = arith.constant 0 : i32
        %parallel_loop3A_367 = arith.constant 0 : i32
        %parallel_loop3A_368 = arith.constant 0 : i32
        %parallel_loop3A_369 = tpu.memref_slice %arg7[%rem3A_160, %parallel_loop3A_366, %parallel_loop3A_367, %parallel_loop3A_368] : memref<3x25x1x128xf32, #tpu.memory_space<vmem>> -> memref<1x25x1x128xf32, #tpu.memory_space<vmem>>
        %parallel_loop3A_370 = tpu.memref_squeeze %parallel_loop3A_369 : memref<1x25x1x128xf32, #tpu.memory_space<vmem>> -> memref<25x1x128xf32, #tpu.memory_space<vmem>>
        %parallel_loop3A_371 = arith.index_cast %parallel_loop3A_214 : i32 to index
        %parallel_loop3A_372 = arith.index_cast %parallel_loop3A_365 : i32 to index
        %parallel_loop3A_373 = arith.constant 48 : index
        %parallel_loop3A_374 = tpu.vector_load %parallel_loop3A_370[%parallel_loop3A_371, %parallel_loop3A_372, %parallel_loop3A_373] {strides = array<i32>} : memref<25x1x128xf32, #tpu.memory_space<vmem>>, vector<16xf32>,
        tpu.vector_store %parallel_loop3A_370[%parallel_loop3A_371, %parallel_loop3A_372, %parallel_loop3A_373], %parallel_loop3A_364 {strides = array<i32>} : memref<25x1x128xf32, #tpu.memory_space<vmem>>, vector<16xf32>,
        %parallel_loop3A_375 = arith.constant 1 : i32
        %parallel_loop3A_376 = arith.addi %parallel_loop3A_214, %parallel_loop3A_375 : i32
        %parallel_loop3A_377 = arith.constant 0 : i32
        %parallel_loop3A_378 = arith.constant 0 : i32
        %parallel_loop3A_379 = arith.constant 0 : i32
        %parallel_loop3A_380 = arith.constant 0 : i32
        %parallel_loop3A_381 = tpu.memref_slice %arg6[%rem3A_160, %parallel_loop3A_378, %parallel_loop3A_379, %parallel_loop3A_380] : memref<3x26x2x128xi32, #tpu.memory_space<vmem>> -> memref<1x26x2x128xi32, #tpu.memory_space<vmem>>
        %parallel_loop3A_382 = tpu.memref_squeeze %parallel_loop3A_381 : memref<1x26x2x128xi32, #tpu.memory_space<vmem>> -> memref<26x2x128xi32, #tpu.memory_space<vmem>>
        %parallel_loop3A_383 = arith.index_cast %parallel_loop3A_376 : i32 to index
        %parallel_loop3A_384 = arith.index_cast %parallel_loop3A_377 : i32 to index
        %parallel_loop3A_385 = arith.constant 32 : index
        %parallel_loop3A_386 = tpu.vector_load %parallel_loop3A_382[%parallel_loop3A_383, %parallel_loop3A_384, %parallel_loop3A_385] {strides = array<i32>} : memref<26x2x128xi32, #tpu.memory_space<vmem>>, vector<16xi32>,
        %parallel_loop3A_387 = arith.constant 1 : i32
        %parallel_loop3A_388 = arith.addi %parallel_loop3A_214, %parallel_loop3A_387 : i32
        %parallel_loop3A_389 = arith.constant 1 : i32
        %parallel_loop3A_390 = arith.constant 0 : i32
        %parallel_loop3A_391 = arith.constant 0 : i32
        %parallel_loop3A_392 = arith.constant 0 : i32
        %parallel_loop3A_393 = tpu.memref_slice %arg6[%rem3A_160, %parallel_loop3A_390, %parallel_loop3A_391, %parallel_loop3A_392] : memref<3x26x2x128xi32, #tpu.memory_space<vmem>> -> memref<1x26x2x128xi32, #tpu.memory_space<vmem>>
        %parallel_loop3A_394 = tpu.memref_squeeze %parallel_loop3A_393 : memref<1x26x2x128xi32, #tpu.memory_space<vmem>> -> memref<26x2x128xi32, #tpu.memory_space<vmem>>
        %parallel_loop3A_395 = arith.index_cast %parallel_loop3A_388 : i32 to index
        %parallel_loop3A_396 = arith.index_cast %parallel_loop3A_389 : i32 to index
        %parallel_loop3A_397 = arith.constant 32 : index
        %parallel_loop3A_398 = tpu.vector_load %parallel_loop3A_394[%parallel_loop3A_395, %parallel_loop3A_396, %parallel_loop3A_397] {strides = array<i32>} : memref<26x2x128xi32, #tpu.memory_space<vmem>>, vector<16xi32>,
        %parallel_loop3A_399 = tpu.vector_load_idx %arg5[%parallel_loop3A_386] : memref<100000xf32, #tpu.memory_space<vmem>>[vector<16xi32>], vector<16xf32>,
        %parallel_loop3A_400 = tpu.vector_load_idx %arg5[%parallel_loop3A_398] : memref<100000xf32, #tpu.memory_space<vmem>>[vector<16xi32>], vector<16xf32>,
        %parallel_loop3A_401 = arith.maximumf %parallel_loop3A_399, %parallel_loop3A_400 : vector<16xf32>
        %parallel_loop3A_402 = arith.constant 9.99999974E-5 : f32
        %parallel_loop3A_403 = vector.broadcast %parallel_loop3A_402 : f32 to vector<16xf32>
        %parallel_loop3A_404 = arith.addf %parallel_loop3A_401, %parallel_loop3A_403 : vector<16xf32>
        %parallel_loop3A_405 = arith.constant 0 : i32
        %parallel_loop3A_406 = arith.constant 0 : i32
        %parallel_loop3A_407 = arith.constant 0 : i32
        %parallel_loop3A_408 = arith.constant 0 : i32
        %parallel_loop3A_409 = tpu.memref_slice %arg7[%rem3A_160, %parallel_loop3A_406, %parallel_loop3A_407, %parallel_loop3A_408] : memref<3x25x1x128xf32, #tpu.memory_space<vmem>> -> memref<1x25x1x128xf32, #tpu.memory_space<vmem>>
        %parallel_loop3A_410 = tpu.memref_squeeze %parallel_loop3A_409 : memref<1x25x1x128xf32, #tpu.memory_space<vmem>> -> memref<25x1x128xf32, #tpu.memory_space<vmem>>
        %parallel_loop3A_411 = arith.index_cast %parallel_loop3A_214 : i32 to index
        %parallel_loop3A_412 = arith.index_cast %parallel_loop3A_405 : i32 to index
        %parallel_loop3A_413 = arith.constant 64 : index
        %parallel_loop3A_414 = tpu.vector_load %parallel_loop3A_410[%parallel_loop3A_411, %parallel_loop3A_412, %parallel_loop3A_413] {strides = array<i32>} : memref<25x1x128xf32, #tpu.memory_space<vmem>>, vector<16xf32>,
        tpu.vector_store %parallel_loop3A_410[%parallel_loop3A_411, %parallel_loop3A_412, %parallel_loop3A_413], %parallel_loop3A_404 {strides = array<i32>} : memref<25x1x128xf32, #tpu.memory_space<vmem>>, vector<16xf32>,
        %parallel_loop3A_415 = arith.constant 1 : i32
        %parallel_loop3A_416 = arith.addi %parallel_loop3A_214, %parallel_loop3A_415 : i32
        %parallel_loop3A_417 = arith.constant 0 : i32
        %parallel_loop3A_418 = arith.constant 0 : i32
        %parallel_loop3A_419 = arith.constant 0 : i32
        %parallel_loop3A_420 = arith.constant 0 : i32
        %parallel_loop3A_421 = tpu.memref_slice %arg6[%rem3A_160, %parallel_loop3A_418, %parallel_loop3A_419, %parallel_loop3A_420] : memref<3x26x2x128xi32, #tpu.memory_space<vmem>> -> memref<1x26x2x128xi32, #tpu.memory_space<vmem>>
        %parallel_loop3A_422 = tpu.memref_squeeze %parallel_loop3A_421 : memref<1x26x2x128xi32, #tpu.memory_space<vmem>> -> memref<26x2x128xi32, #tpu.memory_space<vmem>>
        %parallel_loop3A_423 = arith.index_cast %parallel_loop3A_416 : i32 to index
        %parallel_loop3A_424 = arith.index_cast %parallel_loop3A_417 : i32 to index
        %parallel_loop3A_425 = arith.constant 48 : index
        %parallel_loop3A_426 = tpu.vector_load %parallel_loop3A_422[%parallel_loop3A_423, %parallel_loop3A_424, %parallel_loop3A_425] {strides = array<i32>} : memref<26x2x128xi32, #tpu.memory_space<vmem>>, vector<16xi32>,
        %parallel_loop3A_427 = arith.constant 1 : i32
        %parallel_loop3A_428 = arith.addi %parallel_loop3A_214, %parallel_loop3A_427 : i32
        %parallel_loop3A_429 = arith.constant 1 : i32
        %parallel_loop3A_430 = arith.constant 0 : i32
        %parallel_loop3A_431 = arith.constant 0 : i32
        %parallel_loop3A_432 = arith.constant 0 : i32
        %parallel_loop3A_433 = tpu.memref_slice %arg6[%rem3A_160, %parallel_loop3A_430, %parallel_loop3A_431, %parallel_loop3A_432] : memref<3x26x2x128xi32, #tpu.memory_space<vmem>> -> memref<1x26x2x128xi32, #tpu.memory_space<vmem>>
        %parallel_loop3A_434 = tpu.memref_squeeze %parallel_loop3A_433 : memref<1x26x2x128xi32, #tpu.memory_space<vmem>> -> memref<26x2x128xi32, #tpu.memory_space<vmem>>
        %parallel_loop3A_435 = arith.index_cast %parallel_loop3A_428 : i32 to index
        %parallel_loop3A_436 = arith.index_cast %parallel_loop3A_429 : i32 to index
        %parallel_loop3A_437 = arith.constant 48 : index
        %parallel_loop3A_438 = tpu.vector_load %parallel_loop3A_434[%parallel_loop3A_435, %parallel_loop3A_436, %parallel_loop3A_437] {strides = array<i32>} : memref<26x2x128xi32, #tpu.memory_space<vmem>>, vector<16xi32>,
        %parallel_loop3A_439 = tpu.vector_load_idx %arg5[%parallel_loop3A_426] : memref<100000xf32, #tpu.memory_space<vmem>>[vector<16xi32>], vector<16xf32>,
        %parallel_loop3A_440 = tpu.vector_load_idx %arg5[%parallel_loop3A_438] : memref<100000xf32, #tpu.memory_space<vmem>>[vector<16xi32>], vector<16xf32>,
        %parallel_loop3A_441 = arith.maximumf %parallel_loop3A_439, %parallel_loop3A_440 : vector<16xf32>
        %parallel_loop3A_442 = arith.constant 9.99999974E-5 : f32
        %parallel_loop3A_443 = vector.broadcast %parallel_loop3A_442 : f32 to vector<16xf32>
        %parallel_loop3A_444 = arith.addf %parallel_loop3A_441, %parallel_loop3A_443 : vector<16xf32>
        %parallel_loop3A_445 = arith.constant 0 : i32
        %parallel_loop3A_446 = arith.constant 0 : i32
        %parallel_loop3A_447 = arith.constant 0 : i32
        %parallel_loop3A_448 = arith.constant 0 : i32
        %parallel_loop3A_449 = tpu.memref_slice %arg7[%rem3A_160, %parallel_loop3A_446, %parallel_loop3A_447, %parallel_loop3A_448] : memref<3x25x1x128xf32, #tpu.memory_space<vmem>> -> memref<1x25x1x128xf32, #tpu.memory_space<vmem>>
        %parallel_loop3A_450 = tpu.memref_squeeze %parallel_loop3A_449 : memref<1x25x1x128xf32, #tpu.memory_space<vmem>> -> memref<25x1x128xf32, #tpu.memory_space<vmem>>
        %parallel_loop3A_451 = arith.index_cast %parallel_loop3A_214 : i32 to index
        %parallel_loop3A_452 = arith.index_cast %parallel_loop3A_445 : i32 to index
        %parallel_loop3A_453 = arith.constant 80 : index
        %parallel_loop3A_454 = tpu.vector_load %parallel_loop3A_450[%parallel_loop3A_451, %parallel_loop3A_452, %parallel_loop3A_453] {strides = array<i32>} : memref<25x1x128xf32, #tpu.memory_space<vmem>>, vector<16xf32>,
        tpu.vector_store %parallel_loop3A_450[%parallel_loop3A_451, %parallel_loop3A_452, %parallel_loop3A_453], %parallel_loop3A_444 {strides = array<i32>} : memref<25x1x128xf32, #tpu.memory_space<vmem>>, vector<16xf32>,
        %parallel_loop3A_455 = arith.constant 1 : i32
        %parallel_loop3A_456 = arith.addi %parallel_loop3A_214, %parallel_loop3A_455 : i32
        %parallel_loop3A_457 = arith.constant 0 : i32
        %parallel_loop3A_458 = arith.constant 0 : i32
        %parallel_loop3A_459 = arith.constant 0 : i32
        %parallel_loop3A_460 = arith.constant 0 : i32
        %parallel_loop3A_461 = tpu.memref_slice %arg6[%rem3A_160, %parallel_loop3A_458, %parallel_loop3A_459, %parallel_loop3A_460] : memref<3x26x2x128xi32, #tpu.memory_space<vmem>> -> memref<1x26x2x128xi32, #tpu.memory_space<vmem>>
        %parallel_loop3A_462 = tpu.memref_squeeze %parallel_loop3A_461 : memref<1x26x2x128xi32, #tpu.memory_space<vmem>> -> memref<26x2x128xi32, #tpu.memory_space<vmem>>
        %parallel_loop3A_463 = arith.index_cast %parallel_loop3A_456 : i32 to index
        %parallel_loop3A_464 = arith.index_cast %parallel_loop3A_457 : i32 to index
        %parallel_loop3A_465 = arith.constant 64 : index
        %parallel_loop3A_466 = tpu.vector_load %parallel_loop3A_462[%parallel_loop3A_463, %parallel_loop3A_464, %parallel_loop3A_465] {strides = array<i32>} : memref<26x2x128xi32, #tpu.memory_space<vmem>>, vector<16xi32>,
        %parallel_loop3A_467 = arith.constant 1 : i32
        %parallel_loop3A_468 = arith.addi %parallel_loop3A_214, %parallel_loop3A_467 : i32
        %parallel_loop3A_469 = arith.constant 1 : i32
        %parallel_loop3A_470 = arith.constant 0 : i32
        %parallel_loop3A_471 = arith.constant 0 : i32
        %parallel_loop3A_472 = arith.constant 0 : i32
        %parallel_loop3A_473 = tpu.memref_slice %arg6[%rem3A_160, %parallel_loop3A_470, %parallel_loop3A_471, %parallel_loop3A_472] : memref<3x26x2x128xi32, #tpu.memory_space<vmem>> -> memref<1x26x2x128xi32, #tpu.memory_space<vmem>>
        %parallel_loop3A_474 = tpu.memref_squeeze %parallel_loop3A_473 : memref<1x26x2x128xi32, #tpu.memory_space<vmem>> -> memref<26x2x128xi32, #tpu.memory_space<vmem>>
        %parallel_loop3A_475 = arith.index_cast %parallel_loop3A_468 : i32 to index
        %parallel_loop3A_476 = arith.index_cast %parallel_loop3A_469 : i32 to index
        %parallel_loop3A_477 = arith.constant 64 : index
        %parallel_loop3A_478 = tpu.vector_load %parallel_loop3A_474[%parallel_loop3A_475, %parallel_loop3A_476, %parallel_loop3A_477] {strides = array<i32>} : memref<26x2x128xi32, #tpu.memory_space<vmem>>, vector<16xi32>,
        %parallel_loop3A_479 = tpu.vector_load_idx %arg5[%parallel_loop3A_466] : memref<100000xf32, #tpu.memory_space<vmem>>[vector<16xi32>], vector<16xf32>,
        %parallel_loop3A_480 = tpu.vector_load_idx %arg5[%parallel_loop3A_478] : memref<100000xf32, #tpu.memory_space<vmem>>[vector<16xi32>], vector<16xf32>,
        %parallel_loop3A_481 = arith.maximumf %parallel_loop3A_479, %parallel_loop3A_480 : vector<16xf32>
        %parallel_loop3A_482 = arith.constant 9.99999974E-5 : f32
        %parallel_loop3A_483 = vector.broadcast %parallel_loop3A_482 : f32 to vector<16xf32>
        %parallel_loop3A_484 = arith.addf %parallel_loop3A_481, %parallel_loop3A_483 : vector<16xf32>
        %parallel_loop3A_485 = arith.constant 0 : i32
        %parallel_loop3A_486 = arith.constant 0 : i32
        %parallel_loop3A_487 = arith.constant 0 : i32
        %parallel_loop3A_488 = arith.constant 0 : i32
        %parallel_loop3A_489 = tpu.memref_slice %arg7[%rem3A_160, %parallel_loop3A_486, %parallel_loop3A_487, %parallel_loop3A_488] : memref<3x25x1x128xf32, #tpu.memory_space<vmem>> -> memref<1x25x1x128xf32, #tpu.memory_space<vmem>>
        %parallel_loop3A_490 = tpu.memref_squeeze %parallel_loop3A_489 : memref<1x25x1x128xf32, #tpu.memory_space<vmem>> -> memref<25x1x128xf32, #tpu.memory_space<vmem>>
        %parallel_loop3A_491 = arith.index_cast %parallel_loop3A_214 : i32 to index
        %parallel_loop3A_492 = arith.index_cast %parallel_loop3A_485 : i32 to index
        %parallel_loop3A_493 = arith.constant 96 : index
        %parallel_loop3A_494 = tpu.vector_load %parallel_loop3A_490[%parallel_loop3A_491, %parallel_loop3A_492, %parallel_loop3A_493] {strides = array<i32>} : memref<25x1x128xf32, #tpu.memory_space<vmem>>, vector<16xf32>,
        tpu.vector_store %parallel_loop3A_490[%parallel_loop3A_491, %parallel_loop3A_492, %parallel_loop3A_493], %parallel_loop3A_484 {strides = array<i32>} : memref<25x1x128xf32, #tpu.memory_space<vmem>>, vector<16xf32>,
        %parallel_loop3A_495 = arith.constant 1 : i32
        %parallel_loop3A_496 = arith.addi %parallel_loop3A_214, %parallel_loop3A_495 : i32
        %parallel_loop3A_497 = arith.constant 0 : i32
        %parallel_loop3A_498 = arith.constant 0 : i32
        %parallel_loop3A_499 = arith.constant 0 : i32
        %parallel_loop3A_500 = arith.constant 0 : i32
        %parallel_loop3A_501 = tpu.memref_slice %arg6[%rem3A_160, %parallel_loop3A_498, %parallel_loop3A_499, %parallel_loop3A_500] : memref<3x26x2x128xi32, #tpu.memory_space<vmem>> -> memref<1x26x2x128xi32, #tpu.memory_space<vmem>>
        %parallel_loop3A_502 = tpu.memref_squeeze %parallel_loop3A_501 : memref<1x26x2x128xi32, #tpu.memory_space<vmem>> -> memref<26x2x128xi32, #tpu.memory_space<vmem>>
        %parallel_loop3A_503 = arith.index_cast %parallel_loop3A_496 : i32 to index
        %parallel_loop3A_504 = arith.index_cast %parallel_loop3A_497 : i32 to index
        %parallel_loop3A_505 = arith.constant 80 : index
        %parallel_loop3A_506 = tpu.vector_load %parallel_loop3A_502[%parallel_loop3A_503, %parallel_loop3A_504, %parallel_loop3A_505] {strides = array<i32>} : memref<26x2x128xi32, #tpu.memory_space<vmem>>, vector<16xi32>,
        %parallel_loop3A_507 = arith.constant 1 : i32
        %parallel_loop3A_508 = arith.addi %parallel_loop3A_214, %parallel_loop3A_507 : i32
        %parallel_loop3A_509 = arith.constant 1 : i32
        %parallel_loop3A_510 = arith.constant 0 : i32
        %parallel_loop3A_511 = arith.constant 0 : i32
        %parallel_loop3A_512 = arith.constant 0 : i32
        %parallel_loop3A_513 = tpu.memref_slice %arg6[%rem3A_160, %parallel_loop3A_510, %parallel_loop3A_511, %parallel_loop3A_512] : memref<3x26x2x128xi32, #tpu.memory_space<vmem>> -> memref<1x26x2x128xi32, #tpu.memory_space<vmem>>
        %parallel_loop3A_514 = tpu.memref_squeeze %parallel_loop3A_513 : memref<1x26x2x128xi32, #tpu.memory_space<vmem>> -> memref<26x2x128xi32, #tpu.memory_space<vmem>>
        %parallel_loop3A_515 = arith.index_cast %parallel_loop3A_508 : i32 to index
        %parallel_loop3A_516 = arith.index_cast %parallel_loop3A_509 : i32 to index
        %parallel_loop3A_517 = arith.constant 80 : index
        %parallel_loop3A_518 = tpu.vector_load %parallel_loop3A_514[%parallel_loop3A_515, %parallel_loop3A_516, %parallel_loop3A_517] {strides = array<i32>} : memref<26x2x128xi32, #tpu.memory_space<vmem>>, vector<16xi32>,
        %parallel_loop3A_519 = tpu.vector_load_idx %arg5[%parallel_loop3A_506] : memref<100000xf32, #tpu.memory_space<vmem>>[vector<16xi32>], vector<16xf32>,
        %parallel_loop3A_520 = tpu.vector_load_idx %arg5[%parallel_loop3A_518] : memref<100000xf32, #tpu.memory_space<vmem>>[vector<16xi32>], vector<16xf32>,
        %parallel_loop3A_521 = arith.maximumf %parallel_loop3A_519, %parallel_loop3A_520 : vector<16xf32>
        %parallel_loop3A_522 = arith.constant 9.99999974E-5 : f32
        %parallel_loop3A_523 = vector.broadcast %parallel_loop3A_522 : f32 to vector<16xf32>
        %parallel_loop3A_524 = arith.addf %parallel_loop3A_521, %parallel_loop3A_523 : vector<16xf32>
        %parallel_loop3A_525 = arith.constant 0 : i32
        %parallel_loop3A_526 = arith.constant 0 : i32
        %parallel_loop3A_527 = arith.constant 0 : i32
        %parallel_loop3A_528 = arith.constant 0 : i32
        %parallel_loop3A_529 = tpu.memref_slice %arg7[%rem3A_160, %parallel_loop3A_526, %parallel_loop3A_527, %parallel_loop3A_528] : memref<3x25x1x128xf32, #tpu.memory_space<vmem>> -> memref<1x25x1x128xf32, #tpu.memory_space<vmem>>
        %parallel_loop3A_530 = tpu.memref_squeeze %parallel_loop3A_529 : memref<1x25x1x128xf32, #tpu.memory_space<vmem>> -> memref<25x1x128xf32, #tpu.memory_space<vmem>>
        %parallel_loop3A_531 = arith.index_cast %parallel_loop3A_214 : i32 to index
        %parallel_loop3A_532 = arith.index_cast %parallel_loop3A_525 : i32 to index
        %parallel_loop3A_533 = arith.constant 112 : index
        %parallel_loop3A_534 = tpu.vector_load %parallel_loop3A_530[%parallel_loop3A_531, %parallel_loop3A_532, %parallel_loop3A_533] {strides = array<i32>} : memref<25x1x128xf32, #tpu.memory_space<vmem>>, vector<16xf32>,
        tpu.vector_store %parallel_loop3A_530[%parallel_loop3A_531, %parallel_loop3A_532, %parallel_loop3A_533], %parallel_loop3A_524 {strides = array<i32>} : memref<25x1x128xf32, #tpu.memory_space<vmem>>, vector<16xf32>,
      } {sc.loop_unroll_factor = 4 : i64, sc.parallel_access}
      %mul3A_195 = arith.constant 25 : i32
      %mul3A_196 = arith.muli %while3A_158, %mul3A_195 : i32
      %add3A_197 = arith.addi %add3A_13, %mul3A_196 : i32
      %dma_start3A_198 = arith.constant 0 : i32
      %dma_start3A_199 = arith.constant 0 : i32
      %dma_start3A_200 = arith.constant 0 : i32
      %dma_start3A_201 = tpu.memref_slice %arg7[%rem3A_160, %dma_start3A_198, %dma_start3A_199, %dma_start3A_200] : memref<3x25x1x128xf32, #tpu.memory_space<vmem>> -> memref<1x25x1x128xf32, #tpu.memory_space<vmem>>
      %dma_start3A_202 = tpu.memref_squeeze %dma_start3A_201 : memref<1x25x1x128xf32, #tpu.memory_space<vmem>> -> memref<25x1x128xf32, #tpu.memory_space<vmem>>
      %dma_start3A_203 = arith.constant 0 : i32
      %dma_start3A_204 = tpu.memref_slice %arg4[%add3A_197, %arg0, %dma_start3A_203] : memref<50782x2x128xf32, #tpu.memory_space<hbm>> -> memref<25x1x128xf32, #tpu.memory_space<hbm>>
      %dma_start3A_205 = tpu.memref_slice %arg11[%rem3A_160] : memref<3x!tpu.dma_semaphore, #tpu.memory_space<semaphore_mem>> -> memref<1x!tpu.dma_semaphore, #tpu.memory_space<semaphore_mem>>
      %dma_start3A_206 = tpu.memref_squeeze %dma_start3A_205 : memref<1x!tpu.dma_semaphore, #tpu.memory_space<semaphore_mem>> -> memref<!tpu.dma_semaphore, #tpu.memory_space<semaphore_mem>>
      %dma_start3A_207 = arith.constant 0 : i32
      %dma_start3A_208 = tpu.memref_slice %arg4[%add3A_197, %arg0, %dma_start3A_207] : memref<50782x2x128xf32, #tpu.memory_space<hbm>> -> memref<25x1x128xf32, #tpu.memory_space<hbm>>
      %dma_start3A_209 = arith.constant 0 : i32
      %dma_start3A_210 = arith.constant 0 : i32
      %dma_start3A_211 = arith.constant 0 : i32
      %dma_start3A_212 = tpu.memref_slice %arg7[%rem3A_160, %dma_start3A_209, %dma_start3A_210, %dma_start3A_211] : memref<3x25x1x128xf32, #tpu.memory_space<vmem>> -> memref<1x25x1x128xf32, #tpu.memory_space<vmem>>
      %dma_start3A_213 = tpu.memref_squeeze %dma_start3A_212 : memref<1x25x1x128xf32, #tpu.memory_space<vmem>> -> memref<25x1x128xf32, #tpu.memory_space<vmem>>
      tpu.enqueue_dma source(%dma_start3A_213 : memref<25x1x128xf32, #tpu.memory_space<vmem>>) target(%dma_start3A_208 : memref<25x1x128xf32, #tpu.memory_space<hbm>>) target_semaphore(%dma_start3A_206 : memref<!tpu.dma_semaphore, #tpu.memory_space<semaphore_mem>>)
    }
    %while3A_73 = arith.constant 1 : i32
    scf.for %while3A_158 = %while3A_71 to %while3A_67 step %while3A_73  : i32 {
      %rem3A_159 = arith.constant 3 : i32
      %rem3A_160 = arith.remsi %while3A_158, %rem3A_159 : i32
      %sub3A_161 = arith.constant 782 : i32
      %sub3A_162 = arith.subi %add3A_13, %sub3A_161 : i32
      %mul3A_163 = arith.constant 25 : i32
      %mul3A_164 = arith.muli %while3A_158, %mul3A_163 : i32
      %add3A_165 = arith.addi %sub3A_162, %mul3A_164 : i32
      %dma_wait3A_166 = arith.constant 0 : i32
      %dma_wait3A_167 = arith.constant 0 : i32
      %dma_wait3A_168 = arith.constant 0 : i32
      %dma_wait3A_169 = tpu.memref_slice %arg6[%rem3A_160, %dma_wait3A_166, %dma_wait3A_167, %dma_wait3A_168] : memref<3x26x2x128xi32, #tpu.memory_space<vmem>> -> memref<1x26x2x128xi32, #tpu.memory_space<vmem>>
      %dma_wait3A_170 = tpu.memref_squeeze %dma_wait3A_169 : memref<1x26x2x128xi32, #tpu.memory_space<vmem>> -> memref<26x2x128xi32, #tpu.memory_space<vmem>>
      %dma_wait3A_171 = arith.constant 0 : i32
      %dma_wait3A_172 = arith.constant 0 : i32
      %dma_wait3A_173 = tpu.memref_slice %arg3[%add3A_165, %dma_wait3A_171, %dma_wait3A_172] : memref<50000x2x128xi32, #tpu.memory_space<hbm>> -> memref<26x2x128xi32, #tpu.memory_space<hbm>>
      %dma_wait3A_174 = tpu.memref_slice %arg10[%rem3A_160] : memref<3x!tpu.dma_semaphore, #tpu.memory_space<semaphore_mem>> -> memref<1x!tpu.dma_semaphore, #tpu.memory_space<semaphore_mem>>
      %dma_wait3A_175 = tpu.memref_squeeze %dma_wait3A_174 : memref<1x!tpu.dma_semaphore, #tpu.memory_space<semaphore_mem>> -> memref<!tpu.dma_semaphore, #tpu.memory_space<semaphore_mem>>
      %dma_wait3A_176 = arith.constant 0 : i32
      %dma_wait3A_177 = arith.constant 0 : i32
      %dma_wait3A_178 = arith.constant 0 : i32
      %dma_wait3A_179 = tpu.memref_slice %arg6[%rem3A_160, %dma_wait3A_176, %dma_wait3A_177, %dma_wait3A_178] : memref<3x26x2x128xi32, #tpu.memory_space<vmem>> -> memref<1x26x2x128xi32, #tpu.memory_space<vmem>>
      %dma_wait3A_180 = tpu.memref_squeeze %dma_wait3A_179 : memref<1x26x2x128xi32, #tpu.memory_space<vmem>> -> memref<26x2x128xi32, #tpu.memory_space<vmem>>
      %dma_wait3A_181 = arith.constant 0 : i32
      %dma_wait3A_182 = arith.constant 0 : i32
      %dma_wait3A_183 = tpu.memref_slice %arg3[%add3A_165, %dma_wait3A_181, %dma_wait3A_182] : memref<50000x2x128xi32, #tpu.memory_space<hbm>> -> memref<26x2x128xi32, #tpu.memory_space<hbm>>
      tpu.wait_dma2 semaphore(%dma_wait3A_175 : memref<!tpu.dma_semaphore, #tpu.memory_space<semaphore_mem>>) src(%dma_wait3A_183 : memref<26x2x128xi32, #tpu.memory_space<hbm>>) dst(%dma_wait3A_180 : memref<26x2x128xi32, #tpu.memory_space<vmem>>)
      %add3A_184 = arith.constant 2 : i32
      %add3A_185 = arith.addi %while3A_158, %add3A_184 : i32
      %lt3A = arith.cmpi slt, %add3A_185, %sub3A_17 : i32
      %convert_element_type3A_186 = arith.extui %lt3A : i1 to i32
      %cond3A_187 = arith.constant 0 : i32
      %cond3A_188 = arith.cmpi ne, %convert_element_type3A_186, %cond3A_187 : i32
      scf.if %cond3A_188 {
        %add3A_214 = arith.constant 2 : i32
        %add3A_215 = arith.addi %while3A_158, %add3A_214 : i32
        %add3A_216 = arith.constant 2 : i32
        %add3A_217 = arith.addi %while3A_158, %add3A_216 : i32
        %rem3A_218 = arith.constant 3 : i32
        %rem3A_219 = arith.remsi %add3A_217, %rem3A_218 : i32
        %sub3A_220 = arith.constant 782 : i32
        %sub3A_221 = arith.subi %add3A_13, %sub3A_220 : i32
        %mul3A_222 = arith.constant 25 : i32
        %mul3A_223 = arith.muli %add3A_215, %mul3A_222 : i32
        %add3A_224 = arith.addi %sub3A_221, %mul3A_223 : i32
        %dma_start3A_225 = arith.constant 0 : i32
        %dma_start3A_226 = arith.constant 0 : i32
        %dma_start3A_227 = arith.constant 0 : i32
        %dma_start3A_228 = tpu.memref_slice %arg6[%rem3A_219, %dma_start3A_225, %dma_start3A_226, %dma_start3A_227] : memref<3x26x2x128xi32, #tpu.memory_space<vmem>> -> memref<1x26x2x128xi32, #tpu.memory_space<vmem>>
        %dma_start3A_229 = tpu.memref_squeeze %dma_start3A_228 : memref<1x26x2x128xi32, #tpu.memory_space<vmem>> -> memref<26x2x128xi32, #tpu.memory_space<vmem>>
        %dma_start3A_230 = arith.constant 0 : i32
        %dma_start3A_231 = arith.constant 0 : i32
        %dma_start3A_232 = tpu.memref_slice %arg3[%add3A_224, %dma_start3A_230, %dma_start3A_231] : memref<50000x2x128xi32, #tpu.memory_space<hbm>> -> memref<26x2x128xi32, #tpu.memory_space<hbm>>
        %dma_start3A_233 = tpu.memref_slice %arg10[%rem3A_219] : memref<3x!tpu.dma_semaphore, #tpu.memory_space<semaphore_mem>> -> memref<1x!tpu.dma_semaphore, #tpu.memory_space<semaphore_mem>>
        %dma_start3A_234 = tpu.memref_squeeze %dma_start3A_233 : memref<1x!tpu.dma_semaphore, #tpu.memory_space<semaphore_mem>> -> memref<!tpu.dma_semaphore, #tpu.memory_space<semaphore_mem>>
        %dma_start3A_235 = arith.constant 0 : i32
        %dma_start3A_236 = arith.constant 0 : i32
        %dma_start3A_237 = arith.constant 0 : i32
        %dma_start3A_238 = tpu.memref_slice %arg6[%rem3A_219, %dma_start3A_235, %dma_start3A_236, %dma_start3A_237] : memref<3x26x2x128xi32, #tpu.memory_space<vmem>> -> memref<1x26x2x128xi32, #tpu.memory_space<vmem>>
        %dma_start3A_239 = tpu.memref_squeeze %dma_start3A_238 : memref<1x26x2x128xi32, #tpu.memory_space<vmem>> -> memref<26x2x128xi32, #tpu.memory_space<vmem>>
        %dma_start3A_240 = arith.constant 0 : i32
        %dma_start3A_241 = arith.constant 0 : i32
        %dma_start3A_242 = tpu.memref_slice %arg3[%add3A_224, %dma_start3A_240, %dma_start3A_241] : memref<50000x2x128xi32, #tpu.memory_space<hbm>> -> memref<26x2x128xi32, #tpu.memory_space<hbm>>
        tpu.enqueue_dma source(%dma_start3A_242 : memref<26x2x128xi32, #tpu.memory_space<hbm>>) target(%dma_start3A_239 : memref<26x2x128xi32, #tpu.memory_space<vmem>>) target_semaphore(%dma_start3A_234 : memref<!tpu.dma_semaphore, #tpu.memory_space<semaphore_mem>>)
      } else {
      }
      %ge3A = arith.constant 3 : i32
      %ge3A_189 = arith.cmpi sge, %while3A_158, %ge3A : i32
      %convert_element_type3A_190 = arith.extui %ge3A_189 : i1 to i32
      %cond3A_191 = arith.constant 0 : i32
      %cond3A_192 = arith.cmpi ne, %convert_element_type3A_190, %cond3A_191 : i32
      scf.if %cond3A_192 {
        %sub3A_214 = arith.constant 3 : i32
        %sub3A_215 = arith.subi %while3A_158, %sub3A_214 : i32
        %mul3A_216 = arith.constant 25 : i32
        %mul3A_217 = arith.muli %sub3A_215, %mul3A_216 : i32
        %add3A_218 = arith.addi %add3A_13, %mul3A_217 : i32
        %dma_wait3A_219 = arith.constant 0 : i32
        %dma_wait3A_220 = arith.constant 0 : i32
        %dma_wait3A_221 = arith.constant 0 : i32
        %dma_wait3A_222 = tpu.memref_slice %arg7[%rem3A_160, %dma_wait3A_219, %dma_wait3A_220, %dma_wait3A_221] : memref<3x25x1x128xf32, #tpu.memory_space<vmem>> -> memref<1x25x1x128xf32, #tpu.memory_space<vmem>>
        %dma_wait3A_223 = tpu.memref_squeeze %dma_wait3A_222 : memref<1x25x1x128xf32, #tpu.memory_space<vmem>> -> memref<25x1x128xf32, #tpu.memory_space<vmem>>
        %dma_wait3A_224 = arith.constant 0 : i32
        %dma_wait3A_225 = tpu.memref_slice %arg4[%add3A_218, %arg0, %dma_wait3A_224] : memref<50782x2x128xf32, #tpu.memory_space<hbm>> -> memref<25x1x128xf32, #tpu.memory_space<hbm>>
        %dma_wait3A_226 = tpu.memref_slice %arg11[%rem3A_160] : memref<3x!tpu.dma_semaphore, #tpu.memory_space<semaphore_mem>> -> memref<1x!tpu.dma_semaphore, #tpu.memory_space<semaphore_mem>>
        %dma_wait3A_227 = tpu.memref_squeeze %dma_wait3A_226 : memref<1x!tpu.dma_semaphore, #tpu.memory_space<semaphore_mem>> -> memref<!tpu.dma_semaphore, #tpu.memory_space<semaphore_mem>>
        %dma_wait3A_228 = arith.constant 0 : i32
        %dma_wait3A_229 = tpu.memref_slice %arg4[%add3A_218, %arg0, %dma_wait3A_228] : memref<50782x2x128xf32, #tpu.memory_space<hbm>> -> memref<25x1x128xf32, #tpu.memory_space<hbm>>
        %dma_wait3A_230 = arith.constant 0 : i32
        %dma_wait3A_231 = arith.constant 0 : i32
        %dma_wait3A_232 = arith.constant 0 : i32
        %dma_wait3A_233 = tpu.memref_slice %arg7[%rem3A_160, %dma_wait3A_230, %dma_wait3A_231, %dma_wait3A_232] : memref<3x25x1x128xf32, #tpu.memory_space<vmem>> -> memref<1x25x1x128xf32, #tpu.memory_space<vmem>>
        %dma_wait3A_234 = tpu.memref_squeeze %dma_wait3A_233 : memref<1x25x1x128xf32, #tpu.memory_space<vmem>> -> memref<25x1x128xf32, #tpu.memory_space<vmem>>
        tpu.wait_dma2 semaphore(%dma_wait3A_227 : memref<!tpu.dma_semaphore, #tpu.memory_space<semaphore_mem>>) src(%dma_wait3A_234 : memref<25x1x128xf32, #tpu.memory_space<vmem>>) dst(%dma_wait3A_229 : memref<25x1x128xf32, #tpu.memory_space<hbm>>)
      } else {
      }
      %parallel_loop3A = arith.constant 0 : i32
      %parallel_loop3A_193 = arith.constant 25 : i32
      %parallel_loop3A_194 = arith.constant 1 : i32
      scf.for %parallel_loop3A_214 = %parallel_loop3A to %parallel_loop3A_193 step %parallel_loop3A_194  : i32 {
        %parallel_loop3A_215 = arith.constant 0 : i32
        %parallel_loop3A_216 = arith.addi %parallel_loop3A_214, %parallel_loop3A_215 : i32
        %parallel_loop3A_217 = arith.constant 0 : i32
        %parallel_loop3A_218 = arith.constant 0 : i32
        %parallel_loop3A_219 = arith.constant 0 : i32
        %parallel_loop3A_220 = arith.constant 0 : i32
        %parallel_loop3A_221 = tpu.memref_slice %arg6[%rem3A_160, %parallel_loop3A_218, %parallel_loop3A_219, %parallel_loop3A_220] : memref<3x26x2x128xi32, #tpu.memory_space<vmem>> -> memref<1x26x2x128xi32, #tpu.memory_space<vmem>>
        %parallel_loop3A_222 = tpu.memref_squeeze %parallel_loop3A_221 : memref<1x26x2x128xi32, #tpu.memory_space<vmem>> -> memref<26x2x128xi32, #tpu.memory_space<vmem>>
        %parallel_loop3A_223 = arith.index_cast %parallel_loop3A_216 : i32 to index
        %parallel_loop3A_224 = arith.index_cast %parallel_loop3A_217 : i32 to index
        %parallel_loop3A_225 = arith.constant 96 : index
        %parallel_loop3A_226 = tpu.vector_load %parallel_loop3A_222[%parallel_loop3A_223, %parallel_loop3A_224, %parallel_loop3A_225] {strides = array<i32>} : memref<26x2x128xi32, #tpu.memory_space<vmem>>, vector<16xi32>,
        %parallel_loop3A_227 = arith.constant 0 : i32
        %parallel_loop3A_228 = arith.addi %parallel_loop3A_214, %parallel_loop3A_227 : i32
        %parallel_loop3A_229 = arith.constant 1 : i32
        %parallel_loop3A_230 = arith.constant 0 : i32
        %parallel_loop3A_231 = arith.constant 0 : i32
        %parallel_loop3A_232 = arith.constant 0 : i32
        %parallel_loop3A_233 = tpu.memref_slice %arg6[%rem3A_160, %parallel_loop3A_230, %parallel_loop3A_231, %parallel_loop3A_232] : memref<3x26x2x128xi32, #tpu.memory_space<vmem>> -> memref<1x26x2x128xi32, #tpu.memory_space<vmem>>
        %parallel_loop3A_234 = tpu.memref_squeeze %parallel_loop3A_233 : memref<1x26x2x128xi32, #tpu.memory_space<vmem>> -> memref<26x2x128xi32, #tpu.memory_space<vmem>>
        %parallel_loop3A_235 = arith.index_cast %parallel_loop3A_228 : i32 to index
        %parallel_loop3A_236 = arith.index_cast %parallel_loop3A_229 : i32 to index
        %parallel_loop3A_237 = arith.constant 96 : index
        %parallel_loop3A_238 = tpu.vector_load %parallel_loop3A_234[%parallel_loop3A_235, %parallel_loop3A_236, %parallel_loop3A_237] {strides = array<i32>} : memref<26x2x128xi32, #tpu.memory_space<vmem>>, vector<16xi32>,
        %parallel_loop3A_239 = tpu.vector_load_idx %arg5[%parallel_loop3A_226] : memref<100000xf32, #tpu.memory_space<vmem>>[vector<16xi32>], vector<16xf32>,
        %parallel_loop3A_240 = tpu.vector_load_idx %arg5[%parallel_loop3A_238] : memref<100000xf32, #tpu.memory_space<vmem>>[vector<16xi32>], vector<16xf32>,
        %parallel_loop3A_241 = arith.maximumf %parallel_loop3A_239, %parallel_loop3A_240 : vector<16xf32>
        %parallel_loop3A_242 = arith.constant 9.99999974E-5 : f32
        %parallel_loop3A_243 = vector.broadcast %parallel_loop3A_242 : f32 to vector<16xf32>
        %parallel_loop3A_244 = arith.addf %parallel_loop3A_241, %parallel_loop3A_243 : vector<16xf32>
        %parallel_loop3A_245 = arith.constant 0 : i32
        %parallel_loop3A_246 = arith.constant 0 : i32
        %parallel_loop3A_247 = arith.constant 0 : i32
        %parallel_loop3A_248 = arith.constant 0 : i32
        %parallel_loop3A_249 = tpu.memref_slice %arg7[%rem3A_160, %parallel_loop3A_246, %parallel_loop3A_247, %parallel_loop3A_248] : memref<3x25x1x128xf32, #tpu.memory_space<vmem>> -> memref<1x25x1x128xf32, #tpu.memory_space<vmem>>
        %parallel_loop3A_250 = tpu.memref_squeeze %parallel_loop3A_249 : memref<1x25x1x128xf32, #tpu.memory_space<vmem>> -> memref<25x1x128xf32, #tpu.memory_space<vmem>>
        %parallel_loop3A_251 = arith.index_cast %parallel_loop3A_214 : i32 to index
        %parallel_loop3A_252 = arith.index_cast %parallel_loop3A_245 : i32 to index
        %parallel_loop3A_253 = arith.constant 0 : index
        %parallel_loop3A_254 = tpu.vector_load %parallel_loop3A_250[%parallel_loop3A_251, %parallel_loop3A_252, %parallel_loop3A_253] {strides = array<i32>} : memref<25x1x128xf32, #tpu.memory_space<vmem>>, vector<16xf32>,
        tpu.vector_store %parallel_loop3A_250[%parallel_loop3A_251, %parallel_loop3A_252, %parallel_loop3A_253], %parallel_loop3A_244 {strides = array<i32>} : memref<25x1x128xf32, #tpu.memory_space<vmem>>, vector<16xf32>,
        %parallel_loop3A_255 = arith.constant 0 : i32
        %parallel_loop3A_256 = arith.addi %parallel_loop3A_214, %parallel_loop3A_255 : i32
        %parallel_loop3A_257 = arith.constant 0 : i32
        %parallel_loop3A_258 = arith.constant 0 : i32
        %parallel_loop3A_259 = arith.constant 0 : i32
        %parallel_loop3A_260 = arith.constant 0 : i32
        %parallel_loop3A_261 = tpu.memref_slice %arg6[%rem3A_160, %parallel_loop3A_258, %parallel_loop3A_259, %parallel_loop3A_260] : memref<3x26x2x128xi32, #tpu.memory_space<vmem>> -> memref<1x26x2x128xi32, #tpu.memory_space<vmem>>
        %parallel_loop3A_262 = tpu.memref_squeeze %parallel_loop3A_261 : memref<1x26x2x128xi32, #tpu.memory_space<vmem>> -> memref<26x2x128xi32, #tpu.memory_space<vmem>>
        %parallel_loop3A_263 = arith.index_cast %parallel_loop3A_256 : i32 to index
        %parallel_loop3A_264 = arith.index_cast %parallel_loop3A_257 : i32 to index
        %parallel_loop3A_265 = arith.constant 112 : index
        %parallel_loop3A_266 = tpu.vector_load %parallel_loop3A_262[%parallel_loop3A_263, %parallel_loop3A_264, %parallel_loop3A_265] {strides = array<i32>} : memref<26x2x128xi32, #tpu.memory_space<vmem>>, vector<16xi32>,
        %parallel_loop3A_267 = arith.constant 0 : i32
        %parallel_loop3A_268 = arith.addi %parallel_loop3A_214, %parallel_loop3A_267 : i32
        %parallel_loop3A_269 = arith.constant 1 : i32
        %parallel_loop3A_270 = arith.constant 0 : i32
        %parallel_loop3A_271 = arith.constant 0 : i32
        %parallel_loop3A_272 = arith.constant 0 : i32
        %parallel_loop3A_273 = tpu.memref_slice %arg6[%rem3A_160, %parallel_loop3A_270, %parallel_loop3A_271, %parallel_loop3A_272] : memref<3x26x2x128xi32, #tpu.memory_space<vmem>> -> memref<1x26x2x128xi32, #tpu.memory_space<vmem>>
        %parallel_loop3A_274 = tpu.memref_squeeze %parallel_loop3A_273 : memref<1x26x2x128xi32, #tpu.memory_space<vmem>> -> memref<26x2x128xi32, #tpu.memory_space<vmem>>
        %parallel_loop3A_275 = arith.index_cast %parallel_loop3A_268 : i32 to index
        %parallel_loop3A_276 = arith.index_cast %parallel_loop3A_269 : i32 to index
        %parallel_loop3A_277 = arith.constant 112 : index
        %parallel_loop3A_278 = tpu.vector_load %parallel_loop3A_274[%parallel_loop3A_275, %parallel_loop3A_276, %parallel_loop3A_277] {strides = array<i32>} : memref<26x2x128xi32, #tpu.memory_space<vmem>>, vector<16xi32>,
        %parallel_loop3A_279 = tpu.vector_load_idx %arg5[%parallel_loop3A_266] : memref<100000xf32, #tpu.memory_space<vmem>>[vector<16xi32>], vector<16xf32>,
        %parallel_loop3A_280 = tpu.vector_load_idx %arg5[%parallel_loop3A_278] : memref<100000xf32, #tpu.memory_space<vmem>>[vector<16xi32>], vector<16xf32>,
        %parallel_loop3A_281 = arith.maximumf %parallel_loop3A_279, %parallel_loop3A_280 : vector<16xf32>
        %parallel_loop3A_282 = arith.constant 9.99999974E-5 : f32
        %parallel_loop3A_283 = vector.broadcast %parallel_loop3A_282 : f32 to vector<16xf32>
        %parallel_loop3A_284 = arith.addf %parallel_loop3A_281, %parallel_loop3A_283 : vector<16xf32>
        %parallel_loop3A_285 = arith.constant 0 : i32
        %parallel_loop3A_286 = arith.constant 0 : i32
        %parallel_loop3A_287 = arith.constant 0 : i32
        %parallel_loop3A_288 = arith.constant 0 : i32
        %parallel_loop3A_289 = tpu.memref_slice %arg7[%rem3A_160, %parallel_loop3A_286, %parallel_loop3A_287, %parallel_loop3A_288] : memref<3x25x1x128xf32, #tpu.memory_space<vmem>> -> memref<1x25x1x128xf32, #tpu.memory_space<vmem>>
        %parallel_loop3A_290 = tpu.memref_squeeze %parallel_loop3A_289 : memref<1x25x1x128xf32, #tpu.memory_space<vmem>> -> memref<25x1x128xf32, #tpu.memory_space<vmem>>
        %parallel_loop3A_291 = arith.index_cast %parallel_loop3A_214 : i32 to index
        %parallel_loop3A_292 = arith.index_cast %parallel_loop3A_285 : i32 to index
        %parallel_loop3A_293 = arith.constant 16 : index
        %parallel_loop3A_294 = tpu.vector_load %parallel_loop3A_290[%parallel_loop3A_291, %parallel_loop3A_292, %parallel_loop3A_293] {strides = array<i32>} : memref<25x1x128xf32, #tpu.memory_space<vmem>>, vector<16xf32>,
        tpu.vector_store %parallel_loop3A_290[%parallel_loop3A_291, %parallel_loop3A_292, %parallel_loop3A_293], %parallel_loop3A_284 {strides = array<i32>} : memref<25x1x128xf32, #tpu.memory_space<vmem>>, vector<16xf32>,
        %parallel_loop3A_295 = arith.constant 1 : i32
        %parallel_loop3A_296 = arith.addi %parallel_loop3A_214, %parallel_loop3A_295 : i32
        %parallel_loop3A_297 = arith.constant 0 : i32
        %parallel_loop3A_298 = arith.constant 0 : i32
        %parallel_loop3A_299 = arith.constant 0 : i32
        %parallel_loop3A_300 = arith.constant 0 : i32
        %parallel_loop3A_301 = tpu.memref_slice %arg6[%rem3A_160, %parallel_loop3A_298, %parallel_loop3A_299, %parallel_loop3A_300] : memref<3x26x2x128xi32, #tpu.memory_space<vmem>> -> memref<1x26x2x128xi32, #tpu.memory_space<vmem>>
        %parallel_loop3A_302 = tpu.memref_squeeze %parallel_loop3A_301 : memref<1x26x2x128xi32, #tpu.memory_space<vmem>> -> memref<26x2x128xi32, #tpu.memory_space<vmem>>
        %parallel_loop3A_303 = arith.index_cast %parallel_loop3A_296 : i32 to index
        %parallel_loop3A_304 = arith.index_cast %parallel_loop3A_297 : i32 to index
        %parallel_loop3A_305 = arith.constant 0 : index
        %parallel_loop3A_306 = tpu.vector_load %parallel_loop3A_302[%parallel_loop3A_303, %parallel_loop3A_304, %parallel_loop3A_305] {strides = array<i32>} : memref<26x2x128xi32, #tpu.memory_space<vmem>>, vector<16xi32>,
        %parallel_loop3A_307 = arith.constant 1 : i32
        %parallel_loop3A_308 = arith.addi %parallel_loop3A_214, %parallel_loop3A_307 : i32
        %parallel_loop3A_309 = arith.constant 1 : i32
        %parallel_loop3A_310 = arith.constant 0 : i32
        %parallel_loop3A_311 = arith.constant 0 : i32
        %parallel_loop3A_312 = arith.constant 0 : i32
        %parallel_loop3A_313 = tpu.memref_slice %arg6[%rem3A_160, %parallel_loop3A_310, %parallel_loop3A_311, %parallel_loop3A_312] : memref<3x26x2x128xi32, #tpu.memory_space<vmem>> -> memref<1x26x2x128xi32, #tpu.memory_space<vmem>>
        %parallel_loop3A_314 = tpu.memref_squeeze %parallel_loop3A_313 : memref<1x26x2x128xi32, #tpu.memory_space<vmem>> -> memref<26x2x128xi32, #tpu.memory_space<vmem>>
        %parallel_loop3A_315 = arith.index_cast %parallel_loop3A_308 : i32 to index
        %parallel_loop3A_316 = arith.index_cast %parallel_loop3A_309 : i32 to index
        %parallel_loop3A_317 = arith.constant 0 : index
        %parallel_loop3A_318 = tpu.vector_load %parallel_loop3A_314[%parallel_loop3A_315, %parallel_loop3A_316, %parallel_loop3A_317] {strides = array<i32>} : memref<26x2x128xi32, #tpu.memory_space<vmem>>, vector<16xi32>,
        %parallel_loop3A_319 = tpu.vector_load_idx %arg5[%parallel_loop3A_306] : memref<100000xf32, #tpu.memory_space<vmem>>[vector<16xi32>], vector<16xf32>,
        %parallel_loop3A_320 = tpu.vector_load_idx %arg5[%parallel_loop3A_318] : memref<100000xf32, #tpu.memory_space<vmem>>[vector<16xi32>], vector<16xf32>,
        %parallel_loop3A_321 = arith.maximumf %parallel_loop3A_319, %parallel_loop3A_320 : vector<16xf32>
        %parallel_loop3A_322 = arith.constant 9.99999974E-5 : f32
        %parallel_loop3A_323 = vector.broadcast %parallel_loop3A_322 : f32 to vector<16xf32>
        %parallel_loop3A_324 = arith.addf %parallel_loop3A_321, %parallel_loop3A_323 : vector<16xf32>
        %parallel_loop3A_325 = arith.constant 0 : i32
        %parallel_loop3A_326 = arith.constant 0 : i32
        %parallel_loop3A_327 = arith.constant 0 : i32
        %parallel_loop3A_328 = arith.constant 0 : i32
        %parallel_loop3A_329 = tpu.memref_slice %arg7[%rem3A_160, %parallel_loop3A_326, %parallel_loop3A_327, %parallel_loop3A_328] : memref<3x25x1x128xf32, #tpu.memory_space<vmem>> -> memref<1x25x1x128xf32, #tpu.memory_space<vmem>>
        %parallel_loop3A_330 = tpu.memref_squeeze %parallel_loop3A_329 : memref<1x25x1x128xf32, #tpu.memory_space<vmem>> -> memref<25x1x128xf32, #tpu.memory_space<vmem>>
        %parallel_loop3A_331 = arith.index_cast %parallel_loop3A_214 : i32 to index
        %parallel_loop3A_332 = arith.index_cast %parallel_loop3A_325 : i32 to index
        %parallel_loop3A_333 = arith.constant 32 : index
        %parallel_loop3A_334 = tpu.vector_load %parallel_loop3A_330[%parallel_loop3A_331, %parallel_loop3A_332, %parallel_loop3A_333] {strides = array<i32>} : memref<25x1x128xf32, #tpu.memory_space<vmem>>, vector<16xf32>,
        tpu.vector_store %parallel_loop3A_330[%parallel_loop3A_331, %parallel_loop3A_332, %parallel_loop3A_333], %parallel_loop3A_324 {strides = array<i32>} : memref<25x1x128xf32, #tpu.memory_space<vmem>>, vector<16xf32>,
        %parallel_loop3A_335 = arith.constant 1 : i32
        %parallel_loop3A_336 = arith.addi %parallel_loop3A_214, %parallel_loop3A_335 : i32
        %parallel_loop3A_337 = arith.constant 0 : i32
        %parallel_loop3A_338 = arith.constant 0 : i32
        %parallel_loop3A_339 = arith.constant 0 : i32
        %parallel_loop3A_340 = arith.constant 0 : i32
        %parallel_loop3A_341 = tpu.memref_slice %arg6[%rem3A_160, %parallel_loop3A_338, %parallel_loop3A_339, %parallel_loop3A_340] : memref<3x26x2x128xi32, #tpu.memory_space<vmem>> -> memref<1x26x2x128xi32, #tpu.memory_space<vmem>>
        %parallel_loop3A_342 = tpu.memref_squeeze %parallel_loop3A_341 : memref<1x26x2x128xi32, #tpu.memory_space<vmem>> -> memref<26x2x128xi32, #tpu.memory_space<vmem>>
        %parallel_loop3A_343 = arith.index_cast %parallel_loop3A_336 : i32 to index
        %parallel_loop3A_344 = arith.index_cast %parallel_loop3A_337 : i32 to index
        %parallel_loop3A_345 = arith.constant 16 : index
        %parallel_loop3A_346 = tpu.vector_load %parallel_loop3A_342[%parallel_loop3A_343, %parallel_loop3A_344, %parallel_loop3A_345] {strides = array<i32>} : memref<26x2x128xi32, #tpu.memory_space<vmem>>, vector<16xi32>,
        %parallel_loop3A_347 = arith.constant 1 : i32
        %parallel_loop3A_348 = arith.addi %parallel_loop3A_214, %parallel_loop3A_347 : i32
        %parallel_loop3A_349 = arith.constant 1 : i32
        %parallel_loop3A_350 = arith.constant 0 : i32
        %parallel_loop3A_351 = arith.constant 0 : i32
        %parallel_loop3A_352 = arith.constant 0 : i32
        %parallel_loop3A_353 = tpu.memref_slice %arg6[%rem3A_160, %parallel_loop3A_350, %parallel_loop3A_351, %parallel_loop3A_352] : memref<3x26x2x128xi32, #tpu.memory_space<vmem>> -> memref<1x26x2x128xi32, #tpu.memory_space<vmem>>
        %parallel_loop3A_354 = tpu.memref_squeeze %parallel_loop3A_353 : memref<1x26x2x128xi32, #tpu.memory_space<vmem>> -> memref<26x2x128xi32, #tpu.memory_space<vmem>>
        %parallel_loop3A_355 = arith.index_cast %parallel_loop3A_348 : i32 to index
        %parallel_loop3A_356 = arith.index_cast %parallel_loop3A_349 : i32 to index
        %parallel_loop3A_357 = arith.constant 16 : index
        %parallel_loop3A_358 = tpu.vector_load %parallel_loop3A_354[%parallel_loop3A_355, %parallel_loop3A_356, %parallel_loop3A_357] {strides = array<i32>} : memref<26x2x128xi32, #tpu.memory_space<vmem>>, vector<16xi32>,
        %parallel_loop3A_359 = tpu.vector_load_idx %arg5[%parallel_loop3A_346] : memref<100000xf32, #tpu.memory_space<vmem>>[vector<16xi32>], vector<16xf32>,
        %parallel_loop3A_360 = tpu.vector_load_idx %arg5[%parallel_loop3A_358] : memref<100000xf32, #tpu.memory_space<vmem>>[vector<16xi32>], vector<16xf32>,
        %parallel_loop3A_361 = arith.maximumf %parallel_loop3A_359, %parallel_loop3A_360 : vector<16xf32>
        %parallel_loop3A_362 = arith.constant 9.99999974E-5 : f32
        %parallel_loop3A_363 = vector.broadcast %parallel_loop3A_362 : f32 to vector<16xf32>
        %parallel_loop3A_364 = arith.addf %parallel_loop3A_361, %parallel_loop3A_363 : vector<16xf32>
        %parallel_loop3A_365 = arith.constant 0 : i32
        %parallel_loop3A_366 = arith.constant 0 : i32
        %parallel_loop3A_367 = arith.constant 0 : i32
        %parallel_loop3A_368 = arith.constant 0 : i32
        %parallel_loop3A_369 = tpu.memref_slice %arg7[%rem3A_160, %parallel_loop3A_366, %parallel_loop3A_367, %parallel_loop3A_368] : memref<3x25x1x128xf32, #tpu.memory_space<vmem>> -> memref<1x25x1x128xf32, #tpu.memory_space<vmem>>
        %parallel_loop3A_370 = tpu.memref_squeeze %parallel_loop3A_369 : memref<1x25x1x128xf32, #tpu.memory_space<vmem>> -> memref<25x1x128xf32, #tpu.memory_space<vmem>>
        %parallel_loop3A_371 = arith.index_cast %parallel_loop3A_214 : i32 to index
        %parallel_loop3A_372 = arith.index_cast %parallel_loop3A_365 : i32 to index
        %parallel_loop3A_373 = arith.constant 48 : index
        %parallel_loop3A_374 = tpu.vector_load %parallel_loop3A_370[%parallel_loop3A_371, %parallel_loop3A_372, %parallel_loop3A_373] {strides = array<i32>} : memref<25x1x128xf32, #tpu.memory_space<vmem>>, vector<16xf32>,
        tpu.vector_store %parallel_loop3A_370[%parallel_loop3A_371, %parallel_loop3A_372, %parallel_loop3A_373], %parallel_loop3A_364 {strides = array<i32>} : memref<25x1x128xf32, #tpu.memory_space<vmem>>, vector<16xf32>,
        %parallel_loop3A_375 = arith.constant 1 : i32
        %parallel_loop3A_376 = arith.addi %parallel_loop3A_214, %parallel_loop3A_375 : i32
        %parallel_loop3A_377 = arith.constant 0 : i32
        %parallel_loop3A_378 = arith.constant 0 : i32
        %parallel_loop3A_379 = arith.constant 0 : i32
        %parallel_loop3A_380 = arith.constant 0 : i32
        %parallel_loop3A_381 = tpu.memref_slice %arg6[%rem3A_160, %parallel_loop3A_378, %parallel_loop3A_379, %parallel_loop3A_380] : memref<3x26x2x128xi32, #tpu.memory_space<vmem>> -> memref<1x26x2x128xi32, #tpu.memory_space<vmem>>
        %parallel_loop3A_382 = tpu.memref_squeeze %parallel_loop3A_381 : memref<1x26x2x128xi32, #tpu.memory_space<vmem>> -> memref<26x2x128xi32, #tpu.memory_space<vmem>>
        %parallel_loop3A_383 = arith.index_cast %parallel_loop3A_376 : i32 to index
        %parallel_loop3A_384 = arith.index_cast %parallel_loop3A_377 : i32 to index
        %parallel_loop3A_385 = arith.constant 32 : index
        %parallel_loop3A_386 = tpu.vector_load %parallel_loop3A_382[%parallel_loop3A_383, %parallel_loop3A_384, %parallel_loop3A_385] {strides = array<i32>} : memref<26x2x128xi32, #tpu.memory_space<vmem>>, vector<16xi32>,
        %parallel_loop3A_387 = arith.constant 1 : i32
        %parallel_loop3A_388 = arith.addi %parallel_loop3A_214, %parallel_loop3A_387 : i32
        %parallel_loop3A_389 = arith.constant 1 : i32
        %parallel_loop3A_390 = arith.constant 0 : i32
        %parallel_loop3A_391 = arith.constant 0 : i32
        %parallel_loop3A_392 = arith.constant 0 : i32
        %parallel_loop3A_393 = tpu.memref_slice %arg6[%rem3A_160, %parallel_loop3A_390, %parallel_loop3A_391, %parallel_loop3A_392] : memref<3x26x2x128xi32, #tpu.memory_space<vmem>> -> memref<1x26x2x128xi32, #tpu.memory_space<vmem>>
        %parallel_loop3A_394 = tpu.memref_squeeze %parallel_loop3A_393 : memref<1x26x2x128xi32, #tpu.memory_space<vmem>> -> memref<26x2x128xi32, #tpu.memory_space<vmem>>
        %parallel_loop3A_395 = arith.index_cast %parallel_loop3A_388 : i32 to index
        %parallel_loop3A_396 = arith.index_cast %parallel_loop3A_389 : i32 to index
        %parallel_loop3A_397 = arith.constant 32 : index
        %parallel_loop3A_398 = tpu.vector_load %parallel_loop3A_394[%parallel_loop3A_395, %parallel_loop3A_396, %parallel_loop3A_397] {strides = array<i32>} : memref<26x2x128xi32, #tpu.memory_space<vmem>>, vector<16xi32>,
        %parallel_loop3A_399 = tpu.vector_load_idx %arg5[%parallel_loop3A_386] : memref<100000xf32, #tpu.memory_space<vmem>>[vector<16xi32>], vector<16xf32>,
        %parallel_loop3A_400 = tpu.vector_load_idx %arg5[%parallel_loop3A_398] : memref<100000xf32, #tpu.memory_space<vmem>>[vector<16xi32>], vector<16xf32>,
        %parallel_loop3A_401 = arith.maximumf %parallel_loop3A_399, %parallel_loop3A_400 : vector<16xf32>
        %parallel_loop3A_402 = arith.constant 9.99999974E-5 : f32
        %parallel_loop3A_403 = vector.broadcast %parallel_loop3A_402 : f32 to vector<16xf32>
        %parallel_loop3A_404 = arith.addf %parallel_loop3A_401, %parallel_loop3A_403 : vector<16xf32>
        %parallel_loop3A_405 = arith.constant 0 : i32
        %parallel_loop3A_406 = arith.constant 0 : i32
        %parallel_loop3A_407 = arith.constant 0 : i32
        %parallel_loop3A_408 = arith.constant 0 : i32
        %parallel_loop3A_409 = tpu.memref_slice %arg7[%rem3A_160, %parallel_loop3A_406, %parallel_loop3A_407, %parallel_loop3A_408] : memref<3x25x1x128xf32, #tpu.memory_space<vmem>> -> memref<1x25x1x128xf32, #tpu.memory_space<vmem>>
        %parallel_loop3A_410 = tpu.memref_squeeze %parallel_loop3A_409 : memref<1x25x1x128xf32, #tpu.memory_space<vmem>> -> memref<25x1x128xf32, #tpu.memory_space<vmem>>
        %parallel_loop3A_411 = arith.index_cast %parallel_loop3A_214 : i32 to index
        %parallel_loop3A_412 = arith.index_cast %parallel_loop3A_405 : i32 to index
        %parallel_loop3A_413 = arith.constant 64 : index
        %parallel_loop3A_414 = tpu.vector_load %parallel_loop3A_410[%parallel_loop3A_411, %parallel_loop3A_412, %parallel_loop3A_413] {strides = array<i32>} : memref<25x1x128xf32, #tpu.memory_space<vmem>>, vector<16xf32>,
        tpu.vector_store %parallel_loop3A_410[%parallel_loop3A_411, %parallel_loop3A_412, %parallel_loop3A_413], %parallel_loop3A_404 {strides = array<i32>} : memref<25x1x128xf32, #tpu.memory_space<vmem>>, vector<16xf32>,
        %parallel_loop3A_415 = arith.constant 1 : i32
        %parallel_loop3A_416 = arith.addi %parallel_loop3A_214, %parallel_loop3A_415 : i32
        %parallel_loop3A_417 = arith.constant 0 : i32
        %parallel_loop3A_418 = arith.constant 0 : i32
        %parallel_loop3A_419 = arith.constant 0 : i32
        %parallel_loop3A_420 = arith.constant 0 : i32
        %parallel_loop3A_421 = tpu.memref_slice %arg6[%rem3A_160, %parallel_loop3A_418, %parallel_loop3A_419, %parallel_loop3A_420] : memref<3x26x2x128xi32, #tpu.memory_space<vmem>> -> memref<1x26x2x128xi32, #tpu.memory_space<vmem>>
        %parallel_loop3A_422 = tpu.memref_squeeze %parallel_loop3A_421 : memref<1x26x2x128xi32, #tpu.memory_space<vmem>> -> memref<26x2x128xi32, #tpu.memory_space<vmem>>
        %parallel_loop3A_423 = arith.index_cast %parallel_loop3A_416 : i32 to index
        %parallel_loop3A_424 = arith.index_cast %parallel_loop3A_417 : i32 to index
        %parallel_loop3A_425 = arith.constant 48 : index
        %parallel_loop3A_426 = tpu.vector_load %parallel_loop3A_422[%parallel_loop3A_423, %parallel_loop3A_424, %parallel_loop3A_425] {strides = array<i32>} : memref<26x2x128xi32, #tpu.memory_space<vmem>>, vector<16xi32>,
        %parallel_loop3A_427 = arith.constant 1 : i32
        %parallel_loop3A_428 = arith.addi %parallel_loop3A_214, %parallel_loop3A_427 : i32
        %parallel_loop3A_429 = arith.constant 1 : i32
        %parallel_loop3A_430 = arith.constant 0 : i32
        %parallel_loop3A_431 = arith.constant 0 : i32
        %parallel_loop3A_432 = arith.constant 0 : i32
        %parallel_loop3A_433 = tpu.memref_slice %arg6[%rem3A_160, %parallel_loop3A_430, %parallel_loop3A_431, %parallel_loop3A_432] : memref<3x26x2x128xi32, #tpu.memory_space<vmem>> -> memref<1x26x2x128xi32, #tpu.memory_space<vmem>>
        %parallel_loop3A_434 = tpu.memref_squeeze %parallel_loop3A_433 : memref<1x26x2x128xi32, #tpu.memory_space<vmem>> -> memref<26x2x128xi32, #tpu.memory_space<vmem>>
        %parallel_loop3A_435 = arith.index_cast %parallel_loop3A_428 : i32 to index
        %parallel_loop3A_436 = arith.index_cast %parallel_loop3A_429 : i32 to index
        %parallel_loop3A_437 = arith.constant 48 : index
        %parallel_loop3A_438 = tpu.vector_load %parallel_loop3A_434[%parallel_loop3A_435, %parallel_loop3A_436, %parallel_loop3A_437] {strides = array<i32>} : memref<26x2x128xi32, #tpu.memory_space<vmem>>, vector<16xi32>,
        %parallel_loop3A_439 = tpu.vector_load_idx %arg5[%parallel_loop3A_426] : memref<100000xf32, #tpu.memory_space<vmem>>[vector<16xi32>], vector<16xf32>,
        %parallel_loop3A_440 = tpu.vector_load_idx %arg5[%parallel_loop3A_438] : memref<100000xf32, #tpu.memory_space<vmem>>[vector<16xi32>], vector<16xf32>,
        %parallel_loop3A_441 = arith.maximumf %parallel_loop3A_439, %parallel_loop3A_440 : vector<16xf32>
        %parallel_loop3A_442 = arith.constant 9.99999974E-5 : f32
        %parallel_loop3A_443 = vector.broadcast %parallel_loop3A_442 : f32 to vector<16xf32>
        %parallel_loop3A_444 = arith.addf %parallel_loop3A_441, %parallel_loop3A_443 : vector<16xf32>
        %parallel_loop3A_445 = arith.constant 0 : i32
        %parallel_loop3A_446 = arith.constant 0 : i32
        %parallel_loop3A_447 = arith.constant 0 : i32
        %parallel_loop3A_448 = arith.constant 0 : i32
        %parallel_loop3A_449 = tpu.memref_slice %arg7[%rem3A_160, %parallel_loop3A_446, %parallel_loop3A_447, %parallel_loop3A_448] : memref<3x25x1x128xf32, #tpu.memory_space<vmem>> -> memref<1x25x1x128xf32, #tpu.memory_space<vmem>>
        %parallel_loop3A_450 = tpu.memref_squeeze %parallel_loop3A_449 : memref<1x25x1x128xf32, #tpu.memory_space<vmem>> -> memref<25x1x128xf32, #tpu.memory_space<vmem>>
        %parallel_loop3A_451 = arith.index_cast %parallel_loop3A_214 : i32 to index
        %parallel_loop3A_452 = arith.index_cast %parallel_loop3A_445 : i32 to index
        %parallel_loop3A_453 = arith.constant 80 : index
        %parallel_loop3A_454 = tpu.vector_load %parallel_loop3A_450[%parallel_loop3A_451, %parallel_loop3A_452, %parallel_loop3A_453] {strides = array<i32>} : memref<25x1x128xf32, #tpu.memory_space<vmem>>, vector<16xf32>,
        tpu.vector_store %parallel_loop3A_450[%parallel_loop3A_451, %parallel_loop3A_452, %parallel_loop3A_453], %parallel_loop3A_444 {strides = array<i32>} : memref<25x1x128xf32, #tpu.memory_space<vmem>>, vector<16xf32>,
        %parallel_loop3A_455 = arith.constant 1 : i32
        %parallel_loop3A_456 = arith.addi %parallel_loop3A_214, %parallel_loop3A_455 : i32
        %parallel_loop3A_457 = arith.constant 0 : i32
        %parallel_loop3A_458 = arith.constant 0 : i32
        %parallel_loop3A_459 = arith.constant 0 : i32
        %parallel_loop3A_460 = arith.constant 0 : i32
        %parallel_loop3A_461 = tpu.memref_slice %arg6[%rem3A_160, %parallel_loop3A_458, %parallel_loop3A_459, %parallel_loop3A_460] : memref<3x26x2x128xi32, #tpu.memory_space<vmem>> -> memref<1x26x2x128xi32, #tpu.memory_space<vmem>>
        %parallel_loop3A_462 = tpu.memref_squeeze %parallel_loop3A_461 : memref<1x26x2x128xi32, #tpu.memory_space<vmem>> -> memref<26x2x128xi32, #tpu.memory_space<vmem>>
        %parallel_loop3A_463 = arith.index_cast %parallel_loop3A_456 : i32 to index
        %parallel_loop3A_464 = arith.index_cast %parallel_loop3A_457 : i32 to index
        %parallel_loop3A_465 = arith.constant 64 : index
        %parallel_loop3A_466 = tpu.vector_load %parallel_loop3A_462[%parallel_loop3A_463, %parallel_loop3A_464, %parallel_loop3A_465] {strides = array<i32>} : memref<26x2x128xi32, #tpu.memory_space<vmem>>, vector<16xi32>,
        %parallel_loop3A_467 = arith.constant 1 : i32
        %parallel_loop3A_468 = arith.addi %parallel_loop3A_214, %parallel_loop3A_467 : i32
        %parallel_loop3A_469 = arith.constant 1 : i32
        %parallel_loop3A_470 = arith.constant 0 : i32
        %parallel_loop3A_471 = arith.constant 0 : i32
        %parallel_loop3A_472 = arith.constant 0 : i32
        %parallel_loop3A_473 = tpu.memref_slice %arg6[%rem3A_160, %parallel_loop3A_470, %parallel_loop3A_471, %parallel_loop3A_472] : memref<3x26x2x128xi32, #tpu.memory_space<vmem>> -> memref<1x26x2x128xi32, #tpu.memory_space<vmem>>
        %parallel_loop3A_474 = tpu.memref_squeeze %parallel_loop3A_473 : memref<1x26x2x128xi32, #tpu.memory_space<vmem>> -> memref<26x2x128xi32, #tpu.memory_space<vmem>>
        %parallel_loop3A_475 = arith.index_cast %parallel_loop3A_468 : i32 to index
        %parallel_loop3A_476 = arith.index_cast %parallel_loop3A_469 : i32 to index
        %parallel_loop3A_477 = arith.constant 64 : index
        %parallel_loop3A_478 = tpu.vector_load %parallel_loop3A_474[%parallel_loop3A_475, %parallel_loop3A_476, %parallel_loop3A_477] {strides = array<i32>} : memref<26x2x128xi32, #tpu.memory_space<vmem>>, vector<16xi32>,
        %parallel_loop3A_479 = tpu.vector_load_idx %arg5[%parallel_loop3A_466] : memref<100000xf32, #tpu.memory_space<vmem>>[vector<16xi32>], vector<16xf32>,
        %parallel_loop3A_480 = tpu.vector_load_idx %arg5[%parallel_loop3A_478] : memref<100000xf32, #tpu.memory_space<vmem>>[vector<16xi32>], vector<16xf32>,
        %parallel_loop3A_481 = arith.maximumf %parallel_loop3A_479, %parallel_loop3A_480 : vector<16xf32>
        %parallel_loop3A_482 = arith.constant 9.99999974E-5 : f32
        %parallel_loop3A_483 = vector.broadcast %parallel_loop3A_482 : f32 to vector<16xf32>
        %parallel_loop3A_484 = arith.addf %parallel_loop3A_481, %parallel_loop3A_483 : vector<16xf32>
        %parallel_loop3A_485 = arith.constant 0 : i32
        %parallel_loop3A_486 = arith.constant 0 : i32
        %parallel_loop3A_487 = arith.constant 0 : i32
        %parallel_loop3A_488 = arith.constant 0 : i32
        %parallel_loop3A_489 = tpu.memref_slice %arg7[%rem3A_160, %parallel_loop3A_486, %parallel_loop3A_487, %parallel_loop3A_488] : memref<3x25x1x128xf32, #tpu.memory_space<vmem>> -> memref<1x25x1x128xf32, #tpu.memory_space<vmem>>
        %parallel_loop3A_490 = tpu.memref_squeeze %parallel_loop3A_489 : memref<1x25x1x128xf32, #tpu.memory_space<vmem>> -> memref<25x1x128xf32, #tpu.memory_space<vmem>>
        %parallel_loop3A_491 = arith.index_cast %parallel_loop3A_214 : i32 to index
        %parallel_loop3A_492 = arith.index_cast %parallel_loop3A_485 : i32 to index
        %parallel_loop3A_493 = arith.constant 96 : index
        %parallel_loop3A_494 = tpu.vector_load %parallel_loop3A_490[%parallel_loop3A_491, %parallel_loop3A_492, %parallel_loop3A_493] {strides = array<i32>} : memref<25x1x128xf32, #tpu.memory_space<vmem>>, vector<16xf32>,
        tpu.vector_store %parallel_loop3A_490[%parallel_loop3A_491, %parallel_loop3A_492, %parallel_loop3A_493], %parallel_loop3A_484 {strides = array<i32>} : memref<25x1x128xf32, #tpu.memory_space<vmem>>, vector<16xf32>,
        %parallel_loop3A_495 = arith.constant 1 : i32
        %parallel_loop3A_496 = arith.addi %parallel_loop3A_214, %parallel_loop3A_495 : i32
        %parallel_loop3A_497 = arith.constant 0 : i32
        %parallel_loop3A_498 = arith.constant 0 : i32
        %parallel_loop3A_499 = arith.constant 0 : i32
        %parallel_loop3A_500 = arith.constant 0 : i32
        %parallel_loop3A_501 = tpu.memref_slice %arg6[%rem3A_160, %parallel_loop3A_498, %parallel_loop3A_499, %parallel_loop3A_500] : memref<3x26x2x128xi32, #tpu.memory_space<vmem>> -> memref<1x26x2x128xi32, #tpu.memory_space<vmem>>
        %parallel_loop3A_502 = tpu.memref_squeeze %parallel_loop3A_501 : memref<1x26x2x128xi32, #tpu.memory_space<vmem>> -> memref<26x2x128xi32, #tpu.memory_space<vmem>>
        %parallel_loop3A_503 = arith.index_cast %parallel_loop3A_496 : i32 to index
        %parallel_loop3A_504 = arith.index_cast %parallel_loop3A_497 : i32 to index
        %parallel_loop3A_505 = arith.constant 80 : index
        %parallel_loop3A_506 = tpu.vector_load %parallel_loop3A_502[%parallel_loop3A_503, %parallel_loop3A_504, %parallel_loop3A_505] {strides = array<i32>} : memref<26x2x128xi32, #tpu.memory_space<vmem>>, vector<16xi32>,
        %parallel_loop3A_507 = arith.constant 1 : i32
        %parallel_loop3A_508 = arith.addi %parallel_loop3A_214, %parallel_loop3A_507 : i32
        %parallel_loop3A_509 = arith.constant 1 : i32
        %parallel_loop3A_510 = arith.constant 0 : i32
        %parallel_loop3A_511 = arith.constant 0 : i32
        %parallel_loop3A_512 = arith.constant 0 : i32
        %parallel_loop3A_513 = tpu.memref_slice %arg6[%rem3A_160, %parallel_loop3A_510, %parallel_loop3A_511, %parallel_loop3A_512] : memref<3x26x2x128xi32, #tpu.memory_space<vmem>> -> memref<1x26x2x128xi32, #tpu.memory_space<vmem>>
        %parallel_loop3A_514 = tpu.memref_squeeze %parallel_loop3A_513 : memref<1x26x2x128xi32, #tpu.memory_space<vmem>> -> memref<26x2x128xi32, #tpu.memory_space<vmem>>
        %parallel_loop3A_515 = arith.index_cast %parallel_loop3A_508 : i32 to index
        %parallel_loop3A_516 = arith.index_cast %parallel_loop3A_509 : i32 to index
        %parallel_loop3A_517 = arith.constant 80 : index
        %parallel_loop3A_518 = tpu.vector_load %parallel_loop3A_514[%parallel_loop3A_515, %parallel_loop3A_516, %parallel_loop3A_517] {strides = array<i32>} : memref<26x2x128xi32, #tpu.memory_space<vmem>>, vector<16xi32>,
        %parallel_loop3A_519 = tpu.vector_load_idx %arg5[%parallel_loop3A_506] : memref<100000xf32, #tpu.memory_space<vmem>>[vector<16xi32>], vector<16xf32>,
        %parallel_loop3A_520 = tpu.vector_load_idx %arg5[%parallel_loop3A_518] : memref<100000xf32, #tpu.memory_space<vmem>>[vector<16xi32>], vector<16xf32>,
        %parallel_loop3A_521 = arith.maximumf %parallel_loop3A_519, %parallel_loop3A_520 : vector<16xf32>
        %parallel_loop3A_522 = arith.constant 9.99999974E-5 : f32
        %parallel_loop3A_523 = vector.broadcast %parallel_loop3A_522 : f32 to vector<16xf32>
        %parallel_loop3A_524 = arith.addf %parallel_loop3A_521, %parallel_loop3A_523 : vector<16xf32>
        %parallel_loop3A_525 = arith.constant 0 : i32
        %parallel_loop3A_526 = arith.constant 0 : i32
        %parallel_loop3A_527 = arith.constant 0 : i32
        %parallel_loop3A_528 = arith.constant 0 : i32
        %parallel_loop3A_529 = tpu.memref_slice %arg7[%rem3A_160, %parallel_loop3A_526, %parallel_loop3A_527, %parallel_loop3A_528] : memref<3x25x1x128xf32, #tpu.memory_space<vmem>> -> memref<1x25x1x128xf32, #tpu.memory_space<vmem>>
        %parallel_loop3A_530 = tpu.memref_squeeze %parallel_loop3A_529 : memref<1x25x1x128xf32, #tpu.memory_space<vmem>> -> memref<25x1x128xf32, #tpu.memory_space<vmem>>
        %parallel_loop3A_531 = arith.index_cast %parallel_loop3A_214 : i32 to index
        %parallel_loop3A_532 = arith.index_cast %parallel_loop3A_525 : i32 to index
        %parallel_loop3A_533 = arith.constant 112 : index
        %parallel_loop3A_534 = tpu.vector_load %parallel_loop3A_530[%parallel_loop3A_531, %parallel_loop3A_532, %parallel_loop3A_533] {strides = array<i32>} : memref<25x1x128xf32, #tpu.memory_space<vmem>>, vector<16xf32>,
        tpu.vector_store %parallel_loop3A_530[%parallel_loop3A_531, %parallel_loop3A_532, %parallel_loop3A_533], %parallel_loop3A_524 {strides = array<i32>} : memref<25x1x128xf32, #tpu.memory_space<vmem>>, vector<16xf32>,
      } {sc.loop_unroll_factor = 4 : i64, sc.parallel_access}
      %mul3A_195 = arith.constant 25 : i32
      %mul3A_196 = arith.muli %while3A_158, %mul3A_195 : i32
      %add3A_197 = arith.addi %add3A_13, %mul3A_196 : i32
      %dma_start3A_198 = arith.constant 0 : i32
      %dma_start3A_199 = arith.constant 0 : i32
      %dma_start3A_200 = arith.constant 0 : i32
      %dma_start3A_201 = tpu.memref_slice %arg7[%rem3A_160, %dma_start3A_198, %dma_start3A_199, %dma_start3A_200] : memref<3x25x1x128xf32, #tpu.memory_space<vmem>> -> memref<1x25x1x128xf32, #tpu.memory_space<vmem>>
      %dma_start3A_202 = tpu.memref_squeeze %dma_start3A_201 : memref<1x25x1x128xf32, #tpu.memory_space<vmem>> -> memref<25x1x128xf32, #tpu.memory_space<vmem>>
      %dma_start3A_203 = arith.constant 0 : i32
      %dma_start3A_204 = tpu.memref_slice %arg4[%add3A_197, %arg0, %dma_start3A_203] : memref<50782x2x128xf32, #tpu.memory_space<hbm>> -> memref<25x1x128xf32, #tpu.memory_space<hbm>>
      %dma_start3A_205 = tpu.memref_slice %arg11[%rem3A_160] : memref<3x!tpu.dma_semaphore, #tpu.memory_space<semaphore_mem>> -> memref<1x!tpu.dma_semaphore, #tpu.memory_space<semaphore_mem>>
      %dma_start3A_206 = tpu.memref_squeeze %dma_start3A_205 : memref<1x!tpu.dma_semaphore, #tpu.memory_space<semaphore_mem>> -> memref<!tpu.dma_semaphore, #tpu.memory_space<semaphore_mem>>
      %dma_start3A_207 = arith.constant 0 : i32
      %dma_start3A_208 = tpu.memref_slice %arg4[%add3A_197, %arg0, %dma_start3A_207] : memref<50782x2x128xf32, #tpu.memory_space<hbm>> -> memref<25x1x128xf32, #tpu.memory_space<hbm>>
      %dma_start3A_209 = arith.constant 0 : i32
      %dma_start3A_210 = arith.constant 0 : i32
      %dma_start3A_211 = arith.constant 0 : i32
      %dma_start3A_212 = tpu.memref_slice %arg7[%rem3A_160, %dma_start3A_209, %dma_start3A_210, %dma_start3A_211] : memref<3x25x1x128xf32, #tpu.memory_space<vmem>> -> memref<1x25x1x128xf32, #tpu.memory_space<vmem>>
      %dma_start3A_213 = tpu.memref_squeeze %dma_start3A_212 : memref<1x25x1x128xf32, #tpu.memory_space<vmem>> -> memref<25x1x128xf32, #tpu.memory_space<vmem>>
      tpu.enqueue_dma source(%dma_start3A_213 : memref<25x1x128xf32, #tpu.memory_space<vmem>>) target(%dma_start3A_208 : memref<25x1x128xf32, #tpu.memory_space<hbm>>) target_semaphore(%dma_start3A_206 : memref<!tpu.dma_semaphore, #tpu.memory_space<semaphore_mem>>)
    }
    %sub3A_74 = arith.constant 3 : i32
    %sub3A_75 = arith.subi %sub3A_17, %sub3A_74 : i32
    %sub3A_76 = arith.constant 3 : i32
    %sub3A_77 = arith.subi %sub3A_17, %sub3A_76 : i32
    %rem3A = arith.constant 3 : i32
    %rem3A_78 = arith.remsi %sub3A_77, %rem3A : i32
    %mul3A_79 = arith.constant 25 : i32
    %mul3A_80 = arith.muli %sub3A_75, %mul3A_79 : i32
    %add3A_81 = arith.addi %add3A_13, %mul3A_80 : i32
    %dma_wait3A = arith.constant 0 : i32
    %dma_wait3A_82 = arith.constant 0 : i32
    %dma_wait3A_83 = arith.constant 0 : i32
    %dma_wait3A_84 = tpu.memref_slice %arg7[%rem3A_78, %dma_wait3A, %dma_wait3A_82, %dma_wait3A_83] : memref<3x25x1x128xf32, #tpu.memory_space<vmem>> -> memref<1x25x1x128xf32, #tpu.memory_space<vmem>>
    %dma_wait3A_85 = tpu.memref_squeeze %dma_wait3A_84 : memref<1x25x1x128xf32, #tpu.memory_space<vmem>> -> memref<25x1x128xf32, #tpu.memory_space<vmem>>
    %dma_wait3A_86 = arith.constant 0 : i32
    %dma_wait3A_87 = tpu.memref_slice %arg4[%add3A_81, %arg0, %dma_wait3A_86] : memref<50782x2x128xf32, #tpu.memory_space<hbm>> -> memref<25x1x128xf32, #tpu.memory_space<hbm>>
    %dma_wait3A_88 = tpu.memref_slice %arg11[%rem3A_78] : memref<3x!tpu.dma_semaphore, #tpu.memory_space<semaphore_mem>> -> memref<1x!tpu.dma_semaphore, #tpu.memory_space<semaphore_mem>>
    %dma_wait3A_89 = tpu.memref_squeeze %dma_wait3A_88 : memref<1x!tpu.dma_semaphore, #tpu.memory_space<semaphore_mem>> -> memref<!tpu.dma_semaphore, #tpu.memory_space<semaphore_mem>>
    %dma_wait3A_90 = arith.constant 0 : i32
    %dma_wait3A_91 = tpu.memref_slice %arg4[%add3A_81, %arg0, %dma_wait3A_90] : memref<50782x2x128xf32, #tpu.memory_space<hbm>> -> memref<25x1x128xf32, #tpu.memory_space<hbm>>
    %dma_wait3A_92 = arith.constant 0 : i32
    %dma_wait3A_93 = arith.constant 0 : i32
    %dma_wait3A_94 = arith.constant 0 : i32
    %dma_wait3A_95 = tpu.memref_slice %arg7[%rem3A_78, %dma_wait3A_92, %dma_wait3A_93, %dma_wait3A_94] : memref<3x25x1x128xf32, #tpu.memory_space<vmem>> -> memref<1x25x1x128xf32, #tpu.memory_space<vmem>>
    %dma_wait3A_96 = tpu.memref_squeeze %dma_wait3A_95 : memref<1x25x1x128xf32, #tpu.memory_space<vmem>> -> memref<25x1x128xf32, #tpu.memory_space<vmem>>
    tpu.wait_dma2 semaphore(%dma_wait3A_89 : memref<!tpu.dma_semaphore, #tpu.memory_space<semaphore_mem>>) src(%dma_wait3A_96 : memref<25x1x128xf32, #tpu.memory_space<vmem>>) dst(%dma_wait3A_91 : memref<25x1x128xf32, #tpu.memory_space<hbm>>)
    %sub3A_97 = arith.constant 2 : i32
    %sub3A_98 = arith.subi %sub3A_17, %sub3A_97 : i32
    %sub3A_99 = arith.constant 2 : i32
    %sub3A_100 = arith.subi %sub3A_17, %sub3A_99 : i32
    %rem3A_101 = arith.constant 3 : i32
    %rem3A_102 = arith.remsi %sub3A_100, %rem3A_101 : i32
    %mul3A_103 = arith.constant 25 : i32
    %mul3A_104 = arith.muli %sub3A_98, %mul3A_103 : i32
    %add3A_105 = arith.addi %add3A_13, %mul3A_104 : i32
    %dma_wait3A_106 = arith.constant 0 : i32
    %dma_wait3A_107 = arith.constant 0 : i32
    %dma_wait3A_108 = arith.constant 0 : i32
    %dma_wait3A_109 = tpu.memref_slice %arg7[%rem3A_102, %dma_wait3A_106, %dma_wait3A_107, %dma_wait3A_108] : memref<3x25x1x128xf32, #tpu.memory_space<vmem>> -> memref<1x25x1x128xf32, #tpu.memory_space<vmem>>
    %dma_wait3A_110 = tpu.memref_squeeze %dma_wait3A_109 : memref<1x25x1x128xf32, #tpu.memory_space<vmem>> -> memref<25x1x128xf32, #tpu.memory_space<vmem>>
    %dma_wait3A_111 = arith.constant 0 : i32
    %dma_wait3A_112 = tpu.memref_slice %arg4[%add3A_105, %arg0, %dma_wait3A_111] : memref<50782x2x128xf32, #tpu.memory_space<hbm>> -> memref<25x1x128xf32, #tpu.memory_space<hbm>>
    %dma_wait3A_113 = tpu.memref_slice %arg11[%rem3A_102] : memref<3x!tpu.dma_semaphore, #tpu.memory_space<semaphore_mem>> -> memref<1x!tpu.dma_semaphore, #tpu.memory_space<semaphore_mem>>
    %dma_wait3A_114 = tpu.memref_squeeze %dma_wait3A_113 : memref<1x!tpu.dma_semaphore, #tpu.memory_space<semaphore_mem>> -> memref<!tpu.dma_semaphore, #tpu.memory_space<semaphore_mem>>
    %dma_wait3A_115 = arith.constant 0 : i32
    %dma_wait3A_116 = tpu.memref_slice %arg4[%add3A_105, %arg0, %dma_wait3A_115] : memref<50782x2x128xf32, #tpu.memory_space<hbm>> -> memref<25x1x128xf32, #tpu.memory_space<hbm>>
    %dma_wait3A_117 = arith.constant 0 : i32
    %dma_wait3A_118 = arith.constant 0 : i32
    %dma_wait3A_119 = arith.constant 0 : i32
    %dma_wait3A_120 = tpu.memref_slice %arg7[%rem3A_102, %dma_wait3A_117, %dma_wait3A_118, %dma_wait3A_119] : memref<3x25x1x128xf32, #tpu.memory_space<vmem>> -> memref<1x25x1x128xf32, #tpu.memory_space<vmem>>
    %dma_wait3A_121 = tpu.memref_squeeze %dma_wait3A_120 : memref<1x25x1x128xf32, #tpu.memory_space<vmem>> -> memref<25x1x128xf32, #tpu.memory_space<vmem>>
    tpu.wait_dma2 semaphore(%dma_wait3A_114 : memref<!tpu.dma_semaphore, #tpu.memory_space<semaphore_mem>>) src(%dma_wait3A_121 : memref<25x1x128xf32, #tpu.memory_space<vmem>>) dst(%dma_wait3A_116 : memref<25x1x128xf32, #tpu.memory_space<hbm>>)
    %sub3A_122 = arith.constant 1 : i32
    %sub3A_123 = arith.subi %sub3A_17, %sub3A_122 : i32
    %sub3A_124 = arith.constant 1 : i32
    %sub3A_125 = arith.subi %sub3A_17, %sub3A_124 : i32
    %rem3A_126 = arith.constant 3 : i32
    %rem3A_127 = arith.remsi %sub3A_125, %rem3A_126 : i32
    %mul3A_128 = arith.constant 25 : i32
    %mul3A_129 = arith.muli %sub3A_123, %mul3A_128 : i32
    %add3A_130 = arith.addi %add3A_13, %mul3A_129 : i32
    %dma_wait3A_131 = arith.constant 0 : i32
    %dma_wait3A_132 = arith.constant 0 : i32
    %dma_wait3A_133 = arith.constant 0 : i32
    %dma_wait3A_134 = tpu.memref_slice %arg7[%rem3A_127, %dma_wait3A_131, %dma_wait3A_132, %dma_wait3A_133] : memref<3x25x1x128xf32, #tpu.memory_space<vmem>> -> memref<1x25x1x128xf32, #tpu.memory_space<vmem>>
    %dma_wait3A_135 = tpu.memref_squeeze %dma_wait3A_134 : memref<1x25x1x128xf32, #tpu.memory_space<vmem>> -> memref<25x1x128xf32, #tpu.memory_space<vmem>>
    %dma_wait3A_136 = arith.constant 0 : i32
    %dma_wait3A_137 = tpu.memref_slice %arg4[%add3A_130, %arg0, %dma_wait3A_136] : memref<50782x2x128xf32, #tpu.memory_space<hbm>> -> memref<25x1x128xf32, #tpu.memory_space<hbm>>
    %dma_wait3A_138 = tpu.memref_slice %arg11[%rem3A_127] : memref<3x!tpu.dma_semaphore, #tpu.memory_space<semaphore_mem>> -> memref<1x!tpu.dma_semaphore, #tpu.memory_space<semaphore_mem>>
    %dma_wait3A_139 = tpu.memref_squeeze %dma_wait3A_138 : memref<1x!tpu.dma_semaphore, #tpu.memory_space<semaphore_mem>> -> memref<!tpu.dma_semaphore, #tpu.memory_space<semaphore_mem>>
    %dma_wait3A_140 = arith.constant 0 : i32
    %dma_wait3A_141 = tpu.memref_slice %arg4[%add3A_130, %arg0, %dma_wait3A_140] : memref<50782x2x128xf32, #tpu.memory_space<hbm>> -> memref<25x1x128xf32, #tpu.memory_space<hbm>>
    %dma_wait3A_142 = arith.constant 0 : i32
    %dma_wait3A_143 = arith.constant 0 : i32
    %dma_wait3A_144 = arith.constant 0 : i32
    %dma_wait3A_145 = tpu.memref_slice %arg7[%rem3A_127, %dma_wait3A_142, %dma_wait3A_143, %dma_wait3A_144] : memref<3x25x1x128xf32, #tpu.memory_space<vmem>> -> memref<1x25x1x128xf32, #tpu.memory_space<vmem>>
    %dma_wait3A_146 = tpu.memref_squeeze %dma_wait3A_145 : memref<1x25x1x128xf32, #tpu.memory_space<vmem>> -> memref<25x1x128xf32, #tpu.memory_space<vmem>>
    tpu.wait_dma2 semaphore(%dma_wait3A_139 : memref<!tpu.dma_semaphore, #tpu.memory_space<semaphore_mem>>) src(%dma_wait3A_146 : memref<25x1x128xf32, #tpu.memory_space<vmem>>) dst(%dma_wait3A_141 : memref<25x1x128xf32, #tpu.memory_space<hbm>>)
    %scan3A_147 = arith.constant 0 : i32
    %scan3A_148 = arith.constant 0 : i32
    %scan3A_149 = arith.constant 49 : i32
    %scan3A_150 = arith.addi %scan3A_148, %scan3A_149 : i32
    %scan3A_151 = arith.constant 1 : i32
    scf.for %scan3A_158 = %scan3A_148 to %scan3A_150 step %scan3A_151  : i32 {
      %mul3A_159 = arith.constant 16 : i32
      %mul3A_160 = arith.muli %mul3A_159, %scan3A_158 : i32
      %add3A_161 = arith.addi %arg1, %mul3A_160 : i32
      %lt3A = arith.constant 781 : i32
      %lt3A_162 = arith.cmpi slt, %add3A_161, %lt3A : i32
      %convert_element_type3A_163 = arith.extui %lt3A_162 : i1 to i32
      %cond3A_164 = arith.constant 0 : i32
      %cond3A_165 = arith.cmpi ne, %convert_element_type3A_163, %cond3A_164 : i32
      scf.if %cond3A_165 {
        %mul3A_166 = arith.constant 128 : i32
        %mul3A_167 = arith.muli %add3A_161, %mul3A_166 : i32
        %dma_wait3A_168 = tpu.memref_slice %arg5[%mul3A_167] : memref<100000xf32, #tpu.memory_space<vmem>> -> memref<128xf32, #tpu.memory_space<vmem>>
        %dma_wait3A_169 = arith.constant 0 : i32
        %dma_wait3A_170 = tpu.memref_slice %arg4[%add3A_161, %arg0, %dma_wait3A_169] : memref<50782x2x128xf32, #tpu.memory_space<hbm>> -> memref<1x1x128xf32, #tpu.memory_space<hbm>>
        %dma_wait3A_171 = tpu.memref_squeeze %dma_wait3A_170 : memref<1x1x128xf32, #tpu.memory_space<hbm>> -> memref<128xf32, #tpu.memory_space<hbm>>
        %dma_wait3A_172 = arith.constant 0 : i32
        %dma_wait3A_173 = tpu.memref_slice %arg4[%add3A_161, %arg0, %dma_wait3A_172] : memref<50782x2x128xf32, #tpu.memory_space<hbm>> -> memref<1x1x128xf32, #tpu.memory_space<hbm>>
        %dma_wait3A_174 = tpu.memref_squeeze %dma_wait3A_173 : memref<1x1x128xf32, #tpu.memory_space<hbm>> -> memref<128xf32, #tpu.memory_space<hbm>>
        %dma_wait3A_175 = tpu.memref_slice %arg5[%mul3A_167] : memref<100000xf32, #tpu.memory_space<vmem>> -> memref<128xf32, #tpu.memory_space<vmem>>
        tpu.wait_dma2 semaphore(%arg12 : memref<!tpu.dma_semaphore, #tpu.memory_space<semaphore_mem>>) src(%dma_wait3A_175 : memref<128xf32, #tpu.memory_space<vmem>>) dst(%dma_wait3A_174 : memref<128xf32, #tpu.memory_space<hbm>>)
      } else {
      }
    }
    %scan3A_152 = arith.constant 49 : i32
    %eq3A_153 = arith.constant 15 : i32
    %eq3A_154 = arith.cmpi eq, %arg1, %eq3A_153 : i32
    %convert_element_type3A_155 = arith.extui %eq3A_154 : i1 to i32
    %cond3A_156 = arith.constant 0 : i32
    %cond3A_157 = arith.cmpi ne, %convert_element_type3A_155, %cond3A_156 : i32
    scf.if %cond3A_157 {
      %add3A_158 = arith.constant 3100 : i32
      %add3A_159 = arith.addi %add3A_13, %add3A_158 : i32
      %sub3A_160 = arith.constant 782 : i32
      %sub3A_161 = arith.subi %add3A_159, %sub3A_160 : i32
      %run_scoped3A = arith.constant 0 : i32
      "tpu.region"() ({
        %run_scoped3A_165 = tpu.sem_alloc : memref<!tpu.dma_semaphore, #tpu.memory_space<semaphore_mem>>
        %dma_start3A_166 = arith.constant 0 : i32
        %dma_start3A_167 = arith.constant 0 : i32
        %dma_start3A_168 = arith.constant 0 : i32
        %dma_start3A_169 = tpu.memref_slice %arg6[%run_scoped3A, %dma_start3A_166, %dma_start3A_167, %dma_start3A_168] : memref<3x26x2x128xi32, #tpu.memory_space<vmem>> -> memref<1x25x2x128xi32, #tpu.memory_space<vmem>>
        %dma_start3A_170 = tpu.memref_squeeze %dma_start3A_169 : memref<1x25x2x128xi32, #tpu.memory_space<vmem>> -> memref<25x2x128xi32, #tpu.memory_space<vmem>>
        %dma_start3A_171 = arith.constant 0 : i32
        %dma_start3A_172 = arith.constant 0 : i32
        %dma_start3A_173 = tpu.memref_slice %arg3[%sub3A_161, %dma_start3A_171, %dma_start3A_172] : memref<50000x2x128xi32, #tpu.memory_space<hbm>> -> memref<25x2x128xi32, #tpu.memory_space<hbm>>
        %dma_start3A_174 = arith.constant 0 : i32
        %dma_start3A_175 = arith.constant 0 : i32
        %dma_start3A_176 = arith.constant 0 : i32
        %dma_start3A_177 = tpu.memref_slice %arg6[%run_scoped3A, %dma_start3A_174, %dma_start3A_175, %dma_start3A_176] : memref<3x26x2x128xi32, #tpu.memory_space<vmem>> -> memref<1x25x2x128xi32, #tpu.memory_space<vmem>>
        %dma_start3A_178 = tpu.memref_squeeze %dma_start3A_177 : memref<1x25x2x128xi32, #tpu.memory_space<vmem>> -> memref<25x2x128xi32, #tpu.memory_space<vmem>>
        %dma_start3A_179 = arith.constant 0 : i32
        %dma_start3A_180 = arith.constant 0 : i32
        %dma_start3A_181 = tpu.memref_slice %arg3[%sub3A_161, %dma_start3A_179, %dma_start3A_180] : memref<50000x2x128xi32, #tpu.memory_space<hbm>> -> memref<25x2x128xi32, #tpu.memory_space<hbm>>
        tpu.enqueue_dma source(%dma_start3A_181 : memref<25x2x128xi32, #tpu.memory_space<hbm>>) target(%dma_start3A_178 : memref<25x2x128xi32, #tpu.memory_space<vmem>>) target_semaphore(%run_scoped3A_165 : memref<!tpu.dma_semaphore, #tpu.memory_space<semaphore_mem>>)
        %dma_wait3A_182 = arith.constant 0 : i32
        %dma_wait3A_183 = arith.constant 0 : i32
        %dma_wait3A_184 = arith.constant 0 : i32
        %dma_wait3A_185 = tpu.memref_slice %arg6[%run_scoped3A, %dma_wait3A_182, %dma_wait3A_183, %dma_wait3A_184] : memref<3x26x2x128xi32, #tpu.memory_space<vmem>> -> memref<1x25x2x128xi32, #tpu.memory_space<vmem>>
        %dma_wait3A_186 = tpu.memref_squeeze %dma_wait3A_185 : memref<1x25x2x128xi32, #tpu.memory_space<vmem>> -> memref<25x2x128xi32, #tpu.memory_space<vmem>>
        %dma_wait3A_187 = arith.constant 0 : i32
        %dma_wait3A_188 = arith.constant 0 : i32
        %dma_wait3A_189 = tpu.memref_slice %arg3[%sub3A_161, %dma_wait3A_187, %dma_wait3A_188] : memref<50000x2x128xi32, #tpu.memory_space<hbm>> -> memref<25x2x128xi32, #tpu.memory_space<hbm>>
        %dma_wait3A_190 = arith.constant 0 : i32
        %dma_wait3A_191 = arith.constant 0 : i32
        %dma_wait3A_192 = arith.constant 0 : i32
        %dma_wait3A_193 = tpu.memref_slice %arg6[%run_scoped3A, %dma_wait3A_190, %dma_wait3A_191, %dma_wait3A_192] : memref<3x26x2x128xi32, #tpu.memory_space<vmem>> -> memref<1x25x2x128xi32, #tpu.memory_space<vmem>>
        %dma_wait3A_194 = tpu.memref_squeeze %dma_wait3A_193 : memref<1x25x2x128xi32, #tpu.memory_space<vmem>> -> memref<25x2x128xi32, #tpu.memory_space<vmem>>
        %dma_wait3A_195 = arith.constant 0 : i32
        %dma_wait3A_196 = arith.constant 0 : i32
        %dma_wait3A_197 = tpu.memref_slice %arg3[%sub3A_161, %dma_wait3A_195, %dma_wait3A_196] : memref<50000x2x128xi32, #tpu.memory_space<hbm>> -> memref<25x2x128xi32, #tpu.memory_space<hbm>>
        tpu.wait_dma2 semaphore(%run_scoped3A_165 : memref<!tpu.dma_semaphore, #tpu.memory_space<semaphore_mem>>) src(%dma_wait3A_197 : memref<25x2x128xi32, #tpu.memory_space<hbm>>) dst(%dma_wait3A_194 : memref<25x2x128xi32, #tpu.memory_space<vmem>>)
        tpu.yield
      }) : () -> ()
      %parallel_loop3A = arith.constant 0 : i32
      %parallel_loop3A_162 = arith.constant 24 : i32
      %parallel_loop3A_163 = arith.constant 1 : i32
      scf.for %parallel_loop3A_165 = %parallel_loop3A to %parallel_loop3A_162 step %parallel_loop3A_163  : i32 {
        %parallel_loop3A_166 = arith.constant 0 : i32
        %parallel_loop3A_167 = arith.addi %parallel_loop3A_165, %parallel_loop3A_166 : i32
        %parallel_loop3A_168 = arith.constant 0 : i32
        %parallel_loop3A_169 = arith.constant 0 : i32
        %parallel_loop3A_170 = arith.constant 0 : i32
        %parallel_loop3A_171 = arith.constant 0 : i32
        %parallel_loop3A_172 = arith.constant 0 : i32
        %parallel_loop3A_173 = tpu.memref_slice %arg6[%parallel_loop3A_168, %parallel_loop3A_170, %parallel_loop3A_171, %parallel_loop3A_172] : memref<3x26x2x128xi32, #tpu.memory_space<vmem>> -> memref<1x26x2x128xi32, #tpu.memory_space<vmem>>
        %parallel_loop3A_174 = tpu.memref_squeeze %parallel_loop3A_173 : memref<1x26x2x128xi32, #tpu.memory_space<vmem>> -> memref<26x2x128xi32, #tpu.memory_space<vmem>>
        %parallel_loop3A_175 = arith.index_cast %parallel_loop3A_167 : i32 to index
        %parallel_loop3A_176 = arith.index_cast %parallel_loop3A_169 : i32 to index
        %parallel_loop3A_177 = arith.constant 96 : index
        %parallel_loop3A_178 = tpu.vector_load %parallel_loop3A_174[%parallel_loop3A_175, %parallel_loop3A_176, %parallel_loop3A_177] {strides = array<i32>} : memref<26x2x128xi32, #tpu.memory_space<vmem>>, vector<16xi32>,
        %parallel_loop3A_179 = arith.constant 0 : i32
        %parallel_loop3A_180 = arith.addi %parallel_loop3A_165, %parallel_loop3A_179 : i32
        %parallel_loop3A_181 = arith.constant 0 : i32
        %parallel_loop3A_182 = arith.constant 1 : i32
        %parallel_loop3A_183 = arith.constant 0 : i32
        %parallel_loop3A_184 = arith.constant 0 : i32
        %parallel_loop3A_185 = arith.constant 0 : i32
        %parallel_loop3A_186 = tpu.memref_slice %arg6[%parallel_loop3A_181, %parallel_loop3A_183, %parallel_loop3A_184, %parallel_loop3A_185] : memref<3x26x2x128xi32, #tpu.memory_space<vmem>> -> memref<1x26x2x128xi32, #tpu.memory_space<vmem>>
        %parallel_loop3A_187 = tpu.memref_squeeze %parallel_loop3A_186 : memref<1x26x2x128xi32, #tpu.memory_space<vmem>> -> memref<26x2x128xi32, #tpu.memory_space<vmem>>
        %parallel_loop3A_188 = arith.index_cast %parallel_loop3A_180 : i32 to index
        %parallel_loop3A_189 = arith.index_cast %parallel_loop3A_182 : i32 to index
        %parallel_loop3A_190 = arith.constant 96 : index
        %parallel_loop3A_191 = tpu.vector_load %parallel_loop3A_187[%parallel_loop3A_188, %parallel_loop3A_189, %parallel_loop3A_190] {strides = array<i32>} : memref<26x2x128xi32, #tpu.memory_space<vmem>>, vector<16xi32>,
        %parallel_loop3A_192 = tpu.vector_load_idx %arg5[%parallel_loop3A_178] : memref<100000xf32, #tpu.memory_space<vmem>>[vector<16xi32>], vector<16xf32>,
        %parallel_loop3A_193 = tpu.vector_load_idx %arg5[%parallel_loop3A_191] : memref<100000xf32, #tpu.memory_space<vmem>>[vector<16xi32>], vector<16xf32>,
        %parallel_loop3A_194 = arith.maximumf %parallel_loop3A_192, %parallel_loop3A_193 : vector<16xf32>
        %parallel_loop3A_195 = arith.constant 9.99999974E-5 : f32
        %parallel_loop3A_196 = vector.broadcast %parallel_loop3A_195 : f32 to vector<16xf32>
        %parallel_loop3A_197 = arith.addf %parallel_loop3A_194, %parallel_loop3A_196 : vector<16xf32>
        %parallel_loop3A_198 = arith.constant 0 : i32
        %parallel_loop3A_199 = arith.constant 0 : i32
        %parallel_loop3A_200 = arith.constant 0 : i32
        %parallel_loop3A_201 = arith.constant 0 : i32
        %parallel_loop3A_202 = arith.constant 0 : i32
        %parallel_loop3A_203 = tpu.memref_slice %arg7[%parallel_loop3A_198, %parallel_loop3A_200, %parallel_loop3A_201, %parallel_loop3A_202] : memref<3x25x1x128xf32, #tpu.memory_space<vmem>> -> memref<1x25x1x128xf32, #tpu.memory_space<vmem>>
        %parallel_loop3A_204 = tpu.memref_squeeze %parallel_loop3A_203 : memref<1x25x1x128xf32, #tpu.memory_space<vmem>> -> memref<25x1x128xf32, #tpu.memory_space<vmem>>
        %parallel_loop3A_205 = arith.index_cast %parallel_loop3A_165 : i32 to index
        %parallel_loop3A_206 = arith.index_cast %parallel_loop3A_199 : i32 to index
        %parallel_loop3A_207 = arith.constant 0 : index
        %parallel_loop3A_208 = tpu.vector_load %parallel_loop3A_204[%parallel_loop3A_205, %parallel_loop3A_206, %parallel_loop3A_207] {strides = array<i32>} : memref<25x1x128xf32, #tpu.memory_space<vmem>>, vector<16xf32>,
        tpu.vector_store %parallel_loop3A_204[%parallel_loop3A_205, %parallel_loop3A_206, %parallel_loop3A_207], %parallel_loop3A_197 {strides = array<i32>} : memref<25x1x128xf32, #tpu.memory_space<vmem>>, vector<16xf32>,
        %parallel_loop3A_209 = arith.constant 0 : i32
        %parallel_loop3A_210 = arith.addi %parallel_loop3A_165, %parallel_loop3A_209 : i32
        %parallel_loop3A_211 = arith.constant 0 : i32
        %parallel_loop3A_212 = arith.constant 0 : i32
        %parallel_loop3A_213 = arith.constant 0 : i32
        %parallel_loop3A_214 = arith.constant 0 : i32
        %parallel_loop3A_215 = arith.constant 0 : i32
        %parallel_loop3A_216 = tpu.memref_slice %arg6[%parallel_loop3A_211, %parallel_loop3A_213, %parallel_loop3A_214, %parallel_loop3A_215] : memref<3x26x2x128xi32, #tpu.memory_space<vmem>> -> memref<1x26x2x128xi32, #tpu.memory_space<vmem>>
        %parallel_loop3A_217 = tpu.memref_squeeze %parallel_loop3A_216 : memref<1x26x2x128xi32, #tpu.memory_space<vmem>> -> memref<26x2x128xi32, #tpu.memory_space<vmem>>
        %parallel_loop3A_218 = arith.index_cast %parallel_loop3A_210 : i32 to index
        %parallel_loop3A_219 = arith.index_cast %parallel_loop3A_212 : i32 to index
        %parallel_loop3A_220 = arith.constant 112 : index
        %parallel_loop3A_221 = tpu.vector_load %parallel_loop3A_217[%parallel_loop3A_218, %parallel_loop3A_219, %parallel_loop3A_220] {strides = array<i32>} : memref<26x2x128xi32, #tpu.memory_space<vmem>>, vector<16xi32>,
        %parallel_loop3A_222 = arith.constant 0 : i32
        %parallel_loop3A_223 = arith.addi %parallel_loop3A_165, %parallel_loop3A_222 : i32
        %parallel_loop3A_224 = arith.constant 0 : i32
        %parallel_loop3A_225 = arith.constant 1 : i32
        %parallel_loop3A_226 = arith.constant 0 : i32
        %parallel_loop3A_227 = arith.constant 0 : i32
        %parallel_loop3A_228 = arith.constant 0 : i32
        %parallel_loop3A_229 = tpu.memref_slice %arg6[%parallel_loop3A_224, %parallel_loop3A_226, %parallel_loop3A_227, %parallel_loop3A_228] : memref<3x26x2x128xi32, #tpu.memory_space<vmem>> -> memref<1x26x2x128xi32, #tpu.memory_space<vmem>>
        %parallel_loop3A_230 = tpu.memref_squeeze %parallel_loop3A_229 : memref<1x26x2x128xi32, #tpu.memory_space<vmem>> -> memref<26x2x128xi32, #tpu.memory_space<vmem>>
        %parallel_loop3A_231 = arith.index_cast %parallel_loop3A_223 : i32 to index
        %parallel_loop3A_232 = arith.index_cast %parallel_loop3A_225 : i32 to index
        %parallel_loop3A_233 = arith.constant 112 : index
        %parallel_loop3A_234 = tpu.vector_load %parallel_loop3A_230[%parallel_loop3A_231, %parallel_loop3A_232, %parallel_loop3A_233] {strides = array<i32>} : memref<26x2x128xi32, #tpu.memory_space<vmem>>, vector<16xi32>,
        %parallel_loop3A_235 = tpu.vector_load_idx %arg5[%parallel_loop3A_221] : memref<100000xf32, #tpu.memory_space<vmem>>[vector<16xi32>], vector<16xf32>,
        %parallel_loop3A_236 = tpu.vector_load_idx %arg5[%parallel_loop3A_234] : memref<100000xf32, #tpu.memory_space<vmem>>[vector<16xi32>], vector<16xf32>,
        %parallel_loop3A_237 = arith.maximumf %parallel_loop3A_235, %parallel_loop3A_236 : vector<16xf32>
        %parallel_loop3A_238 = arith.constant 9.99999974E-5 : f32
        %parallel_loop3A_239 = vector.broadcast %parallel_loop3A_238 : f32 to vector<16xf32>
        %parallel_loop3A_240 = arith.addf %parallel_loop3A_237, %parallel_loop3A_239 : vector<16xf32>
        %parallel_loop3A_241 = arith.constant 0 : i32
        %parallel_loop3A_242 = arith.constant 0 : i32
        %parallel_loop3A_243 = arith.constant 0 : i32
        %parallel_loop3A_244 = arith.constant 0 : i32
        %parallel_loop3A_245 = arith.constant 0 : i32
        %parallel_loop3A_246 = tpu.memref_slice %arg7[%parallel_loop3A_241, %parallel_loop3A_243, %parallel_loop3A_244, %parallel_loop3A_245] : memref<3x25x1x128xf32, #tpu.memory_space<vmem>> -> memref<1x25x1x128xf32, #tpu.memory_space<vmem>>
        %parallel_loop3A_247 = tpu.memref_squeeze %parallel_loop3A_246 : memref<1x25x1x128xf32, #tpu.memory_space<vmem>> -> memref<25x1x128xf32, #tpu.memory_space<vmem>>
        %parallel_loop3A_248 = arith.index_cast %parallel_loop3A_165 : i32 to index
        %parallel_loop3A_249 = arith.index_cast %parallel_loop3A_242 : i32 to index
        %parallel_loop3A_250 = arith.constant 16 : index
        %parallel_loop3A_251 = tpu.vector_load %parallel_loop3A_247[%parallel_loop3A_248, %parallel_loop3A_249, %parallel_loop3A_250] {strides = array<i32>} : memref<25x1x128xf32, #tpu.memory_space<vmem>>, vector<16xf32>,
        tpu.vector_store %parallel_loop3A_247[%parallel_loop3A_248, %parallel_loop3A_249, %parallel_loop3A_250], %parallel_loop3A_240 {strides = array<i32>} : memref<25x1x128xf32, #tpu.memory_space<vmem>>, vector<16xf32>,
        %parallel_loop3A_252 = arith.constant 1 : i32
        %parallel_loop3A_253 = arith.addi %parallel_loop3A_165, %parallel_loop3A_252 : i32
        %parallel_loop3A_254 = arith.constant 0 : i32
        %parallel_loop3A_255 = arith.constant 0 : i32
        %parallel_loop3A_256 = arith.constant 0 : i32
        %parallel_loop3A_257 = arith.constant 0 : i32
        %parallel_loop3A_258 = arith.constant 0 : i32
        %parallel_loop3A_259 = tpu.memref_slice %arg6[%parallel_loop3A_254, %parallel_loop3A_256, %parallel_loop3A_257, %parallel_loop3A_258] : memref<3x26x2x128xi32, #tpu.memory_space<vmem>> -> memref<1x26x2x128xi32, #tpu.memory_space<vmem>>
        %parallel_loop3A_260 = tpu.memref_squeeze %parallel_loop3A_259 : memref<1x26x2x128xi32, #tpu.memory_space<vmem>> -> memref<26x2x128xi32, #tpu.memory_space<vmem>>
        %parallel_loop3A_261 = arith.index_cast %parallel_loop3A_253 : i32 to index
        %parallel_loop3A_262 = arith.index_cast %parallel_loop3A_255 : i32 to index
        %parallel_loop3A_263 = arith.constant 0 : index
        %parallel_loop3A_264 = tpu.vector_load %parallel_loop3A_260[%parallel_loop3A_261, %parallel_loop3A_262, %parallel_loop3A_263] {strides = array<i32>} : memref<26x2x128xi32, #tpu.memory_space<vmem>>, vector<16xi32>,
        %parallel_loop3A_265 = arith.constant 1 : i32
        %parallel_loop3A_266 = arith.addi %parallel_loop3A_165, %parallel_loop3A_265 : i32
        %parallel_loop3A_267 = arith.constant 0 : i32
        %parallel_loop3A_268 = arith.constant 1 : i32
        %parallel_loop3A_269 = arith.constant 0 : i32
        %parallel_loop3A_270 = arith.constant 0 : i32
        %parallel_loop3A_271 = arith.constant 0 : i32
        %parallel_loop3A_272 = tpu.memref_slice %arg6[%parallel_loop3A_267, %parallel_loop3A_269, %parallel_loop3A_270, %parallel_loop3A_271] : memref<3x26x2x128xi32, #tpu.memory_space<vmem>> -> memref<1x26x2x128xi32, #tpu.memory_space<vmem>>
        %parallel_loop3A_273 = tpu.memref_squeeze %parallel_loop3A_272 : memref<1x26x2x128xi32, #tpu.memory_space<vmem>> -> memref<26x2x128xi32, #tpu.memory_space<vmem>>
        %parallel_loop3A_274 = arith.index_cast %parallel_loop3A_266 : i32 to index
        %parallel_loop3A_275 = arith.index_cast %parallel_loop3A_268 : i32 to index
        %parallel_loop3A_276 = arith.constant 0 : index
        %parallel_loop3A_277 = tpu.vector_load %parallel_loop3A_273[%parallel_loop3A_274, %parallel_loop3A_275, %parallel_loop3A_276] {strides = array<i32>} : memref<26x2x128xi32, #tpu.memory_space<vmem>>, vector<16xi32>,
        %parallel_loop3A_278 = tpu.vector_load_idx %arg5[%parallel_loop3A_264] : memref<100000xf32, #tpu.memory_space<vmem>>[vector<16xi32>], vector<16xf32>,
        %parallel_loop3A_279 = tpu.vector_load_idx %arg5[%parallel_loop3A_277] : memref<100000xf32, #tpu.memory_space<vmem>>[vector<16xi32>], vector<16xf32>,
        %parallel_loop3A_280 = arith.maximumf %parallel_loop3A_278, %parallel_loop3A_279 : vector<16xf32>
        %parallel_loop3A_281 = arith.constant 9.99999974E-5 : f32
        %parallel_loop3A_282 = vector.broadcast %parallel_loop3A_281 : f32 to vector<16xf32>
        %parallel_loop3A_283 = arith.addf %parallel_loop3A_280, %parallel_loop3A_282 : vector<16xf32>
        %parallel_loop3A_284 = arith.constant 0 : i32
        %parallel_loop3A_285 = arith.constant 0 : i32
        %parallel_loop3A_286 = arith.constant 0 : i32
        %parallel_loop3A_287 = arith.constant 0 : i32
        %parallel_loop3A_288 = arith.constant 0 : i32
        %parallel_loop3A_289 = tpu.memref_slice %arg7[%parallel_loop3A_284, %parallel_loop3A_286, %parallel_loop3A_287, %parallel_loop3A_288] : memref<3x25x1x128xf32, #tpu.memory_space<vmem>> -> memref<1x25x1x128xf32, #tpu.memory_space<vmem>>
        %parallel_loop3A_290 = tpu.memref_squeeze %parallel_loop3A_289 : memref<1x25x1x128xf32, #tpu.memory_space<vmem>> -> memref<25x1x128xf32, #tpu.memory_space<vmem>>
        %parallel_loop3A_291 = arith.index_cast %parallel_loop3A_165 : i32 to index
        %parallel_loop3A_292 = arith.index_cast %parallel_loop3A_285 : i32 to index
        %parallel_loop3A_293 = arith.constant 32 : index
        %parallel_loop3A_294 = tpu.vector_load %parallel_loop3A_290[%parallel_loop3A_291, %parallel_loop3A_292, %parallel_loop3A_293] {strides = array<i32>} : memref<25x1x128xf32, #tpu.memory_space<vmem>>, vector<16xf32>,
        tpu.vector_store %parallel_loop3A_290[%parallel_loop3A_291, %parallel_loop3A_292, %parallel_loop3A_293], %parallel_loop3A_283 {strides = array<i32>} : memref<25x1x128xf32, #tpu.memory_space<vmem>>, vector<16xf32>,
        %parallel_loop3A_295 = arith.constant 1 : i32
        %parallel_loop3A_296 = arith.addi %parallel_loop3A_165, %parallel_loop3A_295 : i32
        %parallel_loop3A_297 = arith.constant 0 : i32
        %parallel_loop3A_298 = arith.constant 0 : i32
        %parallel_loop3A_299 = arith.constant 0 : i32
        %parallel_loop3A_300 = arith.constant 0 : i32
        %parallel_loop3A_301 = arith.constant 0 : i32
        %parallel_loop3A_302 = tpu.memref_slice %arg6[%parallel_loop3A_297, %parallel_loop3A_299, %parallel_loop3A_300, %parallel_loop3A_301] : memref<3x26x2x128xi32, #tpu.memory_space<vmem>> -> memref<1x26x2x128xi32, #tpu.memory_space<vmem>>
        %parallel_loop3A_303 = tpu.memref_squeeze %parallel_loop3A_302 : memref<1x26x2x128xi32, #tpu.memory_space<vmem>> -> memref<26x2x128xi32, #tpu.memory_space<vmem>>
        %parallel_loop3A_304 = arith.index_cast %parallel_loop3A_296 : i32 to index
        %parallel_loop3A_305 = arith.index_cast %parallel_loop3A_298 : i32 to index
        %parallel_loop3A_306 = arith.constant 16 : index
        %parallel_loop3A_307 = tpu.vector_load %parallel_loop3A_303[%parallel_loop3A_304, %parallel_loop3A_305, %parallel_loop3A_306] {strides = array<i32>} : memref<26x2x128xi32, #tpu.memory_space<vmem>>, vector<16xi32>,
        %parallel_loop3A_308 = arith.constant 1 : i32
        %parallel_loop3A_309 = arith.addi %parallel_loop3A_165, %parallel_loop3A_308 : i32
        %parallel_loop3A_310 = arith.constant 0 : i32
        %parallel_loop3A_311 = arith.constant 1 : i32
        %parallel_loop3A_312 = arith.constant 0 : i32
        %parallel_loop3A_313 = arith.constant 0 : i32
        %parallel_loop3A_314 = arith.constant 0 : i32
        %parallel_loop3A_315 = tpu.memref_slice %arg6[%parallel_loop3A_310, %parallel_loop3A_312, %parallel_loop3A_313, %parallel_loop3A_314] : memref<3x26x2x128xi32, #tpu.memory_space<vmem>> -> memref<1x26x2x128xi32, #tpu.memory_space<vmem>>
        %parallel_loop3A_316 = tpu.memref_squeeze %parallel_loop3A_315 : memref<1x26x2x128xi32, #tpu.memory_space<vmem>> -> memref<26x2x128xi32, #tpu.memory_space<vmem>>
        %parallel_loop3A_317 = arith.index_cast %parallel_loop3A_309 : i32 to index
        %parallel_loop3A_318 = arith.index_cast %parallel_loop3A_311 : i32 to index
        %parallel_loop3A_319 = arith.constant 16 : index
        %parallel_loop3A_320 = tpu.vector_load %parallel_loop3A_316[%parallel_loop3A_317, %parallel_loop3A_318, %parallel_loop3A_319] {strides = array<i32>} : memref<26x2x128xi32, #tpu.memory_space<vmem>>, vector<16xi32>,
        %parallel_loop3A_321 = tpu.vector_load_idx %arg5[%parallel_loop3A_307] : memref<100000xf32, #tpu.memory_space<vmem>>[vector<16xi32>], vector<16xf32>,
        %parallel_loop3A_322 = tpu.vector_load_idx %arg5[%parallel_loop3A_320] : memref<100000xf32, #tpu.memory_space<vmem>>[vector<16xi32>], vector<16xf32>,
        %parallel_loop3A_323 = arith.maximumf %parallel_loop3A_321, %parallel_loop3A_322 : vector<16xf32>
        %parallel_loop3A_324 = arith.constant 9.99999974E-5 : f32
        %parallel_loop3A_325 = vector.broadcast %parallel_loop3A_324 : f32 to vector<16xf32>
        %parallel_loop3A_326 = arith.addf %parallel_loop3A_323, %parallel_loop3A_325 : vector<16xf32>
        %parallel_loop3A_327 = arith.constant 0 : i32
        %parallel_loop3A_328 = arith.constant 0 : i32
        %parallel_loop3A_329 = arith.constant 0 : i32
        %parallel_loop3A_330 = arith.constant 0 : i32
        %parallel_loop3A_331 = arith.constant 0 : i32
        %parallel_loop3A_332 = tpu.memref_slice %arg7[%parallel_loop3A_327, %parallel_loop3A_329, %parallel_loop3A_330, %parallel_loop3A_331] : memref<3x25x1x128xf32, #tpu.memory_space<vmem>> -> memref<1x25x1x128xf32, #tpu.memory_space<vmem>>
        %parallel_loop3A_333 = tpu.memref_squeeze %parallel_loop3A_332 : memref<1x25x1x128xf32, #tpu.memory_space<vmem>> -> memref<25x1x128xf32, #tpu.memory_space<vmem>>
        %parallel_loop3A_334 = arith.index_cast %parallel_loop3A_165 : i32 to index
        %parallel_loop3A_335 = arith.index_cast %parallel_loop3A_328 : i32 to index
        %parallel_loop3A_336 = arith.constant 48 : index
        %parallel_loop3A_337 = tpu.vector_load %parallel_loop3A_333[%parallel_loop3A_334, %parallel_loop3A_335, %parallel_loop3A_336] {strides = array<i32>} : memref<25x1x128xf32, #tpu.memory_space<vmem>>, vector<16xf32>,
        tpu.vector_store %parallel_loop3A_333[%parallel_loop3A_334, %parallel_loop3A_335, %parallel_loop3A_336], %parallel_loop3A_326 {strides = array<i32>} : memref<25x1x128xf32, #tpu.memory_space<vmem>>, vector<16xf32>,
        %parallel_loop3A_338 = arith.constant 1 : i32
        %parallel_loop3A_339 = arith.addi %parallel_loop3A_165, %parallel_loop3A_338 : i32
        %parallel_loop3A_340 = arith.constant 0 : i32
        %parallel_loop3A_341 = arith.constant 0 : i32
        %parallel_loop3A_342 = arith.constant 0 : i32
        %parallel_loop3A_343 = arith.constant 0 : i32
        %parallel_loop3A_344 = arith.constant 0 : i32
        %parallel_loop3A_345 = tpu.memref_slice %arg6[%parallel_loop3A_340, %parallel_loop3A_342, %parallel_loop3A_343, %parallel_loop3A_344] : memref<3x26x2x128xi32, #tpu.memory_space<vmem>> -> memref<1x26x2x128xi32, #tpu.memory_space<vmem>>
        %parallel_loop3A_346 = tpu.memref_squeeze %parallel_loop3A_345 : memref<1x26x2x128xi32, #tpu.memory_space<vmem>> -> memref<26x2x128xi32, #tpu.memory_space<vmem>>
        %parallel_loop3A_347 = arith.index_cast %parallel_loop3A_339 : i32 to index
        %parallel_loop3A_348 = arith.index_cast %parallel_loop3A_341 : i32 to index
        %parallel_loop3A_349 = arith.constant 32 : index
        %parallel_loop3A_350 = tpu.vector_load %parallel_loop3A_346[%parallel_loop3A_347, %parallel_loop3A_348, %parallel_loop3A_349] {strides = array<i32>} : memref<26x2x128xi32, #tpu.memory_space<vmem>>, vector<16xi32>,
        %parallel_loop3A_351 = arith.constant 1 : i32
        %parallel_loop3A_352 = arith.addi %parallel_loop3A_165, %parallel_loop3A_351 : i32
        %parallel_loop3A_353 = arith.constant 0 : i32
        %parallel_loop3A_354 = arith.constant 1 : i32
        %parallel_loop3A_355 = arith.constant 0 : i32
        %parallel_loop3A_356 = arith.constant 0 : i32
        %parallel_loop3A_357 = arith.constant 0 : i32
        %parallel_loop3A_358 = tpu.memref_slice %arg6[%parallel_loop3A_353, %parallel_loop3A_355, %parallel_loop3A_356, %parallel_loop3A_357] : memref<3x26x2x128xi32, #tpu.memory_space<vmem>> -> memref<1x26x2x128xi32, #tpu.memory_space<vmem>>
        %parallel_loop3A_359 = tpu.memref_squeeze %parallel_loop3A_358 : memref<1x26x2x128xi32, #tpu.memory_space<vmem>> -> memref<26x2x128xi32, #tpu.memory_space<vmem>>
        %parallel_loop3A_360 = arith.index_cast %parallel_loop3A_352 : i32 to index
        %parallel_loop3A_361 = arith.index_cast %parallel_loop3A_354 : i32 to index
        %parallel_loop3A_362 = arith.constant 32 : index
        %parallel_loop3A_363 = tpu.vector_load %parallel_loop3A_359[%parallel_loop3A_360, %parallel_loop3A_361, %parallel_loop3A_362] {strides = array<i32>} : memref<26x2x128xi32, #tpu.memory_space<vmem>>, vector<16xi32>,
        %parallel_loop3A_364 = tpu.vector_load_idx %arg5[%parallel_loop3A_350] : memref<100000xf32, #tpu.memory_space<vmem>>[vector<16xi32>], vector<16xf32>,
        %parallel_loop3A_365 = tpu.vector_load_idx %arg5[%parallel_loop3A_363] : memref<100000xf32, #tpu.memory_space<vmem>>[vector<16xi32>], vector<16xf32>,
        %parallel_loop3A_366 = arith.maximumf %parallel_loop3A_364, %parallel_loop3A_365 : vector<16xf32>
        %parallel_loop3A_367 = arith.constant 9.99999974E-5 : f32
        %parallel_loop3A_368 = vector.broadcast %parallel_loop3A_367 : f32 to vector<16xf32>
        %parallel_loop3A_369 = arith.addf %parallel_loop3A_366, %parallel_loop3A_368 : vector<16xf32>
        %parallel_loop3A_370 = arith.constant 0 : i32
        %parallel_loop3A_371 = arith.constant 0 : i32
        %parallel_loop3A_372 = arith.constant 0 : i32
        %parallel_loop3A_373 = arith.constant 0 : i32
        %parallel_loop3A_374 = arith.constant 0 : i32
        %parallel_loop3A_375 = tpu.memref_slice %arg7[%parallel_loop3A_370, %parallel_loop3A_372, %parallel_loop3A_373, %parallel_loop3A_374] : memref<3x25x1x128xf32, #tpu.memory_space<vmem>> -> memref<1x25x1x128xf32, #tpu.memory_space<vmem>>
        %parallel_loop3A_376 = tpu.memref_squeeze %parallel_loop3A_375 : memref<1x25x1x128xf32, #tpu.memory_space<vmem>> -> memref<25x1x128xf32, #tpu.memory_space<vmem>>
        %parallel_loop3A_377 = arith.index_cast %parallel_loop3A_165 : i32 to index
        %parallel_loop3A_378 = arith.index_cast %parallel_loop3A_371 : i32 to index
        %parallel_loop3A_379 = arith.constant 64 : index
        %parallel_loop3A_380 = tpu.vector_load %parallel_loop3A_376[%parallel_loop3A_377, %parallel_loop3A_378, %parallel_loop3A_379] {strides = array<i32>} : memref<25x1x128xf32, #tpu.memory_space<vmem>>, vector<16xf32>,
        tpu.vector_store %parallel_loop3A_376[%parallel_loop3A_377, %parallel_loop3A_378, %parallel_loop3A_379], %parallel_loop3A_369 {strides = array<i32>} : memref<25x1x128xf32, #tpu.memory_space<vmem>>, vector<16xf32>,
        %parallel_loop3A_381 = arith.constant 1 : i32
        %parallel_loop3A_382 = arith.addi %parallel_loop3A_165, %parallel_loop3A_381 : i32
        %parallel_loop3A_383 = arith.constant 0 : i32
        %parallel_loop3A_384 = arith.constant 0 : i32
        %parallel_loop3A_385 = arith.constant 0 : i32
        %parallel_loop3A_386 = arith.constant 0 : i32
        %parallel_loop3A_387 = arith.constant 0 : i32
        %parallel_loop3A_388 = tpu.memref_slice %arg6[%parallel_loop3A_383, %parallel_loop3A_385, %parallel_loop3A_386, %parallel_loop3A_387] : memref<3x26x2x128xi32, #tpu.memory_space<vmem>> -> memref<1x26x2x128xi32, #tpu.memory_space<vmem>>
        %parallel_loop3A_389 = tpu.memref_squeeze %parallel_loop3A_388 : memref<1x26x2x128xi32, #tpu.memory_space<vmem>> -> memref<26x2x128xi32, #tpu.memory_space<vmem>>
        %parallel_loop3A_390 = arith.index_cast %parallel_loop3A_382 : i32 to index
        %parallel_loop3A_391 = arith.index_cast %parallel_loop3A_384 : i32 to index
        %parallel_loop3A_392 = arith.constant 48 : index
        %parallel_loop3A_393 = tpu.vector_load %parallel_loop3A_389[%parallel_loop3A_390, %parallel_loop3A_391, %parallel_loop3A_392] {strides = array<i32>} : memref<26x2x128xi32, #tpu.memory_space<vmem>>, vector<16xi32>,
        %parallel_loop3A_394 = arith.constant 1 : i32
        %parallel_loop3A_395 = arith.addi %parallel_loop3A_165, %parallel_loop3A_394 : i32
        %parallel_loop3A_396 = arith.constant 0 : i32
        %parallel_loop3A_397 = arith.constant 1 : i32
        %parallel_loop3A_398 = arith.constant 0 : i32
        %parallel_loop3A_399 = arith.constant 0 : i32
        %parallel_loop3A_400 = arith.constant 0 : i32
        %parallel_loop3A_401 = tpu.memref_slice %arg6[%parallel_loop3A_396, %parallel_loop3A_398, %parallel_loop3A_399, %parallel_loop3A_400] : memref<3x26x2x128xi32, #tpu.memory_space<vmem>> -> memref<1x26x2x128xi32, #tpu.memory_space<vmem>>
        %parallel_loop3A_402 = tpu.memref_squeeze %parallel_loop3A_401 : memref<1x26x2x128xi32, #tpu.memory_space<vmem>> -> memref<26x2x128xi32, #tpu.memory_space<vmem>>
        %parallel_loop3A_403 = arith.index_cast %parallel_loop3A_395 : i32 to index
        %parallel_loop3A_404 = arith.index_cast %parallel_loop3A_397 : i32 to index
        %parallel_loop3A_405 = arith.constant 48 : index
        %parallel_loop3A_406 = tpu.vector_load %parallel_loop3A_402[%parallel_loop3A_403, %parallel_loop3A_404, %parallel_loop3A_405] {strides = array<i32>} : memref<26x2x128xi32, #tpu.memory_space<vmem>>, vector<16xi32>,
        %parallel_loop3A_407 = tpu.vector_load_idx %arg5[%parallel_loop3A_393] : memref<100000xf32, #tpu.memory_space<vmem>>[vector<16xi32>], vector<16xf32>,
        %parallel_loop3A_408 = tpu.vector_load_idx %arg5[%parallel_loop3A_406] : memref<100000xf32, #tpu.memory_space<vmem>>[vector<16xi32>], vector<16xf32>,
        %parallel_loop3A_409 = arith.maximumf %parallel_loop3A_407, %parallel_loop3A_408 : vector<16xf32>
        %parallel_loop3A_410 = arith.constant 9.99999974E-5 : f32
        %parallel_loop3A_411 = vector.broadcast %parallel_loop3A_410 : f32 to vector<16xf32>
        %parallel_loop3A_412 = arith.addf %parallel_loop3A_409, %parallel_loop3A_411 : vector<16xf32>
        %parallel_loop3A_413 = arith.constant 0 : i32
        %parallel_loop3A_414 = arith.constant 0 : i32
        %parallel_loop3A_415 = arith.constant 0 : i32
        %parallel_loop3A_416 = arith.constant 0 : i32
        %parallel_loop3A_417 = arith.constant 0 : i32
        %parallel_loop3A_418 = tpu.memref_slice %arg7[%parallel_loop3A_413, %parallel_loop3A_415, %parallel_loop3A_416, %parallel_loop3A_417] : memref<3x25x1x128xf32, #tpu.memory_space<vmem>> -> memref<1x25x1x128xf32, #tpu.memory_space<vmem>>
        %parallel_loop3A_419 = tpu.memref_squeeze %parallel_loop3A_418 : memref<1x25x1x128xf32, #tpu.memory_space<vmem>> -> memref<25x1x128xf32, #tpu.memory_space<vmem>>
        %parallel_loop3A_420 = arith.index_cast %parallel_loop3A_165 : i32 to index
        %parallel_loop3A_421 = arith.index_cast %parallel_loop3A_414 : i32 to index
        %parallel_loop3A_422 = arith.constant 80 : index
        %parallel_loop3A_423 = tpu.vector_load %parallel_loop3A_419[%parallel_loop3A_420, %parallel_loop3A_421, %parallel_loop3A_422] {strides = array<i32>} : memref<25x1x128xf32, #tpu.memory_space<vmem>>, vector<16xf32>,
        tpu.vector_store %parallel_loop3A_419[%parallel_loop3A_420, %parallel_loop3A_421, %parallel_loop3A_422], %parallel_loop3A_412 {strides = array<i32>} : memref<25x1x128xf32, #tpu.memory_space<vmem>>, vector<16xf32>,
        %parallel_loop3A_424 = arith.constant 1 : i32
        %parallel_loop3A_425 = arith.addi %parallel_loop3A_165, %parallel_loop3A_424 : i32
        %parallel_loop3A_426 = arith.constant 0 : i32
        %parallel_loop3A_427 = arith.constant 0 : i32
        %parallel_loop3A_428 = arith.constant 0 : i32
        %parallel_loop3A_429 = arith.constant 0 : i32
        %parallel_loop3A_430 = arith.constant 0 : i32
        %parallel_loop3A_431 = tpu.memref_slice %arg6[%parallel_loop3A_426, %parallel_loop3A_428, %parallel_loop3A_429, %parallel_loop3A_430] : memref<3x26x2x128xi32, #tpu.memory_space<vmem>> -> memref<1x26x2x128xi32, #tpu.memory_space<vmem>>
        %parallel_loop3A_432 = tpu.memref_squeeze %parallel_loop3A_431 : memref<1x26x2x128xi32, #tpu.memory_space<vmem>> -> memref<26x2x128xi32, #tpu.memory_space<vmem>>
        %parallel_loop3A_433 = arith.index_cast %parallel_loop3A_425 : i32 to index
        %parallel_loop3A_434 = arith.index_cast %parallel_loop3A_427 : i32 to index
        %parallel_loop3A_435 = arith.constant 64 : index
        %parallel_loop3A_436 = tpu.vector_load %parallel_loop3A_432[%parallel_loop3A_433, %parallel_loop3A_434, %parallel_loop3A_435] {strides = array<i32>} : memref<26x2x128xi32, #tpu.memory_space<vmem>>, vector<16xi32>,
        %parallel_loop3A_437 = arith.constant 1 : i32
        %parallel_loop3A_438 = arith.addi %parallel_loop3A_165, %parallel_loop3A_437 : i32
        %parallel_loop3A_439 = arith.constant 0 : i32
        %parallel_loop3A_440 = arith.constant 1 : i32
        %parallel_loop3A_441 = arith.constant 0 : i32
        %parallel_loop3A_442 = arith.constant 0 : i32
        %parallel_loop3A_443 = arith.constant 0 : i32
        %parallel_loop3A_444 = tpu.memref_slice %arg6[%parallel_loop3A_439, %parallel_loop3A_441, %parallel_loop3A_442, %parallel_loop3A_443] : memref<3x26x2x128xi32, #tpu.memory_space<vmem>> -> memref<1x26x2x128xi32, #tpu.memory_space<vmem>>
        %parallel_loop3A_445 = tpu.memref_squeeze %parallel_loop3A_444 : memref<1x26x2x128xi32, #tpu.memory_space<vmem>> -> memref<26x2x128xi32, #tpu.memory_space<vmem>>
        %parallel_loop3A_446 = arith.index_cast %parallel_loop3A_438 : i32 to index
        %parallel_loop3A_447 = arith.index_cast %parallel_loop3A_440 : i32 to index
        %parallel_loop3A_448 = arith.constant 64 : index
        %parallel_loop3A_449 = tpu.vector_load %parallel_loop3A_445[%parallel_loop3A_446, %parallel_loop3A_447, %parallel_loop3A_448] {strides = array<i32>} : memref<26x2x128xi32, #tpu.memory_space<vmem>>, vector<16xi32>,
        %parallel_loop3A_450 = tpu.vector_load_idx %arg5[%parallel_loop3A_436] : memref<100000xf32, #tpu.memory_space<vmem>>[vector<16xi32>], vector<16xf32>,
        %parallel_loop3A_451 = tpu.vector_load_idx %arg5[%parallel_loop3A_449] : memref<100000xf32, #tpu.memory_space<vmem>>[vector<16xi32>], vector<16xf32>,
        %parallel_loop3A_452 = arith.maximumf %parallel_loop3A_450, %parallel_loop3A_451 : vector<16xf32>
        %parallel_loop3A_453 = arith.constant 9.99999974E-5 : f32
        %parallel_loop3A_454 = vector.broadcast %parallel_loop3A_453 : f32 to vector<16xf32>
        %parallel_loop3A_455 = arith.addf %parallel_loop3A_452, %parallel_loop3A_454 : vector<16xf32>
        %parallel_loop3A_456 = arith.constant 0 : i32
        %parallel_loop3A_457 = arith.constant 0 : i32
        %parallel_loop3A_458 = arith.constant 0 : i32
        %parallel_loop3A_459 = arith.constant 0 : i32
        %parallel_loop3A_460 = arith.constant 0 : i32
        %parallel_loop3A_461 = tpu.memref_slice %arg7[%parallel_loop3A_456, %parallel_loop3A_458, %parallel_loop3A_459, %parallel_loop3A_460] : memref<3x25x1x128xf32, #tpu.memory_space<vmem>> -> memref<1x25x1x128xf32, #tpu.memory_space<vmem>>
        %parallel_loop3A_462 = tpu.memref_squeeze %parallel_loop3A_461 : memref<1x25x1x128xf32, #tpu.memory_space<vmem>> -> memref<25x1x128xf32, #tpu.memory_space<vmem>>
        %parallel_loop3A_463 = arith.index_cast %parallel_loop3A_165 : i32 to index
        %parallel_loop3A_464 = arith.index_cast %parallel_loop3A_457 : i32 to index
        %parallel_loop3A_465 = arith.constant 96 : index
        %parallel_loop3A_466 = tpu.vector_load %parallel_loop3A_462[%parallel_loop3A_463, %parallel_loop3A_464, %parallel_loop3A_465] {strides = array<i32>} : memref<25x1x128xf32, #tpu.memory_space<vmem>>, vector<16xf32>,
        tpu.vector_store %parallel_loop3A_462[%parallel_loop3A_463, %parallel_loop3A_464, %parallel_loop3A_465], %parallel_loop3A_455 {strides = array<i32>} : memref<25x1x128xf32, #tpu.memory_space<vmem>>, vector<16xf32>,
        %parallel_loop3A_467 = arith.constant 1 : i32
        %parallel_loop3A_468 = arith.addi %parallel_loop3A_165, %parallel_loop3A_467 : i32
        %parallel_loop3A_469 = arith.constant 0 : i32
        %parallel_loop3A_470 = arith.constant 0 : i32
        %parallel_loop3A_471 = arith.constant 0 : i32
        %parallel_loop3A_472 = arith.constant 0 : i32
        %parallel_loop3A_473 = arith.constant 0 : i32
        %parallel_loop3A_474 = tpu.memref_slice %arg6[%parallel_loop3A_469, %parallel_loop3A_471, %parallel_loop3A_472, %parallel_loop3A_473] : memref<3x26x2x128xi32, #tpu.memory_space<vmem>> -> memref<1x26x2x128xi32, #tpu.memory_space<vmem>>
        %parallel_loop3A_475 = tpu.memref_squeeze %parallel_loop3A_474 : memref<1x26x2x128xi32, #tpu.memory_space<vmem>> -> memref<26x2x128xi32, #tpu.memory_space<vmem>>
        %parallel_loop3A_476 = arith.index_cast %parallel_loop3A_468 : i32 to index
        %parallel_loop3A_477 = arith.index_cast %parallel_loop3A_470 : i32 to index
        %parallel_loop3A_478 = arith.constant 80 : index
        %parallel_loop3A_479 = tpu.vector_load %parallel_loop3A_475[%parallel_loop3A_476, %parallel_loop3A_477, %parallel_loop3A_478] {strides = array<i32>} : memref<26x2x128xi32, #tpu.memory_space<vmem>>, vector<16xi32>,
        %parallel_loop3A_480 = arith.constant 1 : i32
        %parallel_loop3A_481 = arith.addi %parallel_loop3A_165, %parallel_loop3A_480 : i32
        %parallel_loop3A_482 = arith.constant 0 : i32
        %parallel_loop3A_483 = arith.constant 1 : i32
        %parallel_loop3A_484 = arith.constant 0 : i32
        %parallel_loop3A_485 = arith.constant 0 : i32
        %parallel_loop3A_486 = arith.constant 0 : i32
        %parallel_loop3A_487 = tpu.memref_slice %arg6[%parallel_loop3A_482, %parallel_loop3A_484, %parallel_loop3A_485, %parallel_loop3A_486] : memref<3x26x2x128xi32, #tpu.memory_space<vmem>> -> memref<1x26x2x128xi32, #tpu.memory_space<vmem>>
        %parallel_loop3A_488 = tpu.memref_squeeze %parallel_loop3A_487 : memref<1x26x2x128xi32, #tpu.memory_space<vmem>> -> memref<26x2x128xi32, #tpu.memory_space<vmem>>
        %parallel_loop3A_489 = arith.index_cast %parallel_loop3A_481 : i32 to index
        %parallel_loop3A_490 = arith.index_cast %parallel_loop3A_483 : i32 to index
        %parallel_loop3A_491 = arith.constant 80 : index
        %parallel_loop3A_492 = tpu.vector_load %parallel_loop3A_488[%parallel_loop3A_489, %parallel_loop3A_490, %parallel_loop3A_491] {strides = array<i32>} : memref<26x2x128xi32, #tpu.memory_space<vmem>>, vector<16xi32>,
        %parallel_loop3A_493 = tpu.vector_load_idx %arg5[%parallel_loop3A_479] : memref<100000xf32, #tpu.memory_space<vmem>>[vector<16xi32>], vector<16xf32>,
        %parallel_loop3A_494 = tpu.vector_load_idx %arg5[%parallel_loop3A_492] : memref<100000xf32, #tpu.memory_space<vmem>>[vector<16xi32>], vector<16xf32>,
        %parallel_loop3A_495 = arith.maximumf %parallel_loop3A_493, %parallel_loop3A_494 : vector<16xf32>
        %parallel_loop3A_496 = arith.constant 9.99999974E-5 : f32
        %parallel_loop3A_497 = vector.broadcast %parallel_loop3A_496 : f32 to vector<16xf32>
        %parallel_loop3A_498 = arith.addf %parallel_loop3A_495, %parallel_loop3A_497 : vector<16xf32>
        %parallel_loop3A_499 = arith.constant 0 : i32
        %parallel_loop3A_500 = arith.constant 0 : i32
        %parallel_loop3A_501 = arith.constant 0 : i32
        %parallel_loop3A_502 = arith.constant 0 : i32
        %parallel_loop3A_503 = arith.constant 0 : i32
        %parallel_loop3A_504 = tpu.memref_slice %arg7[%parallel_loop3A_499, %parallel_loop3A_501, %parallel_loop3A_502, %parallel_loop3A_503] : memref<3x25x1x128xf32, #tpu.memory_space<vmem>> -> memref<1x25x1x128xf32, #tpu.memory_space<vmem>>
        %parallel_loop3A_505 = tpu.memref_squeeze %parallel_loop3A_504 : memref<1x25x1x128xf32, #tpu.memory_space<vmem>> -> memref<25x1x128xf32, #tpu.memory_space<vmem>>
        %parallel_loop3A_506 = arith.index_cast %parallel_loop3A_165 : i32 to index
        %parallel_loop3A_507 = arith.index_cast %parallel_loop3A_500 : i32 to index
        %parallel_loop3A_508 = arith.constant 112 : index
        %parallel_loop3A_509 = tpu.vector_load %parallel_loop3A_505[%parallel_loop3A_506, %parallel_loop3A_507, %parallel_loop3A_508] {strides = array<i32>} : memref<25x1x128xf32, #tpu.memory_space<vmem>>, vector<16xf32>,
        tpu.vector_store %parallel_loop3A_505[%parallel_loop3A_506, %parallel_loop3A_507, %parallel_loop3A_508], %parallel_loop3A_498 {strides = array<i32>} : memref<25x1x128xf32, #tpu.memory_space<vmem>>, vector<16xf32>,
      } {sc.loop_unroll_factor = 2 : i64, sc.parallel_access}
      %run_scoped3A_164 = arith.constant 0 : i32
      "tpu.region"() ({
        %run_scoped3A_165 = tpu.sem_alloc : memref<!tpu.dma_semaphore, #tpu.memory_space<semaphore_mem>>
        %dma_start3A_166 = arith.constant 0 : i32
        %dma_start3A_167 = arith.constant 0 : i32
        %dma_start3A_168 = arith.constant 0 : i32
        %dma_start3A_169 = tpu.memref_slice %arg7[%run_scoped3A_164, %dma_start3A_166, %dma_start3A_167, %dma_start3A_168] : memref<3x25x1x128xf32, #tpu.memory_space<vmem>> -> memref<1x24x1x128xf32, #tpu.memory_space<vmem>>
        %dma_start3A_170 = tpu.memref_squeeze %dma_start3A_169 : memref<1x24x1x128xf32, #tpu.memory_space<vmem>> -> memref<24x1x128xf32, #tpu.memory_space<vmem>>
        %dma_start3A_171 = arith.constant 0 : i32
        %dma_start3A_172 = tpu.memref_slice %arg4[%add3A_159, %arg0, %dma_start3A_171] : memref<50782x2x128xf32, #tpu.memory_space<hbm>> -> memref<24x1x128xf32, #tpu.memory_space<hbm>>
        %dma_start3A_173 = arith.constant 0 : i32
        %dma_start3A_174 = tpu.memref_slice %arg4[%add3A_159, %arg0, %dma_start3A_173] : memref<50782x2x128xf32, #tpu.memory_space<hbm>> -> memref<24x1x128xf32, #tpu.memory_space<hbm>>
        %dma_start3A_175 = arith.constant 0 : i32
        %dma_start3A_176 = arith.constant 0 : i32
        %dma_start3A_177 = arith.constant 0 : i32
        %dma_start3A_178 = tpu.memref_slice %arg7[%run_scoped3A_164, %dma_start3A_175, %dma_start3A_176, %dma_start3A_177] : memref<3x25x1x128xf32, #tpu.memory_space<vmem>> -> memref<1x24x1x128xf32, #tpu.memory_space<vmem>>
        %dma_start3A_179 = tpu.memref_squeeze %dma_start3A_178 : memref<1x24x1x128xf32, #tpu.memory_space<vmem>> -> memref<24x1x128xf32, #tpu.memory_space<vmem>>
        tpu.enqueue_dma source(%dma_start3A_179 : memref<24x1x128xf32, #tpu.memory_space<vmem>>) target(%dma_start3A_174 : memref<24x1x128xf32, #tpu.memory_space<hbm>>) target_semaphore(%run_scoped3A_165 : memref<!tpu.dma_semaphore, #tpu.memory_space<semaphore_mem>>)
        %dma_wait3A_180 = arith.constant 0 : i32
        %dma_wait3A_181 = arith.constant 0 : i32
        %dma_wait3A_182 = arith.constant 0 : i32
        %dma_wait3A_183 = tpu.memref_slice %arg7[%run_scoped3A_164, %dma_wait3A_180, %dma_wait3A_181, %dma_wait3A_182] : memref<3x25x1x128xf32, #tpu.memory_space<vmem>> -> memref<1x24x1x128xf32, #tpu.memory_space<vmem>>
        %dma_wait3A_184 = tpu.memref_squeeze %dma_wait3A_183 : memref<1x24x1x128xf32, #tpu.memory_space<vmem>> -> memref<24x1x128xf32, #tpu.memory_space<vmem>>
        %dma_wait3A_185 = arith.constant 0 : i32
        %dma_wait3A_186 = tpu.memref_slice %arg4[%add3A_159, %arg0, %dma_wait3A_185] : memref<50782x2x128xf32, #tpu.memory_space<hbm>> -> memref<24x1x128xf32, #tpu.memory_space<hbm>>
        %dma_wait3A_187 = arith.constant 0 : i32
        %dma_wait3A_188 = tpu.memref_slice %arg4[%add3A_159, %arg0, %dma_wait3A_187] : memref<50782x2x128xf32, #tpu.memory_space<hbm>> -> memref<24x1x128xf32, #tpu.memory_space<hbm>>
        %dma_wait3A_189 = arith.constant 0 : i32
        %dma_wait3A_190 = arith.constant 0 : i32
        %dma_wait3A_191 = arith.constant 0 : i32
        %dma_wait3A_192 = tpu.memref_slice %arg7[%run_scoped3A_164, %dma_wait3A_189, %dma_wait3A_190, %dma_wait3A_191] : memref<3x25x1x128xf32, #tpu.memory_space<vmem>> -> memref<1x24x1x128xf32, #tpu.memory_space<vmem>>
        %dma_wait3A_193 = tpu.memref_squeeze %dma_wait3A_192 : memref<1x24x1x128xf32, #tpu.memory_space<vmem>> -> memref<24x1x128xf32, #tpu.memory_space<vmem>>
        tpu.wait_dma2 semaphore(%run_scoped3A_165 : memref<!tpu.dma_semaphore, #tpu.memory_space<semaphore_mem>>) src(%dma_wait3A_193 : memref<24x1x128xf32, #tpu.memory_space<vmem>>) dst(%dma_wait3A_188 : memref<24x1x128xf32, #tpu.memory_space<hbm>>)
        tpu.yield
      }) : () -> ()
    } else {
    }
    return
  }
}

</mosaic_0001>

<sc_bundles>
// kernel: _run.3.cloned.1.call-start
scs
__scs_entry_jumppad:
0x0: {  	(pc) =	sbr.rel $0x88, $3  }
0x1: {  	(tag) =	ssettag $0x0;
	lr =	simm.s32 $0x1  }
0x2: {  	[smem:$0x3F9F] =	sst lr;
	_ =	strace $0xD0000000  }
0x3: {  	_ = 	snop  }
0x4: {  	_ = 	snop  }
0x5: {  	_ = 	snop  }
0x6: {  	_ = 	snop  }
0x7: {  	_ = 	snop  }
__scs_overlays_trampoline_lowered:
0x8: {  	[smem:$0x3FAE] =	sst s0  }
0x9: {  	[smem:$0x3FAF] =	sst s1  }
0xa: {  	[smem:$0x3FB0] =	sst s2  }
0xb: {  	[smem:$0x3FB1] =	sst s3  }
0xc: {  	[smem:$0x3FB2] =	sst s4  }
0xd: {  	[smem:$0x3FB3] =	sst s5  }
0xe: {  	[smem:$0x3FB4] =	sst s6  }
0xf: {  	[smem:$0x3FB5] =	sst s7  }
0x10: {  	[smem:$0x3FB6] =	sst s8  }
0x11: {  	[smem:$0x3FB7] =	sst s9;
	s0 =	simm.s32 @!p0 $0x0  }
0x12: {  	s1 =	sld [smem:$0x3F9D];
	s0 =	simm.s32 @p0 $0x1  }
0x13: {  	[smem:$0x3FB8] =	sst s0;
	s0 =	simm.s32 @!p1 $0x0  }
0x14: {  	s2 =	sld [smem:$0x3F9C];
	s0 =	simm.s32 @p1 $0x1  }
0x15: {  	[smem:$0x3FB9] =	sst s0;
	s0 =	simm.s32 @!p2 $0x0  }
0x16: {  	s3 =	sld [smem:$0x3FDB];
	s0 =	simm.s32 @p2 $0x1  }
0x17: {  	s4 =	simm.s32 $0x1BF5;
	[smem:$0x3FBB] =	sst s0  }
0x18: {  	s0 =	sld [smem:$0x3F9E];
	_ =	swait.ge [sflag:s4], $0x0  }
0x19: {  	s7 =	sld [smem:$0x3F9F]  }
0x1a: {  	s8 =	sadd.s32 $0xFFFFE003, lr  }
0x1b: {  	s9 =	sadd.s32 $0xFFFFFEF7, lr;
	s5 =	simm.s32 $0xFFFFFFFF;
	p2 =	slt.u32 s8, $0xFFFFF086  }
0x1c: {  	p1 =	slt.u32 s9, $0xF7A;
	s5 =	simm.s32 @!p2 $0x0  }
0x1d: {  	s5 =	simm.s32 @p1 $0x1;
	p0 =	seq.s32 s7, s2  }
0x1e: {  	s7 =	smul.u32 @!p0 $0xF7A, s2;
	p2 =	seq.s32 @!p0 s5, $0x0  }
0x1f: {  	s9 =	smul.u32 $0xF7A, s1;
	s8 =	simm.s32 @!p0 $0x1BF5;
	p2 =	por !p2, p0  }
0x20: {  	[sflag:s8] =	ssyncset.s32 @!p0 $0xFFFFF086;
	s6 =	sadd.s32 @!p0 s3, s7;
	s7 =	simm.s32 @!p0 $0x108  }
0x21: {  	s3 =	sadd.s32 s3, s9;
	s6 =	sadd.s32 @!p0 $0x88, s6;
	s7 =	simm.s32 @p2 $0x1082  }
0x22: {  	[simem:s7], [sflag:s8] =	dma.local @!p0 [hbm:s6], $0xF7A  }
0x23: {  	s9 =	sor.u32 $0xD0000000, s2;
	s6 =	simm.s32 $0x108;
	_ =	swait.ge @!p0 [sflag:s8], $0x0  }
0x24: {  	s3 =	sadd.s32 $0x88, s3;
	s6 =	simm.s32 @!p1 $0x1082;
	[sflag:s4] =	ssyncset.s32 $0xFFFFF086  }
0x25: {  	[simem:s6], [sflag:s4] =	dma.local [hbm:s3], $0xF7A  }
0x26: {  	[smem:$0x3F9F] =	sst s1;
	(tag) =	ssettag s2;
	_ =	strace s9  }
0x27: {  	s1 =	sld [smem:$0x3FAF]  }
0x28: {  	s2 =	sld [smem:$0x3FB0]  }
0x29: {  	s4 =	sld [smem:$0x3FB2]  }
0x2a: {  	p0 =	seq.s32 s5, $0x0;
	s5 =	sld [smem:$0x3FB3]  }
0x2b: {  	s6 =	sld [smem:$0x3FB4]  }
0x2c: {  	s7 =	sld [smem:$0x3FB5]  }
0x2d: {  	s3 =	simm.s32 $0x108;
	s8 =	sld [smem:$0x3FB6]  }
0x2e: {  	s3 =	simm.s32 @!p0 $0x1082;
	s9 =	sld [smem:$0x3FB7]  }
0x2f: {  	lr =	sadd.s32 s0, s3;
	s0 =	sld [smem:$0x3FAE]  }
0x30: {  	s3 =	sld [smem:$0x3FB1]  }
0x31: {  	[smem:$0x3FBA] =	sst s10  }
0x32: {  	s10 =	sld [smem:$0x3FB8];
	_ =	sdelay $0x3  }
0x33: {  	p0 =	seq.s32 s10, $0x1;
	s10 =	sld [smem:$0x3FBA];
	_ =	sdelay $0x3  }
0x34: {  	[smem:$0x3FBA] =	sst s10  }
0x35: {  	s10 =	sld [smem:$0x3FB9];
	_ =	sdelay $0x3  }
0x36: {  	p1 =	seq.s32 s10, $0x1;
	s10 =	sld [smem:$0x3FBA];
	_ =	sdelay $0x3  }
0x37: {  	[smem:$0x3FBA] =	sst s10  }
0x38: {  	s10 =	sld [smem:$0x3FBB]  }
0x39: {  	_ = 	snop;
	(pc) =	sbr.ind lr, $3  }
0x3a: {  	_ = 	snop  }
0x3b: {  	_ = 	snop  }
0x3c: {  	p2 =	seq.s32 s10, $0x1;
	s10 =	sld [smem:$0x3FBA]  }
0x3d: {  	_ =	shalt  }
0x3e: {  	_ =	shalt  }
0x3f: {  	_ =	shalt  }
0x40: {  	_ =	shalt  }
0x41: {  	_ =	shalt  }
0x42: {  	_ =	shalt  }
0x43: {  	_ =	shalt  }
0x44: {  	_ =	shalt  }
0x45: {  	_ =	shalt  }
0x46: {  	_ =	shalt  }
0x47: {  	_ =	shalt  }
0x48: {  	_ =	shalt  }
0x49: {  	_ =	shalt  }
0x4a: {  	_ =	shalt  }
0x4b: {  	_ =	shalt  }
0x4c: {  	_ =	shalt  }
0x4d: {  	_ =	shalt  }
0x4e: {  	_ =	shalt  }
0x4f: {  	_ =	shalt  }
0x50: {  	_ =	shalt  }
0x51: {  	_ =	shalt  }
0x52: {  	_ =	shalt  }
0x53: {  	_ =	shalt  }
0x54: {  	_ =	shalt  }
0x55: {  	_ =	shalt  }
0x56: {  	_ =	shalt  }
0x57: {  	_ =	shalt  }
0x58: {  	_ =	shalt  }
0x59: {  	_ =	shalt  }
0x5a: {  	_ =	shalt  }
0x5b: {  	_ =	shalt  }
0x5c: {  	_ =	shalt  }
0x5d: {  	_ =	shalt  }
0x5e: {  	_ =	shalt  }
0x5f: {  	_ =	shalt  }
0x60: {  	_ =	shalt  }
0x61: {  	_ =	shalt  }
0x62: {  	_ =	shalt  }
0x63: {  	_ =	shalt  }
0x64: {  	_ =	shalt  }
0x65: {  	_ =	shalt  }
0x66: {  	_ =	shalt  }
0x67: {  	_ =	shalt  }
0x68: {  	_ =	shalt  }
0x69: {  	_ =	shalt  }
0x6a: {  	_ =	shalt  }
0x6b: {  	_ =	shalt  }
0x6c: {  	_ =	shalt  }
0x6d: {  	_ =	shalt  }
0x6e: {  	_ =	shalt  }
0x6f: {  	_ =	shalt  }
0x70: {  	_ =	shalt  }
0x71: {  	_ =	shalt  }
0x72: {  	_ =	shalt  }
0x73: {  	_ =	shalt  }
0x74: {  	_ =	shalt  }
0x75: {  	_ =	shalt  }
0x76: {  	_ =	shalt  }
0x77: {  	_ =	shalt  }
0x78: {  	_ =	shalt  }
0x79: {  	_ =	shalt  }
0x7a: {  	_ =	shalt  }
0x7b: {  	_ =	shalt  }
0x7c: {  	_ =	shalt  }
0x7d: {  	_ =	shalt  }
0x7e: {  	_ =	shalt  }
0x7f: {  	_ =	shalt  }
0x80: {  	_ =	shalt  }
0x81: {  	_ =	shalt  }
0x82: {  	_ =	shalt  }
0x83: {  	_ =	shalt  }
0x84: {  	_ =	shalt  }
0x85: {  	_ =	shalt  }
0x86: {  	_ =	shalt  }
0x87: {  	_ =	shalt  }
.Lfunc_end0:
.L_simem_size_0:
called_computation_lowered:
.L_overlay_start_0:
0x88: {  	s2 =	sld [smem:$0x3FD9]  }
0x89: {  	s3 =	sld [smem:$0x3FFE];
	_ =	sdelay $0x1  }
0x8a: {  	s1 =	srdreg.scid  }
0x8b: {  	s0 =	sand.u32 $0x1, s1  }
0x8c: {  	s17 =	sshll.u32 s0, $0xA;
	s2 =	sadd.s32 s3, s2  }
0x8d: {  	s2 =	sadd.s32 s2, s17  }
0x8e: {  	[smem:$0x3FC6] =	sst s2  }
0x8f: {  	_ = 	snop  }
0x90: {  	s2 =	sld [smem:$0x3FC8]  }
0x91: {  	s18 =	sld [smem:$0x3FD0];
	(tm) =	ssettm $0x1  }
0x92: {  	s4 =	sld [smem:$0x3FFB];
	_ =	sdelay $0x3  }
0x93: {  	_ =	strace s4  }
0x94: {  	s4 =	sld [smem:$0x3FFC];
	_ =	sdelay $0x3  }
0x95: {  	_ =	strace s4  }
0x96: {  	s4 =	sld [smem:$0x3FFD];
	_ =	sdelay $0x3  }
0x97: {  	_ =	strace s4  }
0x98: {  	_ =	strace $0x8FFFFFFF  }
0x99: {  	s19 =	sld [smem:$0x3FDB];
	_ =	sdelay $0x1  }
0x9a: {  	s5 =	simm.s32 $_scs_section_size  }
0x9b: {  	s6 =	simm.s32 $_size__tile_overlayer_lowered;
	s7 =	simm.s32 $_tile_overlayer_lowered  }
0x9c: {  	s22 =	simm.s32 $0x1BFF;
	s21 =	sshll.u32 s7, $0x1;
	s4 =	sadd.s32 s5, s19  }
0x9d: {  	s8 =	simm.s32 $0x0;
	s20 =	sshll.u32 s6, $0x1;
	s6 =	sadd.s32 s21, s4  }
0x9e: {  	[timem:s8], [sflag:s22] =	dma.local [hbm:s6], s20  }
0x9f: {  	_ =	swait.ge [sflag:s22], s20  }
0xa0: {  	s5 =	ssub.s32 $0x0, s20;
	[sflag:s22] =	ssyncset.done $0x0  }
0xa1: {  	[sflag:s22] =	ssyncadd.s32 s5;
	_ =	sdelay $0x1  }
0xa2: {  	s23 =	simm.s32 $0x1B8B  }
0xa3: {  	_ =	swait.ge [sflag:s23], $0x1  }
0xa4: {  	[sflag:s23] =	ssyncset.done $0x0  }
0xa5: {  	s25 =	simm.s32 $0x1B8E;
	s24 =	sld [smem:$0x3FFE];
	[sflag:s23] =	ssyncadd.s32 $0xFFFFFFFF  }
0xa6: {  	s26 =	simm.s32 $execute0_lowered;
	[smem:$0x3FD2] =	sst s25  }
0xa7: {  	s6 =	sshll.u32 s26, $0x1;
	_ =	strace $0x80000046;
	[dreg:$0x1] =	wrdreg $0xFFFFFFFF  }
0xa8: {  	s28 =	simm.s32 $_size_execute0_lowered;
	s4 =	sadd.s32 s4, s6;
	[dreg:$0x0] =	wrdreg $0x0  }
0xa9: {  	s6 =	sshll.u32 s28, $0x1;
	[dreg:$0x2] =	wrdreg s4  }
0xaa: {  	[dreg:$0x3] =	wrdreg s6  }
0xab: {  	[dreg:$0x4] =	wrdreg $0xC0  }
0xac: {  	_ =	task [dreg:s8], $0x5FFFF  }
0xad: {  	[dreg:$0x1] =	wrdreg $0xFFFFFFFF  }
0xae: {  	[dreg:$0x0] =	wrdreg $0x60  }
0xaf: {  	[dreg:$0x2] =	wrdreg s18  }
0xb0: {  	[dreg:$0x3] =	wrdreg s2  }
0xb1: {  	[dreg:$0x4] =	wrdreg s24  }
0xb2: {  	[dreg:$0x5] =	wrdreg $0x9  }
0xb3: {  	_ =	task.clear_ibuf [dreg:s8], $0x6FFFF;
	_ =	strace $0x90000046  }
0xb4: {  	s29 =	simm.s32 $0x9;
	_ =	strace $0x80000048  }
0xb5: {  	_ =	swait.ge [sflag:s29], $0x1  }
0xb6: {  	[sflag:s29] =	ssyncadd.s32 $0xFFFFFFFF  }
0xb7: {  	_ =	strace $0x90000048  }
0xb8: {  	_ =	sfence  }
0xb9: {  	s30 =	sld [smem:$0x0];
	_ =	sdelay $0x2  }
0xba: {  	s31 =	sshll.u32 s1, $0xD;
	s1 =	sshrl.u32 s1, $0x2  }
0xbb: {  	s3 =	sand.u32 $0x4000, s31;
	s1 =	sadd.s32 s1, s30  }
0xbc: {  	s0 =	sor.u32 s3, s0;
	s1 =	sshll.u32 s1, $0x11  }
0xbd: {  	s0 =	sor.u32 s1, s0  }
0xbe: {  	s0 =	sadd.s32 $0x8F2B, s0  }
0xbf: {  	[sflag:s0] =	ssyncadd.remote.s32 $0x1  }
0xc0: {  	_ =	sfence.sel $0xFFFF  }
0xc1: {  	[dreg:$0x0] =	wrdreg $0xFFFFFFFF;
	(pc) =	sbr.abs _section_cstart, $3  }
0xc2: {  	[dreg:$0x1] =	wrdreg $0xFFFFFFFF  }
0xc3: {  	_ =	task.clear_ibuf [dreg:s8], $0x2FFFF;
	_ =	strace $0x9FFFFFFF  }
0xc4: {  	(tm) =	ssettm $0x7FFFFFFF  }
0xc5: {  	_ =	shalt  }
tec
execute0_lowered:
.L_overlay_start_1:
0x0: {  	(tag) =	ssettag $0x1  }
0x1: {  	s0 =	rddreg [dreg:$0x0]  }
0x2: {  	s1 =	rddreg [dreg:$0x1]  }
0x3: {  	s6 =	rddreg [dreg:$0x2]  }
0x4: {  	s2 =	simm.s32 $0x0;
	s3 =	srdreg.scid;
	s12 =	simm.s32 $0x7D  }
0x5: {  	s16 =	simm.s32 $0x6;
	s17 =	simm.s32 $0x4;
	s30 =	simm.s32 $0x80  }
0x6: {  	s31 =	simm.s32 $0x100;
	[smem:$0x7FF] =	sst s2;
	s7 =	sand.u32 $0x1, s3  }
0x7: {  	s3 =	stileid.u32;
	s20 =	sadd.s32 $0x1869E0, s1;
	s10 =	sadd.s32 $0x18CFA0, s6  }
0x8: {  	s4 =	sadd.s32 $0x400, s6;
	s6 =	sadd.s32 $0x65A0, s6;
	s24 =	sadd.s32 $0x1866E0, s1  }
0x9: {  	_ =	strace $0x80000047;
	s9 =	smul.u32 $0x30D4, s7;
	[dreg:$0x5] =	wrdreg s20  }
0xa: {  	s5 =	ssub.s32 $0x2, s7;
	s21 =	smul.u32 $0xC3500, s3;
	[dreg:$0x7] =	wrdreg s10  }
0xb: {  	s22 =	sshll.u32 s7, $0x4;
	[dreg:$0x8] =	wrdreg s6;
	s23 =	smul.u32 $0x186A0, s3  }
0xc: {  	p0 =	sne.s32 s3, $0xF;
	s15 =	sshll.u32 s7, $0x7;
	s19 =	ssub.s32 $0x30D, s3  }
0xd: {  	[dreg:$0xb] =	wrdreg s24;
	s26 =	sshll.u32 s3, $0x5;
	s24 =	sshll.u32 s3, $0x7  }
0xe: {  	p2 =	seq.s32 s3, $0x1;
	p1 =	sne.s32 s3, $0x0;
	s8 =	sshrl.u32 s5, $0x1  }
0xf: {  	s12 =	simm.s32 @!p0 $0x7C;
	s16 =	simm.s32 @!p0 $0x5;
	s17 =	simm.s32 @!p0 $0x6  }
0x10: {  	[dreg:$0x6] =	wrdreg s22;
	s25 =	sadd.s32 s22, s4;
	s8 =	ssub.s32 s5, s8  }
0x11: {  	s5 =	smul.u32 $0xC35, s3;
	s0 =	sadd.s32 s0, s9;
	s6 =	sadd.s32 s1, s23  }
0x12: {  	s28 =	sadd.s32 $0x18C8A0, s25;
	[dreg:$0x4] =	wrdreg s0;
	s0 =	sshrl.u32 s21, $0x3  }
.Ltmp0:
0x13: {  	[dreg:$0x9] =	wrdreg s6;
	s0 =	sadd.s32 s1, s0;
	(pc) =	sbr.rel .LBB2_1-.Ltmp0, $4  }
0x14: {  	s23 =	sadd.s32 s26, s25;
	[dreg:$0xc] =	wrdreg s28;
	s0 =	sadd.s32 $0x320, s0  }
0x15: {  	s25 =	simm.s32 $0x8;
	[dreg:$0xa] =	wrdreg s0;
	s0 =	simm.s32 $0x1  }
0x16: {  	s29 =	smax.u32 s8, $0x1;
	s11 =	sadd.s32 $0x30E, s5;
	s0 =	simm.s32 @!p0 $0x0  }
0x17: {  	[dreg:$0xd] =	wrdreg s29;
	s18 =	sor.u32 $0x4, s0;
	s0 =	simm.s32 $0x0  }
.LBB2_18:
0x18: {  	s0 =	sadd.s32 $0x1, s0;
	s6 =	rddreg [dreg:$0xd]  }
0x19: {  	p3 =	sne.s32 s0, s6  }
.Ltmp1:
0x1a: {  	_ = 	snop;
	(pc) =	sbr.rel @!p3 .LBB2_19-.Ltmp1, $1  }
0x1b: {  	_ =	sdelay $0x3  }
.LBB2_1:
0x1c: {  	s6 =	rddreg [dreg:$0x4];
	s7 =	sadd.s32 $0x0, s3;
	s8 =	sadd.s32 $0x800, s24  }
0x1d: {  	[tilespmem:s2], [sflag:$0x8] =	stream.linear.gather [hbm4b:s6+s2], $0x186A0, $0x38;
	[tilespmem:$0x1FBA0] =	vst v63  }
0x1e: {  	s9 =	smov.u32 s23;
	s10 =	smov.u32 s24;
	_ =	swait.ge [sflag:s25], $0x186A0  }
0x1f: {  	s6 =	simm.s32 $0x10;
	p3 =	sgt.u32 s7, $0x30C;
	[sflag:s25] =	ssyncset.done $0x0  }
0x20: {  	s7 =	sadd.s32 $0x200, s23;
	s13 =	simm.s32 @!p3 $0x0;
	[sflag:s25] =	ssyncadd.s32 $0xFFFE7960  }
.LBB2_2:
0x21: {  	[hbm4b:s9+s13] =	stream.linear.scatter @!p3 [tilespmem:s10], [sflag:$0x7], $0x80, $0x38;
	[tilespmem:$0x1FBA0] =	vst v63  }
0x22: {  	s13 =	smov.u32 s6;
	s6 =	sadd.s32 $0x10, s6  }
0x23: {  	p4 =	sne.s32 s6, $0x310  }
.Ltmp2:
0x24: {  	(pc) =	sbr.rel @p4 .LBB2_2-.Ltmp2, $4  }
0x25: {  	s9 =	smov.u32 s7;
	s10 =	smov.u32 s8  }
0x26: {  	s13 =	sadd.s32 s13, s3  }
0x27: {  	p3 =	sgt.u32 s13, $0x30C  }
0x28: {  	s7 =	sadd.s32 $0x200, s7;
	s8 =	sadd.s32 $0x800, s8;
	s13 =	simm.s32 @!p3 $0x0  }
.Ltmp3:
0x29: {  	(pc) =	sbr.rel @p2 .LBB2_6-.Ltmp3, $2  }
0x2a: {  	_ =	sdelay $0x2  }
0x2b: {  	[hbm4b:s9+s13] =	stream.linear.scatter @!p3 [tilespmem:s10], [sflag:$0x7], $0x80, $0x38;
	[tilespmem:$0x1FBA0] =	vst v63  }
.Ltmp4:
0x2c: {  	(pc) =	sbr.rel @p1 .LBB2_8-.Ltmp4, $1  }
0x2d: {  	_ =	sdelay $0x3  }
0x2e: {  	s6 =	simm.s32 $0x1FA20  }
0x2f: {  	[tilespmem:s6], [sflag:$0x8] =	stream.linear.gather [hbm4b:s1+s2], $0x100, $0x38;
	[tilespmem:$0x1FBA0] =	vst v63  }
0x30: {  	_ =	swait.ge [sflag:s25], $0x100  }
0x31: {  	[sflag:s25] =	ssyncset.done $0x0  }
0x32: {  	[sflag:s25] =	ssyncadd.s32 $0xFFFFFF00  }
0x33: {  	v0 =	vld [tilespmem:$0x18680]  }
0x34: {  	v1 =	vld [tilespmem:$0x1FA20]  }
0x35: {  	v2 =	vld [tilespmem:$0x1FAA0]  }
0x36: {  	v3 =	vld [tilespmem:$0x18690];
	_ =	sdelay $0x3  }
0x37: {  	[tilespmem:$0x1FB20] =	vst v0  }
0x38: {  	[tilespmem:$0x1FB30] =	vst v3  }
0x39: {  	v0 =	vld.idx.msk [tilespmem:v1+s2+$0x0], $0xffff  }
0x3a: {  	v1 =	vld.idx.msk [tilespmem:v2+s2+$0x0], $0xffff  }
0x3b: {  	v2 =	vld [tilespmem:$0x1FA30]  }
0x3c: {  	v3 =	vld [tilespmem:$0x1FAB0];
	_ =	sdelay $0x2  }
0x3d: {  	v0 =	vmax.f32 v0, v1  }
0x3e: {  	v0 =	vadd.f32 $9.999999740e-05, v0;
	_ =	sdelay $0x1  }
0x3f: {  	[tilespmem:$0x1FB40] =	vst v0  }
0x40: {  	v0 =	vld.idx.msk [tilespmem:v2+s2+$0x0], $0xffff  }
0x41: {  	v1 =	vld.idx.msk [tilespmem:v3+s2+$0x0], $0xffff  }
0x42: {  	v2 =	vld [tilespmem:$0x1FA40]  }
0x43: {  	v3 =	vld [tilespmem:$0x1FAC0];
	_ =	sdelay $0x2  }
0x44: {  	v0 =	vmax.f32 v0, v1  }
0x45: {  	v0 =	vadd.f32 $9.999999740e-05, v0;
	_ =	sdelay $0x1  }
0x46: {  	[tilespmem:$0x1FB50] =	vst v0  }
0x47: {  	v0 =	vld.idx.msk [tilespmem:v2+s2+$0x0], $0xffff  }
0x48: {  	v1 =	vld.idx.msk [tilespmem:v3+s2+$0x0], $0xffff  }
0x49: {  	v2 =	vld [tilespmem:$0x1FA50]  }
0x4a: {  	v3 =	vld [tilespmem:$0x1FAD0];
	_ =	sdelay $0x2  }
0x4b: {  	v0 =	vmax.f32 v0, v1  }
0x4c: {  	v0 =	vadd.f32 $9.999999740e-05, v0;
	_ =	sdelay $0x1  }
0x4d: {  	[tilespmem:$0x1FB60] =	vst v0  }
0x4e: {  	v0 =	vld.idx.msk [tilespmem:v2+s2+$0x0], $0xffff  }
0x4f: {  	v1 =	vld.idx.msk [tilespmem:v3+s2+$0x0], $0xffff  }
0x50: {  	v2 =	vld [tilespmem:$0x1FA60]  }
0x51: {  	v3 =	vld [tilespmem:$0x1FAE0];
	_ =	sdelay $0x2  }
0x52: {  	v0 =	vmax.f32 v0, v1  }
0x53: {  	v0 =	vadd.f32 $9.999999740e-05, v0;
	_ =	sdelay $0x1  }
0x54: {  	[tilespmem:$0x1FB70] =	vst v0  }
0x55: {  	v0 =	vld.idx.msk [tilespmem:v2+s2+$0x0], $0xffff  }
0x56: {  	v1 =	vld.idx.msk [tilespmem:v3+s2+$0x0], $0xffff  }
0x57: {  	v2 =	vld [tilespmem:$0x1FA70]  }
0x58: {  	v3 =	vld [tilespmem:$0x1FAF0];
	_ =	sdelay $0x2  }
0x59: {  	v0 =	vmax.f32 v0, v1  }
0x5a: {  	v0 =	vadd.f32 $9.999999740e-05, v0;
	_ =	sdelay $0x1  }
0x5b: {  	[tilespmem:$0x1FB80] =	vst v0  }
0x5c: {  	v0 =	vld.idx.msk [tilespmem:v2+s2+$0x0], $0xffff  }
0x5d: {  	v1 =	vld.idx.msk [tilespmem:v3+s2+$0x0], $0xffff;
	_ =	sdelay $0x1  }
.Ltmp5:
0x5e: {  	_ = 	snop;
	(pc) =	sbr.rel .LBB2_7-.Ltmp5, $3  }
0x5f: {  	_ =	sdelay $0x1  }
0x60: {  	v0 =	vmax.f32 v0, v1  }
0x61: {  	s6 =	rddreg [dreg:$0x8];
	v0 =	vadd.f32 $9.999999740e-05, v0  }
.LBB2_6:
0x62: {  	s6 =	rddreg [dreg:$0x5];
	s7 =	simm.s32 $0x1FA20  }
0x63: {  	[tilespmem:s7], [sflag:$0x8] =	stream.linear.gather [hbm4b:s6+s2], $0x100, $0x38;
	[tilespmem:$0x1FBA0] =	vst v63  }
0x64: {  	_ =	swait.ge [sflag:s25], $0x100  }
0x65: {  	[sflag:s25] =	ssyncset.done $0x0  }
0x66: {  	[sflag:s25] =	ssyncadd.s32 $0xFFFFFF00  }
0x67: {  	v0 =	vld [tilespmem:$0x1FA80]  }
0x68: {  	v1 =	vld [tilespmem:$0x1FB00];
	_ =	sdelay $0x6  }
0x69: {  	v0 =	vld.idx.msk [tilespmem:v0+s2+$0x0], $0xffff  }
0x6a: {  	v1 =	vld.idx.msk [tilespmem:v1+s2+$0x0], $0xffff;
	_ =	sdelay $0x3  }
0x6b: {  	v2 =	vld [tilespmem:$0x1FA90]  }
0x6c: {  	v0 =	vmax.f32 v0, v1;
	v1 =	vld [tilespmem:$0x1FB10]  }
0x6d: {  	v0 =	vadd.f32 $9.999999740e-05, v0;
	_ =	sdelay $0x1  }
0x6e: {  	[tilespmem:$0x1FB20] =	vst v0  }
0x6f: {  	[tilespmem:$0x1FB40] =	vst v0  }
0x70: {  	[tilespmem:$0x1FB60] =	vst v0  }
0x71: {  	[tilespmem:$0x1FB80] =	vst v0  }
0x72: {  	v0 =	vld.idx.msk [tilespmem:v2+s2+$0x0], $0xffff  }
0x73: {  	v1 =	vld.idx.msk [tilespmem:v1+s2+$0x0], $0xffff;
	_ =	sdelay $0x4  }
0x74: {  	v0 =	vmax.f32 v0, v1  }
0x75: {  	v0 =	vadd.f32 $9.999999740e-05, v0;
	_ =	sdelay $0x1  }
0x76: {  	[tilespmem:$0x1FB30] =	vst v0  }
0x77: {  	[tilespmem:$0x1FB50] =	vst v0  }
0x78: {  	s6 =	rddreg [dreg:$0x7];
	[tilespmem:$0x1FB70] =	vst v0  }
.LBB2_7:
0x79: {  	s7 =	rddreg [dreg:$0x6]  }
0x7a: {  	s29 =	simm.s32 $0x1FB20;
	s6 =	sadd.s32 s7, s6;
	[tilespmem:$0x1FB90] =	vst v0  }
0x7b: {  	[hbm4b:s6+s2] =	stream.linear.scatter [tilespmem:s29], [sflag:$0x8], $0x80, $0x38;
	[tilespmem:$0x1FBA0] =	vst v63  }
0x7c: {  	_ =	swait.ge [sflag:s25], $0x80  }
0x7d: {  	[sflag:s25] =	ssyncset.done $0x0  }
0x7e: {  	[sflag:s25] =	ssyncadd.s32 $0xFFFFFF80  }
.LBB2_8:
0x7f: {  	s26 =	simm.s32 $0x0;
	s28 =	simm.s32 $0x186A0;
	s6 =	rddreg [dreg:$0x9]  }
0x80: {  	[tilespmem:s28], [sflag:$0x1] =	stream.linear.gather [hbm4b:s6+s26], $0x1A00, $0x38;
	[tilespmem:$0x1FBA0] =	vst v63  }
0x81: {  	s29 =	rddreg [dreg:$0xa];
	s7 =	simm.s32 $0x1A0A0;
	s13 =	simm.s32 $0x1D4A0  }
0x82: {  	[tilespmem:s7], [sflag:$0x2] =	stream.linear.gather [hbm4b:s29+s26], $0x1A00, $0x38;
	[tilespmem:$0x1FBA0] =	vst v63  }
.LBB2_9:
0x83: {  	s6 =	sadd.s32 $0x2, s26  }
0x84: {  	s8 =	smulhi.u32 $0xAAAAAAAB, s26;
	p3 =	sge.u32 s6, s12  }
0x85: {  	s7 =	smulhi.u32 @!p3 $0xAAAAAAAB, s6  }
0x86: {  	s8 =	sshrl.u32 s8, $0x1  }
0x87: {  	s9 =	smul.u32 $0x3, s8;
	s7 =	sshrl.u32 @!p3 s7, $0x1  }
0x88: {  	s7 =	smul.u32 @!p3 $0x3, s7  }
0x89: {  	s20 =	smul.u32 $0xFFFEC800, s8;
	s9 =	ssub.s32 s26, s9  }
0x8a: {  	s14 =	sadd.s32 $0x1, s9;
	s7 =	ssub.s32 @!p3 s6, s7;
	s6 =	smul.u32 @!p3 $0x19, s6  }
0x8b: {  	_ =	swait.ge [sflag:s14], $0x1A00;
	s10 =	smul.u32 @!p3 $0x6800, s7  }
0x8c: {  	[sflag:s14] =	ssyncset.done $0x0;
	s7 =	sadd.s32 @!p3 $0x1, s7;
	s6 =	sadd.s32 @!p3 s5, s6  }
0x8d: {  	[sflag:s14] =	ssyncadd.s32 $0xFFFFE600;
	s10 =	sshrl.u32 @!p3 s10, $0x2;
	s6 =	sshll.u32 @!p3 s6, $0x5  }
0x8e: {  	s14 =	simm.s32 @!p3 $0x0;
	s10 =	sadd.s32 @!p3 $0x186A0, s10;
	s6 =	sadd.s32 @!p3 s1, s6  }
0x8f: {  	[tilespmem:s10], [sflag:s7] =	stream.linear.gather @!p3 [hbm4b:s6+s14], $0x1A00, $0x38;
	[tilespmem:$0x1FBA0] =	vst v63  }
0x90: {  	s14 =	sshra.s32 s20, $0x2  }
0x91: {  	p3 =	slt.u32 s26, $0x3;
	v1 =	vmov s14  }
0x92: {  	s6 =	sadd.s32 @!p3 $0x4, s9  }
0x93: {  	_ =	swait.ge @!p3 [sflag:s6], $0xC80  }
0x94: {  	[sflag:s6] =	ssyncset.done @!p3 $0x0  }
0x95: {  	[sflag:s6] =	ssyncadd.s32 @!p3 $0xFFFFF380  }
0x96: {  	v0 =	vld.idx.msk [tilespmem:v1+s28+$0x360 ss:$0x1], $0xffff  }
0x97: {  	v2 =	vld.idx.msk [tilespmem:v1+s28+$0x3E0 ss:$0x1], $0xffff;
	_ =	sdelay $0x6  }
0x98: {  	v3 =	vld.idx.msk [tilespmem:v0+s2+$0x0], $0xffff  }
0x99: {  	s20 =	smul.u32 $0xFFFF6A00, s8;
	v2 =	vld.idx.msk [tilespmem:v2+s2+$0x0], $0xffff;
	_ =	sdelay $0x1  }
0x9a: {  	s6 =	sshra.s32 s20, $0x2  }
0x9b: {  	v4 =	vld.idx.msk [tilespmem:v1+s28+$0xE0 ss:$0x1], $0xffff;
	v0 =	vmov s6  }
0x9c: {  	v5 =	vld.idx.msk [tilespmem:v1+s28+$0x60 ss:$0x1], $0xffff  }
0x9d: {  	v6 =	vld.idx.msk [tilespmem:v1+s28+$0x160 ss:$0x1], $0xffff;
	v2 =	vmax.f32 v3, v2  }
0x9e: {  	v3 =	vld.idx.msk [tilespmem:v1+s28+$0x1E0 ss:$0x1], $0xffff;
	v2 =	vadd.f32 $9.999999740e-05, v2  }
0x9f: {  	v7 =	vld.idx.msk [tilespmem:v1+s28+$0x260 ss:$0x1], $0xffff  }
0xa0: {  	v8 =	vld.idx.msk [tilespmem:v1+s28+$0x2E0 ss:$0x1], $0xffff;
	[tilespmem:v0+s13+$0x180 ss:$0x1] =	vst.idx.msk $0xffff, v2  }
0xa1: {  	v2 =	vld.idx.msk [tilespmem:v1+s28+$0x370 ss:$0x1], $0xffff  }
0xa2: {  	v9 =	vld.idx.msk [tilespmem:v1+s28+$0x3F0 ss:$0x1], $0xffff  }
0xa3: {  	v4 =	vld.idx.msk [tilespmem:v4+s2+$0x0], $0xffff  }
0xa4: {  	v5 =	vld.idx.msk [tilespmem:v5+s2+$0x0], $0xffff  }
0xa5: {  	v6 =	vld.idx.msk [tilespmem:v6+s2+$0x0], $0xffff  }
0xa6: {  	v3 =	vld.idx.msk [tilespmem:v3+s2+$0x0], $0xffff  }
0xa7: {  	v7 =	vld.idx.msk [tilespmem:v7+s2+$0x0], $0xffff  }
0xa8: {  	v8 =	vld.idx.msk [tilespmem:v8+s2+$0x0], $0xffff  }
0xa9: {  	v4 =	vmax.f32 v5, v4;
	v2 =	vld.idx.msk [tilespmem:v2+s2+$0x0], $0xffff  }
0xaa: {  	v4 =	vadd.f32 $9.999999740e-05, v4;
	v5 =	vld.idx.msk [tilespmem:v9+s2+$0x0], $0xffff  }
0xab: {  	v3 =	vmax.f32 v6, v3  }
0xac: {  	[tilespmem:v0+s13+$0x0 ss:$0x1] =	vst.idx.msk $0xffff, v4;
	v3 =	vadd.f32 $9.999999740e-05, v3  }
0xad: {  	v4 =	vmax.f32 v7, v8;
	v6 =	vld.idx.msk [tilespmem:v1+s28+$0x70 ss:$0x1], $0xffff  }
0xae: {  	[tilespmem:v0+s13+$0x80 ss:$0x1] =	vst.idx.msk $0xffff, v3;
	v3 =	vadd.f32 $9.999999740e-05, v4;
	v4 =	vld.idx.msk [tilespmem:v1+s28+$0xF0 ss:$0x1], $0xffff  }
0xaf: {  	v7 =	vld.idx.msk [tilespmem:v1+s28+$0x170 ss:$0x1], $0xffff;
	v2 =	vmax.f32 v2, v5  }
0xb0: {  	[tilespmem:v0+s13+$0x100 ss:$0x1] =	vst.idx.msk $0xffff, v3;
	v3 =	vld.idx.msk [tilespmem:v1+s28+$0x1F0 ss:$0x1], $0xffff;
	v2 =	vadd.f32 $9.999999740e-05, v2  }
0xb1: {  	v5 =	vld.idx.msk [tilespmem:v1+s28+$0x270 ss:$0x1], $0xffff  }
0xb2: {  	v8 =	vld.idx.msk [tilespmem:v1+s28+$0x2F0 ss:$0x1], $0xffff;
	[tilespmem:v0+s13+$0x190 ss:$0x1] =	vst.idx.msk $0xffff, v2  }
0xb3: {  	v2 =	vld.idx.msk [tilespmem:v1+s28+$0x400 ss:$0x1], $0xffff  }
0xb4: {  	v9 =	vld.idx.msk [tilespmem:v1+s28+$0x480 ss:$0x1], $0xffff  }
0xb5: {  	v6 =	vld.idx.msk [tilespmem:v6+s2+$0x0], $0xffff  }
0xb6: {  	v4 =	vld.idx.msk [tilespmem:v4+s2+$0x0], $0xffff  }
0xb7: {  	v7 =	vld.idx.msk [tilespmem:v7+s2+$0x0], $0xffff  }
0xb8: {  	v3 =	vld.idx.msk [tilespmem:v3+s2+$0x0], $0xffff  }
0xb9: {  	v5 =	vld.idx.msk [tilespmem:v5+s2+$0x0], $0xffff  }
0xba: {  	v8 =	vld.idx.msk [tilespmem:v8+s2+$0x0], $0xffff  }
0xbb: {  	v2 =	vld.idx.msk [tilespmem:v2+s2+$0x0], $0xffff;
	v4 =	vmax.f32 v6, v4  }
0xbc: {  	v6 =	vld.idx.msk [tilespmem:v9+s2+$0x0], $0xffff;
	v4 =	vadd.f32 $9.999999740e-05, v4  }
0xbd: {  	v3 =	vmax.f32 v7, v3  }
0xbe: {  	v3 =	vadd.f32 $9.999999740e-05, v3;
	[tilespmem:v0+s13+$0x10 ss:$0x1] =	vst.idx.msk $0xffff, v4  }
0xbf: {  	v4 =	vmax.f32 v5, v8;
	v5 =	vld.idx.msk [tilespmem:v1+s28+$0x100 ss:$0x1], $0xffff  }
0xc0: {  	[tilespmem:v0+s13+$0x90 ss:$0x1] =	vst.idx.msk $0xffff, v3;
	v3 =	vadd.f32 $9.999999740e-05, v4;
	v4 =	vld.idx.msk [tilespmem:v1+s28+$0x180 ss:$0x1], $0xffff  }
0xc1: {  	v2 =	vmax.f32 v2, v6;
	v7 =	vld.idx.msk [tilespmem:v1+s28+$0x200 ss:$0x1], $0xffff  }
0xc2: {  	v6 =	vld.idx.msk [tilespmem:v1+s28+$0x280 ss:$0x1], $0xffff;
	v2 =	vadd.f32 $9.999999740e-05, v2;
	[tilespmem:v0+s13+$0x110 ss:$0x1] =	vst.idx.msk $0xffff, v3  }
0xc3: {  	v3 =	vld.idx.msk [tilespmem:v1+s28+$0x300 ss:$0x1], $0xffff  }
0xc4: {  	v8 =	vld.idx.msk [tilespmem:v1+s28+$0x380 ss:$0x1], $0xffff;
	[tilespmem:v0+s13+$0x1A0 ss:$0x1] =	vst.idx.msk $0xffff, v2  }
0xc5: {  	v2 =	vld.idx.msk [tilespmem:v1+s28+$0x410 ss:$0x1], $0xffff  }
0xc6: {  	v9 =	vld.idx.msk [tilespmem:v1+s28+$0x490 ss:$0x1], $0xffff  }
0xc7: {  	v5 =	vld.idx.msk [tilespmem:v5+s2+$0x0], $0xffff  }
0xc8: {  	v4 =	vld.idx.msk [tilespmem:v4+s2+$0x0], $0xffff  }
0xc9: {  	v7 =	vld.idx.msk [tilespmem:v7+s2+$0x0], $0xffff  }
0xca: {  	v6 =	vld.idx.msk [tilespmem:v6+s2+$0x0], $0xffff  }
0xcb: {  	v3 =	vld.idx.msk [tilespmem:v3+s2+$0x0], $0xffff  }
0xcc: {  	v8 =	vld.idx.msk [tilespmem:v8+s2+$0x0], $0xffff  }
0xcd: {  	v2 =	vld.idx.msk [tilespmem:v2+s2+$0x0], $0xffff;
	v4 =	vmax.f32 v5, v4  }
0xce: {  	v5 =	vld.idx.msk [tilespmem:v9+s2+$0x0], $0xffff;
	v4 =	vadd.f32 $9.999999740e-05, v4  }
0xcf: {  	v6 =	vmax.f32 v7, v6  }
0xd0: {  	v6 =	vadd.f32 $9.999999740e-05, v6;
	[tilespmem:v0+s13+$0x20 ss:$0x1] =	vst.idx.msk $0xffff, v4  }
0xd1: {  	v3 =	vmax.f32 v3, v8;
	v4 =	vld.idx.msk [tilespmem:v1+s28+$0x110 ss:$0x1], $0xffff  }
0xd2: {  	[tilespmem:v0+s13+$0xA0 ss:$0x1] =	vst.idx.msk $0xffff, v6;
	v3 =	vadd.f32 $9.999999740e-05, v3;
	v6 =	vld.idx.msk [tilespmem:v1+s28+$0x190 ss:$0x1], $0xffff  }
0xd3: {  	v7 =	vld.idx.msk [tilespmem:v1+s28+$0x210 ss:$0x1], $0xffff;
	v2 =	vmax.f32 v2, v5  }
0xd4: {  	[tilespmem:v0+s13+$0x120 ss:$0x1] =	vst.idx.msk $0xffff, v3;
	v3 =	vld.idx.msk [tilespmem:v1+s28+$0x290 ss:$0x1], $0xffff;
	v2 =	vadd.f32 $9.999999740e-05, v2  }
0xd5: {  	v5 =	vld.idx.msk [tilespmem:v1+s28+$0x310 ss:$0x1], $0xffff  }
0xd6: {  	v8 =	vld.idx.msk [tilespmem:v1+s28+$0x390 ss:$0x1], $0xffff;
	[tilespmem:v0+s13+$0x1B0 ss:$0x1] =	vst.idx.msk $0xffff, v2  }
0xd7: {  	v2 =	vld.idx.msk [tilespmem:v1+s28+$0x420 ss:$0x1], $0xffff  }
0xd8: {  	v9 =	vld.idx.msk [tilespmem:v1+s28+$0x4A0 ss:$0x1], $0xffff  }
0xd9: {  	v4 =	vld.idx.msk [tilespmem:v4+s2+$0x0], $0xffff  }
0xda: {  	v6 =	vld.idx.msk [tilespmem:v6+s2+$0x0], $0xffff  }
0xdb: {  	v7 =	vld.idx.msk [tilespmem:v7+s2+$0x0], $0xffff  }
0xdc: {  	v3 =	vld.idx.msk [tilespmem:v3+s2+$0x0], $0xffff  }
0xdd: {  	v5 =	vld.idx.msk [tilespmem:v5+s2+$0x0], $0xffff  }
0xde: {  	v8 =	vld.idx.msk [tilespmem:v8+s2+$0x0], $0xffff  }
0xdf: {  	v2 =	vld.idx.msk [tilespmem:v2+s2+$0x0], $0xffff;
	v4 =	vmax.f32 v4, v6  }
0xe0: {  	v6 =	vld.idx.msk [tilespmem:v9+s2+$0x0], $0xffff;
	v4 =	vadd.f32 $9.999999740e-05, v4  }
0xe1: {  	v3 =	vmax.f32 v7, v3  }
0xe2: {  	[tilespmem:v0+s13+$0x30 ss:$0x1] =	vst.idx.msk $0xffff, v4;
	v3 =	vadd.f32 $9.999999740e-05, v3  }
0xe3: {  	v5 =	vmax.f32 v5, v8;
	v4 =	vld.idx.msk [tilespmem:v1+s28+$0x120 ss:$0x1], $0xffff  }
0xe4: {  	v7 =	vld.idx.msk [tilespmem:v1+s28+$0x1A0 ss:$0x1], $0xffff;
	[tilespmem:v0+s13+$0xB0 ss:$0x1] =	vst.idx.msk $0xffff, v3;
	v3 =	vadd.f32 $9.999999740e-05, v5  }
0xe5: {  	v2 =	vmax.f32 v2, v6;
	v5 =	vld.idx.msk [tilespmem:v1+s28+$0x220 ss:$0x1], $0xffff  }
0xe6: {  	v6 =	vld.idx.msk [tilespmem:v1+s28+$0x2A0 ss:$0x1], $0xffff;
	v2 =	vadd.f32 $9.999999740e-05, v2;
	[tilespmem:v0+s13+$0x130 ss:$0x1] =	vst.idx.msk $0xffff, v3  }
0xe7: {  	v3 =	vld.idx.msk [tilespmem:v1+s28+$0x320 ss:$0x1], $0xffff  }
0xe8: {  	v8 =	vld.idx.msk [tilespmem:v1+s28+$0x3A0 ss:$0x1], $0xffff;
	[tilespmem:v0+s13+$0x1C0 ss:$0x1] =	vst.idx.msk $0xffff, v2  }
0xe9: {  	v2 =	vld.idx.msk [tilespmem:v1+s28+$0x430 ss:$0x1], $0xffff  }
0xea: {  	v9 =	vld.idx.msk [tilespmem:v1+s28+$0x4B0 ss:$0x1], $0xffff  }
0xeb: {  	v4 =	vld.idx.msk [tilespmem:v4+s2+$0x0], $0xffff  }
0xec: {  	s29 =	sadd.s32 $0x400, s28;
	v7 =	vld.idx.msk [tilespmem:v7+s2+$0x0], $0xffff  }
0xed: {  	v10 =	vld.idx.msk [tilespmem:v1+s29+$0x3E0 ss:$0x1], $0xffff  }
0xee: {  	v5 =	vld.idx.msk [tilespmem:v5+s2+$0x0], $0xffff  }
0xef: {  	v6 =	vld.idx.msk [tilespmem:v6+s2+$0x0], $0xffff  }
0xf0: {  	v3 =	vld.idx.msk [tilespmem:v3+s2+$0x0], $0xffff  }
0xf1: {  	v2 =	vld.idx.msk [tilespmem:v2+s2+$0x0], $0xffff;
	v4 =	vmax.f32 v4, v7  }
0xf2: {  	v7 =	vld.idx.msk [tilespmem:v9+s2+$0x0], $0xffff;
	v4 =	vadd.f32 $9.999999740e-05, v4  }
0xf3: {  	v8 =	vld.idx.msk [tilespmem:v8+s2+$0x0], $0xffff  }
0xf4: {  	v11 =	vld.idx.msk [tilespmem:v1+s29+$0x160 ss:$0x1], $0xffff;
	v5 =	vmax.f32 v5, v6;
	[tilespmem:v0+s13+$0x40 ss:$0x1] =	vst.idx.msk $0xffff, v4  }
0xf5: {  	v4 =	vadd.f32 $9.999999740e-05, v5;
	v5 =	vld.idx.msk [tilespmem:v1+s28+$0x130 ss:$0x1], $0xffff  }
0xf6: {  	v6 =	vld.idx.msk [tilespmem:v1+s28+$0x1B0 ss:$0x1], $0xffff  }
0xf7: {  	v12 =	vld.idx.msk [tilespmem:v1+s29+$0x1E0 ss:$0x1], $0xffff;
	v2 =	vmax.f32 v2, v7  }
0xf8: {  	v14 =	vld.idx.msk [tilespmem:v1+s29+$0x260 ss:$0x1], $0xffff;
	v3 =	vmax.f32 v3, v8;
	v2 =	vadd.f32 $9.999999740e-05, v2  }
0xf9: {  	v16 =	vld.idx.msk [tilespmem:v1+s29+$0x2E0 ss:$0x1], $0xffff;
	v3 =	vadd.f32 $9.999999740e-05, v3  }
0xfa: {  	v17 =	vld.idx.msk [tilespmem:v1+s29+$0x60 ss:$0x1], $0xffff;
	[tilespmem:v0+s13+$0x1D0 ss:$0x1] =	vst.idx.msk $0xffff, v2  }
0xfb: {  	[tilespmem:v0+s13+$0x140 ss:$0x1] =	vst.idx.msk $0xffff, v3;
	v9 =	vld.idx.msk [tilespmem:v1+s28+$0x4C0 ss:$0x1], $0xffff  }
0xfc: {  	v3 =	vld.idx.msk [tilespmem:v1+s28+$0x330 ss:$0x1], $0xffff  }
0xfd: {  	v5 =	vld.idx.msk [tilespmem:v5+s2+$0x0], $0xffff  }
0xfe: {  	v6 =	vld.idx.msk [tilespmem:v6+s2+$0x0], $0xffff  }
0xff: {  	v2 =	vld.idx.msk [tilespmem:v1+s28+$0x440 ss:$0x1], $0xffff  }
0x100: {  	v10 =	vld.idx.msk [tilespmem:v10+s2+$0x0], $0xffff;
	[tilespmem:v0+s13+$0xC0 ss:$0x1] =	vst.idx.msk $0xffff, v4  }
0x101: {  	v4 =	vld.idx.msk [tilespmem:v1+s28+$0x230 ss:$0x1], $0xffff  }
0x102: {  	v7 =	vld.idx.msk [tilespmem:v1+s28+$0x2B0 ss:$0x1], $0xffff  }
0x103: {  	v5 =	vmax.f32 v5, v6;
	v6 =	vld.idx.msk [tilespmem:v9+s2+$0x0], $0xffff  }
0x104: {  	v9 =	vld.idx.msk [tilespmem:v3+s2+$0x0], $0xffff  }
0x105: {  	v3 =	vld.idx.msk [tilespmem:v1+s29+$0x360 ss:$0x1], $0xffff  }
0x106: {  	v8 =	vld.idx.msk [tilespmem:v1+s28+$0x3B0 ss:$0x1], $0xffff  }
0x107: {  	v2 =	vld.idx.msk [tilespmem:v2+s2+$0x0], $0xffff  }
0x108: {  	v11 =	vld.idx.msk [tilespmem:v11+s2+$0x0], $0xffff  }
0x109: {  	v12 =	vld.idx.msk [tilespmem:v12+s2+$0x0], $0xffff  }
0x10a: {  	v4 =	vld.idx.msk [tilespmem:v4+s2+$0x0], $0xffff  }
0x10b: {  	v7 =	vld.idx.msk [tilespmem:v7+s2+$0x0], $0xffff  }
0x10c: {  	v2 =	vmax.f32 v2, v6;
	v6 =	vld.idx.msk [tilespmem:v1+s29+$0xE0 ss:$0x1], $0xffff  }
0x10d: {  	v2 =	vadd.f32 $9.999999740e-05, v2;
	v15 =	vld.idx.msk [tilespmem:v3+s2+$0x0], $0xffff  }
0x10e: {  	v8 =	vld.idx.msk [tilespmem:v8+s2+$0x0], $0xffff  }
0x10f: {  	v36 =	vld.idx.msk [tilespmem:v14+s2+$0x0], $0xffff;
	v5 =	vadd.f32 $9.999999740e-05, v5;
	[tilespmem:v0+s13+$0x1E0 ss:$0x1] =	vst.idx.msk $0xffff, v2  }
0x110: {  	v13 =	vld.idx.msk [tilespmem:v1+s28+$0x4D0 ss:$0x1], $0xffff  }
0x111: {  	v37 =	vld.idx.msk [tilespmem:v16+s2+$0x0], $0xffff;
	v4 =	vmax.f32 v4, v7;
	[tilespmem:v0+s13+$0x50 ss:$0x1] =	vst.idx.msk $0xffff, v5  }
0x112: {  	v4 =	vadd.f32 $9.999999740e-05, v4;
	v5 =	vld.idx.msk [tilespmem:v1+s28+$0x140 ss:$0x1], $0xffff;
	v10 =	vmax.f32 v15, v10  }
0x113: {  	v8 =	vmax.f32 v9, v8;
	v9 =	vld.idx.msk [tilespmem:v17+s2+$0x0], $0xffff;
	v10 =	vadd.f32 $9.999999740e-05, v10  }
0x114: {  	s10 =	sadd.s32 $0x200, s13;
	[tilespmem:v0+s13+$0xD0 ss:$0x1] =	vst.idx.msk $0xffff, v4;
	v6 =	vld.idx.msk [tilespmem:v6+s2+$0x0], $0xffff  }
0x115: {  	v4 =	vadd.f32 $9.999999740e-05, v8;
	v8 =	vmax.f32 v11, v12;
	v11 =	vld.idx.msk [tilespmem:v1+s28+$0x1C0 ss:$0x1], $0xffff;
	[tilespmem:v0+s10+$0x180 ss:$0x1] =	vst.idx.msk $0xffff, v10  }
0x116: {  	v7 =	vld.idx.msk [tilespmem:v1+s29+$0x370 ss:$0x1], $0xffff  }
0x117: {  	v10 =	vld.idx.msk [tilespmem:v1+s29+$0x3F0 ss:$0x1], $0xffff  }
0x118: {  	v8 =	vadd.f32 $9.999999740e-05, v8;
	v3 =	vld.idx.msk [tilespmem:v13+s2+$0x0], $0xffff;
	v13 =	vmax.f32 v36, v37  }
0x119: {  	v38 =	vld.idx.msk [tilespmem:v1+s28+$0x240 ss:$0x1], $0xffff;
	[tilespmem:v0+s13+$0x150 ss:$0x1] =	vst.idx.msk $0xffff, v4;
	v13 =	vadd.f32 $9.999999740e-05, v13;
	v6 =	vmax.f32 v9, v6  }
0x11a: {  	v4 =	vld.idx.msk [tilespmem:v1+s28+$0x2C0 ss:$0x1], $0xffff;
	[tilespmem:v0+s10+$0x80 ss:$0x1] =	vst.idx.msk $0xffff, v8;
	v6 =	vadd.f32 $9.999999740e-05, v6  }
0x11b: {  	v39 =	vld.idx.msk [tilespmem:v1+s29+$0x170 ss:$0x1], $0xffff;
	[tilespmem:v0+s10+$0x100 ss:$0x1] =	vst.idx.msk $0xffff, v13  }
0x11c: {  	[tilespmem:v0+s10+$0x0 ss:$0x1] =	vst.idx.msk $0xffff, v6;
	v6 =	vld.idx.msk [tilespmem:v1+s29+$0x270 ss:$0x1], $0xffff  }
0x11d: {  	v42 =	vld.idx.msk [tilespmem:v1+s29+$0x2F0 ss:$0x1], $0xffff  }
0x11e: {  	v7 =	vld.idx.msk [tilespmem:v7+s2+$0x0], $0xffff  }
0x11f: {  	v9 =	vld.idx.msk [tilespmem:v10+s2+$0x0], $0xffff  }
0x120: {  	v10 =	vld.idx.msk [tilespmem:v1+s29+$0x1F0 ss:$0x1], $0xffff  }
0x121: {  	v2 =	vld.idx.msk [tilespmem:v1+s28+$0x450 ss:$0x1], $0xffff  }
0x122: {  	v8 =	vld.idx.msk [tilespmem:v1+s28+$0x340 ss:$0x1], $0xffff  }
0x123: {  	v14 =	vld.idx.msk [tilespmem:v39+s2+$0x0], $0xffff  }
0x124: {  	v40 =	vld.idx.msk [tilespmem:v1+s29+$0x70 ss:$0x1], $0xffff  }
0x125: {  	v41 =	vld.idx.msk [tilespmem:v1+s29+$0xF0 ss:$0x1], $0xffff;
	v7 =	vmax.f32 v7, v9  }
0x126: {  	v6 =	vld.idx.msk [tilespmem:v6+s2+$0x0], $0xffff;
	v7 =	vadd.f32 $9.999999740e-05, v7  }
0x127: {  	v16 =	vld.idx.msk [tilespmem:v42+s2+$0x0], $0xffff  }
0x128: {  	v10 =	vld.idx.msk [tilespmem:v10+s2+$0x0], $0xffff;
	[tilespmem:v0+s10+$0x190 ss:$0x1] =	vst.idx.msk $0xffff, v7  }
0x129: {  	v7 =	vld.idx.msk [tilespmem:v1+s29+$0x400 ss:$0x1], $0xffff  }
0x12a: {  	v43 =	vld.idx.msk [tilespmem:v1+s29+$0x480 ss:$0x1], $0xffff  }
0x12b: {  	v5 =	vld.idx.msk [tilespmem:v5+s2+$0x0], $0xffff  }
0x12c: {  	v11 =	vld.idx.msk [tilespmem:v11+s2+$0x0], $0xffff;
	v6 =	vmax.f32 v6, v16  }
0x12d: {  	v12 =	vld.idx.msk [tilespmem:v38+s2+$0x0], $0xffff;
	v6 =	vadd.f32 $9.999999740e-05, v6  }
0x12e: {  	v13 =	vld.idx.msk [tilespmem:v40+s2+$0x0], $0xffff  }
0x12f: {  	v15 =	vld.idx.msk [tilespmem:v41+s2+$0x0], $0xffff;
	[tilespmem:v0+s10+$0x110 ss:$0x1] =	vst.idx.msk $0xffff, v6;
	v10 =	vmax.f32 v14, v10  }
0x130: {  	v6 =	vld.idx.msk [tilespmem:v1+s29+$0x300 ss:$0x1], $0xffff;
	v10 =	vadd.f32 $9.999999740e-05, v10  }
0x131: {  	v7 =	vld.idx.msk [tilespmem:v7+s2+$0x0], $0xffff  }
0x132: {  	[tilespmem:v0+s10+$0x90 ss:$0x1] =	vst.idx.msk $0xffff, v10;
	v44 =	vld.idx.msk [tilespmem:v43+s2+$0x0], $0xffff  }
0x133: {  	v45 =	vld.idx.msk [tilespmem:v1+s29+$0x200 ss:$0x1], $0xffff  }
0x134: {  	v10 =	vmax.f32 v13, v15;
	v46 =	vld.idx.msk [tilespmem:v1+s29+$0x280 ss:$0x1], $0xffff  }
0x135: {  	v4 =	vld.idx.msk [tilespmem:v4+s2+$0x0], $0xffff;
	v10 =	vadd.f32 $9.999999740e-05, v10  }
0x136: {  	v9 =	vld.idx.msk [tilespmem:v1+s28+$0x3C0 ss:$0x1], $0xffff  }
0x137: {  	v48 =	vld.idx.msk [tilespmem:v1+s29+$0x380 ss:$0x1], $0xffff;
	[tilespmem:v0+s10+$0x10 ss:$0x1] =	vst.idx.msk $0xffff, v10  }
0x138: {  	v10 =	vld.idx.msk [tilespmem:v1+s29+$0x100 ss:$0x1], $0xffff  }
0x139: {  	v47 =	vld.idx.msk [tilespmem:v1+s29+$0x180 ss:$0x1], $0xffff;
	v7 =	vmax.f32 v7, v44  }
0x13a: {  	v6 =	vld.idx.msk [tilespmem:v6+s2+$0x0], $0xffff;
	v7 =	vadd.f32 $9.999999740e-05, v7  }
0x13b: {  	v14 =	vld.idx.msk [tilespmem:v45+s2+$0x0], $0xffff  }
0x13c: {  	[tilespmem:v0+s10+$0x1A0 ss:$0x1] =	vst.idx.msk $0xffff, v7;
	v15 =	vld.idx.msk [tilespmem:v46+s2+$0x0], $0xffff  }
0x13d: {  	v7 =	vld.idx.msk [tilespmem:v1+s29+$0x410 ss:$0x1], $0xffff  }
0x13e: {  	v49 =	vld.idx.msk [tilespmem:v1+s29+$0x490 ss:$0x1], $0xffff  }
0x13f: {  	v5 =	vmax.f32 v5, v11;
	v11 =	vld.idx.msk [tilespmem:v48+s2+$0x0], $0xffff  }
0x140: {  	v5 =	vadd.f32 $9.999999740e-05, v5;
	v4 =	vmax.f32 v12, v4;
	v10 =	vld.idx.msk [tilespmem:v10+s2+$0x0], $0xffff  }
0x141: {  	v4 =	vadd.f32 $9.999999740e-05, v4;
	v16 =	vld.idx.msk [tilespmem:v47+s2+$0x0], $0xffff  }
0x142: {  	v2 =	vld.idx.msk [tilespmem:v2+s2+$0x0], $0xffff;
	[tilespmem:v0+s13+$0x60 ss:$0x1] =	vst.idx.msk $0xffff, v5  }
0x143: {  	v8 =	vld.idx.msk [tilespmem:v8+s2+$0x0], $0xffff;
	[tilespmem:v0+s13+$0xE0 ss:$0x1] =	vst.idx.msk $0xffff, v4;
	v4 =	vmax.f32 v14, v15  }
0x144: {  	v50 =	vld.idx.msk [tilespmem:v1+s28+$0x150 ss:$0x1], $0xffff;
	v4 =	vadd.f32 $9.999999740e-05, v4  }
0x145: {  	v7 =	vld.idx.msk [tilespmem:v7+s2+$0x0], $0xffff  }
0x146: {  	v6 =	vmax.f32 v6, v11;
	v5 =	vmax.f32 v10, v16;
	[tilespmem:v0+s10+$0xA0 ss:$0x1] =	vst.idx.msk $0xffff, v4;
	v10 =	vld.idx.msk [tilespmem:v49+s2+$0x0], $0xffff  }
0x147: {  	v4 =	vadd.f32 $9.999999740e-05, v6;
	v52 =	vld.idx.msk [tilespmem:v1+s29+$0x210 ss:$0x1], $0xffff  }
0x148: {  	v51 =	vld.idx.msk [tilespmem:v1+s28+$0x1D0 ss:$0x1], $0xffff;
	v5 =	vadd.f32 $9.999999740e-05, v5  }
0x149: {  	v9 =	vld.idx.msk [tilespmem:v9+s2+$0x0], $0xffff;
	[tilespmem:v0+s10+$0x120 ss:$0x1] =	vst.idx.msk $0xffff, v4  }
0x14a: {  	v4 =	vld.idx.msk [tilespmem:v1+s29+$0x290 ss:$0x1], $0xffff;
	[tilespmem:v0+s10+$0x20 ss:$0x1] =	vst.idx.msk $0xffff, v5  }
0x14b: {  	v11 =	vld.idx.msk [tilespmem:v1+s29+$0x110 ss:$0x1], $0xffff  }
0x14c: {  	v6 =	vld.idx.msk [tilespmem:v1+s29+$0x190 ss:$0x1], $0xffff;
	v7 =	vmax.f32 v7, v10  }
0x14d: {  	v53 =	vld.idx.msk [tilespmem:v1+s29+$0x390 ss:$0x1], $0xffff;
	v7 =	vadd.f32 $9.999999740e-05, v7  }
0x14e: {  	v10 =	vld.idx.msk [tilespmem:v1+s29+$0x310 ss:$0x1], $0xffff  }
0x14f: {  	[tilespmem:v0+s10+$0x1B0 ss:$0x1] =	vst.idx.msk $0xffff, v7;
	v14 =	vld.idx.msk [tilespmem:v52+s2+$0x0], $0xffff  }
0x150: {  	v7 =	vld.idx.msk [tilespmem:v1+s29+$0x420 ss:$0x1], $0xffff  }
0x151: {  	v54 =	vld.idx.msk [tilespmem:v1+s29+$0x4A0 ss:$0x1], $0xffff  }
0x152: {  	v4 =	vld.idx.msk [tilespmem:v4+s2+$0x0], $0xffff  }
0x153: {  	v11 =	vld.idx.msk [tilespmem:v11+s2+$0x0], $0xffff  }
0x154: {  	v8 =	vmax.f32 v8, v9;
	v6 =	vld.idx.msk [tilespmem:v6+s2+$0x0], $0xffff  }
0x155: {  	v55 =	vld.idx.msk [tilespmem:v1+s28+$0x2D0 ss:$0x1], $0xffff;
	v8 =	vadd.f32 $9.999999740e-05, v8  }
0x156: {  	v9 =	vld.idx.msk [tilespmem:v53+s2+$0x0], $0xffff  }
0x157: {  	[tilespmem:v0+s13+$0x160 ss:$0x1] =	vst.idx.msk $0xffff, v8;
	v10 =	vld.idx.msk [tilespmem:v10+s2+$0x0], $0xffff  }
0x158: {  	v56 =	vld.idx.msk [tilespmem:v1+s28+$0x350 ss:$0x1], $0xffff;
	v4 =	vmax.f32 v14, v4  }
0x159: {  	v4 =	vadd.f32 $9.999999740e-05, v4;
	v6 =	vmax.f32 v11, v6;
	v7 =	vld.idx.msk [tilespmem:v7+s2+$0x0], $0xffff  }
0x15a: {  	v11 =	vld.idx.msk [tilespmem:v54+s2+$0x0], $0xffff;
	v6 =	vadd.f32 $9.999999740e-05, v6  }
0x15b: {  	v5 =	vld.idx.msk [tilespmem:v1+s28+$0x250 ss:$0x1], $0xffff;
	[tilespmem:v0+s10+$0xB0 ss:$0x1] =	vst.idx.msk $0xffff, v4  }
0x15c: {  	v9 =	vmax.f32 v10, v9;
	[tilespmem:v0+s10+$0x30 ss:$0x1] =	vst.idx.msk $0xffff, v6;
	v6 =	vld.idx.msk [tilespmem:v1+s28+$0x3D0 ss:$0x1], $0xffff  }
0x15d: {  	v4 =	vadd.f32 $9.999999740e-05, v9;
	v9 =	vld.idx.msk [tilespmem:v1+s29+$0x220 ss:$0x1], $0xffff  }
0x15e: {  	v8 =	vld.idx.msk [tilespmem:v1+s29+$0x120 ss:$0x1], $0xffff  }
0x15f: {  	v10 =	vld.idx.msk [tilespmem:v1+s29+$0x1A0 ss:$0x1], $0xffff;
	v7 =	vmax.f32 v7, v11  }
0x160: {  	[tilespmem:v0+s10+$0x130 ss:$0x1] =	vst.idx.msk $0xffff, v4;
	v11 =	vld.idx.msk [tilespmem:v1+s29+$0x2A0 ss:$0x1], $0xffff;
	v4 =	vadd.f32 $9.999999740e-05, v7  }
0x161: {  	v57 =	vld.idx.msk [tilespmem:v1+s29+$0x3A0 ss:$0x1], $0xffff  }
0x162: {  	v7 =	vld.idx.msk [tilespmem:v1+s29+$0x320 ss:$0x1], $0xffff;
	[tilespmem:v0+s10+$0x1C0 ss:$0x1] =	vst.idx.msk $0xffff, v4  }
0x163: {  	v4 =	vld.idx.msk [tilespmem:v1+s29+$0x430 ss:$0x1], $0xffff  }
0x164: {  	v58 =	vld.idx.msk [tilespmem:v1+s29+$0x4B0 ss:$0x1], $0xffff  }
0x165: {  	v9 =	vld.idx.msk [tilespmem:v9+s2+$0x0], $0xffff  }
0x166: {  	v6 =	vld.idx.msk [tilespmem:v6+s2+$0x0], $0xffff  }
0x167: {  	v8 =	vld.idx.msk [tilespmem:v8+s2+$0x0], $0xffff  }
0x168: {  	v10 =	vld.idx.msk [tilespmem:v10+s2+$0x0], $0xffff  }
0x169: {  	v11 =	vld.idx.msk [tilespmem:v11+s2+$0x0], $0xffff  }
0x16a: {  	v16 =	vld.idx.msk [tilespmem:v57+s2+$0x0], $0xffff  }
0x16b: {  	v7 =	vld.idx.msk [tilespmem:v7+s2+$0x0], $0xffff  }
0x16c: {  	v18 =	vld.idx.msk [tilespmem:v4+s2+$0x0], $0xffff  }
0x16d: {  	v4 =	vmax.f32 v8, v10;
	v8 =	vld.idx.msk [tilespmem:v58+s2+$0x0], $0xffff  }
0x16e: {  	v10 =	vld.idx.msk [tilespmem:v50+s2+$0x0], $0xffff;
	v4 =	vadd.f32 $9.999999740e-05, v4  }
0x16f: {  	v9 =	vmax.f32 v9, v11;
	v11 =	vld.idx.msk [tilespmem:v51+s2+$0x0], $0xffff  }
0x170: {  	v9 =	vadd.f32 $9.999999740e-05, v9;
	[tilespmem:v0+s10+$0x40 ss:$0x1] =	vst.idx.msk $0xffff, v4;
	v4 =	vld.idx.msk [tilespmem:v5+s2+$0x0], $0xffff  }
0x171: {  	v7 =	vmax.f32 v7, v16;
	v5 =	vld.idx.msk [tilespmem:v1+s29+$0x130 ss:$0x1], $0xffff  }
0x172: {  	v7 =	vadd.f32 $9.999999740e-05, v7;
	v59 =	vld.idx.msk [tilespmem:v1+s29+$0x1B0 ss:$0x1], $0xffff;
	[tilespmem:v0+s10+$0xC0 ss:$0x1] =	vst.idx.msk $0xffff, v9  }
0x173: {  	v9 =	vld.idx.msk [tilespmem:v1+s29+$0x230 ss:$0x1], $0xffff;
	v8 =	vmax.f32 v18, v8  }
0x174: {  	v60 =	vld.idx.msk [tilespmem:v1+s29+$0x2B0 ss:$0x1], $0xffff;
	[tilespmem:v0+s10+$0x140 ss:$0x1] =	vst.idx.msk $0xffff, v7;
	v7 =	vadd.f32 $9.999999740e-05, v8  }
0x175: {  	v8 =	vld.idx.msk [tilespmem:v1+s29+$0x330 ss:$0x1], $0xffff  }
0x176: {  	v61 =	vld.idx.msk [tilespmem:v1+s29+$0x3B0 ss:$0x1], $0xffff;
	[tilespmem:v0+s10+$0x1D0 ss:$0x1] =	vst.idx.msk $0xffff, v7  }
0x177: {  	v7 =	vld.idx.msk [tilespmem:v1+s29+$0x440 ss:$0x1], $0xffff  }
0x178: {  	v62 =	vld.idx.msk [tilespmem:v1+s29+$0x4C0 ss:$0x1], $0xffff  }
0x179: {  	v5 =	vld.idx.msk [tilespmem:v5+s2+$0x0], $0xffff  }
0x17a: {  	v12 =	vld.idx.msk [tilespmem:v59+s2+$0x0], $0xffff  }
0x17b: {  	v9 =	vld.idx.msk [tilespmem:v9+s2+$0x0], $0xffff  }
0x17c: {  	v13 =	vld.idx.msk [tilespmem:v60+s2+$0x0], $0xffff  }
0x17d: {  	v63 =	vld.idx.msk [tilespmem:v8+s2+$0x0], $0xffff  }
0x17e: {  	v2 =	vmax.f32 v2, v3;
	v16 =	vld.idx.msk [tilespmem:v61+s2+$0x0], $0xffff  }
0x17f: {  	s21 =	smul.u32 $0x6800, s9;
	v2 =	vadd.f32 $9.999999740e-05, v2;
	v7 =	vld.idx.msk [tilespmem:v7+s2+$0x0], $0xffff;
	v3 =	vmax.f32 v5, v12  }
0x180: {  	s22 =	smul.u32 $0x3200, s9;
	v10 =	vmax.f32 v10, v11;
	v8 =	vld.idx.msk [tilespmem:v62+s2+$0x0], $0xffff;
	v11 =	vadd.f32 $9.999999740e-05, v3  }
0x181: {  	s8 =	smul.u32 $0x19, s26;
	[tilespmem:v0+s13+$0x1F0 ss:$0x1] =	vst.idx.msk $0xffff, v2;
	v2 =	vadd.f32 $9.999999740e-05, v10;
	v5 =	vld.idx.msk [tilespmem:v55+s2+$0x0], $0xffff;
	v9 =	vmax.f32 v9, v13  }
0x182: {  	s7 =	smov.u32 s13;
	s14 =	simm.s32 $0x4;
	s20 =	sshra.s32 s22, $0x2;
	v3 =	vld.idx.msk [tilespmem:v56+s2+$0x0], $0xffff;
	v9 =	vadd.f32 $9.999999740e-05, v9;
	[tilespmem:v0+s10+$0x50 ss:$0x1] =	vst.idx.msk $0xffff, v11  }
0x183: {  	s22 =	sadd.s32 $0x400, s29;
	s6 =	sshrl.u32 s21, $0x2;
	s21 =	sadd.s32 $0x1D4A0, s20;
	[tilespmem:v0+s13+$0x70 ss:$0x1] =	vst.idx.msk $0xffff, v2;
	v10 =	vmax.f32 v63, v16;
	v2 =	vld.idx.msk [tilespmem:v1+s29+$0x140 ss:$0x1], $0xffff  }
.LBB2_10:
0x184: {  	v11 =	vld.idx.msk [tilespmem:v1+s22+$0x360 ss:$0x1], $0xffff;
	[tilespmem:v0+s10+$0xD0 ss:$0x1] =	vst.idx.msk $0xffff, v9;
	v9 =	vadd.f32 $9.999999740e-05, v10  }
0x185: {  	v7 =	vmax.f32 v7, v8;
	v10 =	vld.idx.msk [tilespmem:v1+s22+$0x3E0 ss:$0x1], $0xffff  }
0x186: {  	v7 =	vadd.f32 $9.999999740e-05, v7;
	v4 =	vmax.f32 v4, v5;
	v8 =	vld.idx.msk [tilespmem:v1+s22+$0xE0 ss:$0x1], $0xffff;
	[tilespmem:v0+s10+$0x150 ss:$0x1] =	vst.idx.msk $0xffff, v9  }
0x187: {  	v4 =	vadd.f32 $9.999999740e-05, v4;
	v5 =	vld.idx.msk [tilespmem:v1+s22+$0x160 ss:$0x1], $0xffff  }
0x188: {  	v3 =	vmax.f32 v3, v6;
	v9 =	vld.idx.msk [tilespmem:v1+s22+$0x1E0 ss:$0x1], $0xffff;
	[tilespmem:v0+s10+$0x1E0 ss:$0x1] =	vst.idx.msk $0xffff, v7  }
0x189: {  	v3 =	vadd.f32 $9.999999740e-05, v3;
	v6 =	vld.idx.msk [tilespmem:v1+s29+$0x450 ss:$0x1], $0xffff;
	[tilespmem:v0+s7+$0xF0 ss:$0x1] =	vst.idx.msk $0xffff, v4  }
0x18a: {  	v4 =	vld.idx.msk [tilespmem:v1+s29+$0x4D0 ss:$0x1], $0xffff  }
0x18b: {  	v7 =	vld.idx.msk [tilespmem:v1+s22+$0x260 ss:$0x1], $0xffff;
	[tilespmem:v0+s7+$0x170 ss:$0x1] =	vst.idx.msk $0xffff, v3;
	s7 =	smov.u32 s10  }
0x18c: {  	s14 =	sadd.s32 $0x4, s14;
	v3 =	vld.idx.msk [tilespmem:v11+s2+$0x0], $0xffff  }
0x18d: {  	p3 =	slt.u32 s14, $0x14;
	v10 =	vld.idx.msk [tilespmem:v10+s2+$0x0], $0xffff  }
0x18e: {  	v11 =	vld.idx.msk [tilespmem:v1+s22+$0x2E0 ss:$0x1], $0xffff  }
0x18f: {  	v12 =	vld.idx.msk [tilespmem:v1+s22+$0x60 ss:$0x1], $0xffff  }
0x190: {  	v8 =	vld.idx.msk [tilespmem:v8+s2+$0x0], $0xffff  }
0x191: {  	v6 =	vld.idx.msk [tilespmem:v6+s2+$0x0], $0xffff  }
0x192: {  	v4 =	vld.idx.msk [tilespmem:v4+s2+$0x0], $0xffff  }
0x193: {  	v3 =	vmax.f32 v3, v10;
	v5 =	vld.idx.msk [tilespmem:v5+s2+$0x0], $0xffff  }
0x194: {  	v3 =	vadd.f32 $9.999999740e-05, v3;
	v9 =	vld.idx.msk [tilespmem:v9+s2+$0x0], $0xffff  }
0x195: {  	s10 =	sadd.s32 $0x200, s10;
	v7 =	vld.idx.msk [tilespmem:v7+s2+$0x0], $0xffff  }
0x196: {  	v10 =	vld.idx.msk [tilespmem:v11+s2+$0x0], $0xffff;
	[tilespmem:v0+s10+$0x180 ss:$0x1] =	vst.idx.msk $0xffff, v3  }
0x197: {  	v3 =	vld.idx.msk [tilespmem:v1+s22+$0x370 ss:$0x1], $0xffff  }
0x198: {  	v4 =	vmax.f32 v6, v4;
	v11 =	vld.idx.msk [tilespmem:v1+s22+$0x3F0 ss:$0x1], $0xffff  }
0x199: {  	v4 =	vadd.f32 $9.999999740e-05, v4;
	v6 =	vld.idx.msk [tilespmem:v12+s2+$0x0], $0xffff  }
0x19a: {  	v5 =	vmax.f32 v5, v9;
	v9 =	vld.idx.msk [tilespmem:v1+s29+$0x1C0 ss:$0x1], $0xffff  }
0x19b: {  	v5 =	vadd.f32 $9.999999740e-05, v5;
	v12 =	vld.idx.msk [tilespmem:v1+s29+$0x240 ss:$0x1], $0xffff;
	[tilespmem:v0+s7+$0x1F0 ss:$0x1] =	vst.idx.msk $0xffff, v4  }
0x19c: {  	v4 =	vmax.f32 v7, v10;
	v7 =	vld.idx.msk [tilespmem:v1+s29+$0x2C0 ss:$0x1], $0xffff  }
0x19d: {  	v4 =	vadd.f32 $9.999999740e-05, v4;
	[tilespmem:v0+s10+$0x80 ss:$0x1] =	vst.idx.msk $0xffff, v5;
	v5 =	vld.idx.msk [tilespmem:v1+s29+$0x340 ss:$0x1], $0xffff  }
0x19e: {  	v10 =	vld.idx.msk [tilespmem:v1+s22+$0x170 ss:$0x1], $0xffff  }
0x19f: {  	v6 =	vmax.f32 v6, v8;
	[tilespmem:v0+s10+$0x100 ss:$0x1] =	vst.idx.msk $0xffff, v4;
	v3 =	vld.idx.msk [tilespmem:v3+s2+$0x0], $0xffff  }
0x1a0: {  	v4 =	vadd.f32 $9.999999740e-05, v6;
	v6 =	vld.idx.msk [tilespmem:v11+s2+$0x0], $0xffff  }
0x1a1: {  	v8 =	vld.idx.msk [tilespmem:v1+s22+$0x1F0 ss:$0x1], $0xffff  }
0x1a2: {  	[tilespmem:v0+s10+$0x0 ss:$0x1] =	vst.idx.msk $0xffff, v4;
	v4 =	vld.idx.msk [tilespmem:v1+s22+$0x270 ss:$0x1], $0xffff  }
0x1a3: {  	v11 =	vld.idx.msk [tilespmem:v1+s22+$0x70 ss:$0x1], $0xffff  }
0x1a4: {  	v13 =	vld.idx.msk [tilespmem:v1+s22+$0xF0 ss:$0x1], $0xffff  }
0x1a5: {  	v14 =	vld.idx.msk [tilespmem:v1+s22+$0x2F0 ss:$0x1], $0xffff  }
0x1a6: {  	v3 =	vmax.f32 v3, v6;
	v10 =	vld.idx.msk [tilespmem:v10+s2+$0x0], $0xffff  }
0x1a7: {  	v3 =	vadd.f32 $9.999999740e-05, v3;
	v6 =	vld.idx.msk [tilespmem:v1+s29+$0x3C0 ss:$0x1], $0xffff  }
0x1a8: {  	v2 =	vld.idx.msk [tilespmem:v2+s2+$0x0], $0xffff  }
0x1a9: {  	v8 =	vld.idx.msk [tilespmem:v8+s2+$0x0], $0xffff;
	[tilespmem:v0+s10+$0x190 ss:$0x1] =	vst.idx.msk $0xffff, v3  }
0x1aa: {  	v3 =	vld.idx.msk [tilespmem:v1+s22+$0x400 ss:$0x1], $0xffff  }
0x1ab: {  	v15 =	vld.idx.msk [tilespmem:v1+s22+$0x480 ss:$0x1], $0xffff  }
0x1ac: {  	v11 =	vld.idx.msk [tilespmem:v11+s2+$0x0], $0xffff  }
0x1ad: {  	v13 =	vld.idx.msk [tilespmem:v13+s2+$0x0], $0xffff  }
0x1ae: {  	v4 =	vld.idx.msk [tilespmem:v4+s2+$0x0], $0xffff  }
0x1af: {  	v8 =	vmax.f32 v10, v8;
	v10 =	vld.idx.msk [tilespmem:v14+s2+$0x0], $0xffff  }
0x1b0: {  	v8 =	vadd.f32 $9.999999740e-05, v8;
	v9 =	vld.idx.msk [tilespmem:v9+s2+$0x0], $0xffff  }
0x1b1: {  	v12 =	vld.idx.msk [tilespmem:v12+s2+$0x0], $0xffff  }
0x1b2: {  	[tilespmem:v0+s10+$0x90 ss:$0x1] =	vst.idx.msk $0xffff, v8;
	v3 =	vld.idx.msk [tilespmem:v3+s2+$0x0], $0xffff  }
0x1b3: {  	v8 =	vmax.f32 v11, v13;
	v11 =	vld.idx.msk [tilespmem:v15+s2+$0x0], $0xffff  }
0x1b4: {  	v8 =	vadd.f32 $9.999999740e-05, v8;
	v13 =	vld.idx.msk [tilespmem:v1+s22+$0x200 ss:$0x1], $0xffff  }
0x1b5: {  	v4 =	vmax.f32 v4, v10;
	v14 =	vld.idx.msk [tilespmem:v1+s22+$0x280 ss:$0x1], $0xffff  }
0x1b6: {  	v4 =	vadd.f32 $9.999999740e-05, v4;
	v2 =	vmax.f32 v2, v9;
	[tilespmem:v0+s10+$0x10 ss:$0x1] =	vst.idx.msk $0xffff, v8;
	v7 =	vld.idx.msk [tilespmem:v7+s2+$0x0], $0xffff  }
0x1b7: {  	v2 =	vadd.f32 $9.999999740e-05, v2;
	v8 =	vld.idx.msk [tilespmem:v1+s22+$0x100 ss:$0x1], $0xffff  }
0x1b8: {  	v9 =	vld.idx.msk [tilespmem:v1+s22+$0x180 ss:$0x1], $0xffff;
	[tilespmem:v0+s10+$0x110 ss:$0x1] =	vst.idx.msk $0xffff, v4  }
0x1b9: {  	v3 =	vmax.f32 v3, v11;
	v4 =	vld.idx.msk [tilespmem:v1+s22+$0x300 ss:$0x1], $0xffff;
	[tilespmem:v0+s7+$0x60 ss:$0x1] =	vst.idx.msk $0xffff, v2  }
0x1ba: {  	v3 =	vadd.f32 $9.999999740e-05, v3;
	v2 =	vld.idx.msk [tilespmem:v1+s22+$0x380 ss:$0x1], $0xffff  }
0x1bb: {  	v5 =	vld.idx.msk [tilespmem:v5+s2+$0x0], $0xffff  }
0x1bc: {  	v10 =	vld.idx.msk [tilespmem:v13+s2+$0x0], $0xffff;
	[tilespmem:v0+s10+$0x1A0 ss:$0x1] =	vst.idx.msk $0xffff, v3;
	v3 =	vmax.f32 v12, v7  }
0x1bd: {  	v7 =	vld.idx.msk [tilespmem:v1+s22+$0x410 ss:$0x1], $0xffff;
	v3 =	vadd.f32 $9.999999740e-05, v3  }
0x1be: {  	v11 =	vld.idx.msk [tilespmem:v1+s22+$0x490 ss:$0x1], $0xffff  }
0x1bf: {  	v8 =	vld.idx.msk [tilespmem:v8+s2+$0x0], $0xffff;
	[tilespmem:v0+s7+$0xE0 ss:$0x1] =	vst.idx.msk $0xffff, v3  }
0x1c0: {  	v3 =	vld.idx.msk [tilespmem:v9+s2+$0x0], $0xffff  }
0x1c1: {  	v9 =	vld.idx.msk [tilespmem:v14+s2+$0x0], $0xffff  }
0x1c2: {  	v4 =	vld.idx.msk [tilespmem:v4+s2+$0x0], $0xffff  }
0x1c3: {  	v2 =	vld.idx.msk [tilespmem:v2+s2+$0x0], $0xffff  }
0x1c4: {  	v6 =	vld.idx.msk [tilespmem:v6+s2+$0x0], $0xffff  }
0x1c5: {  	v7 =	vld.idx.msk [tilespmem:v7+s2+$0x0], $0xffff  }
0x1c6: {  	v3 =	vmax.f32 v8, v3;
	v8 =	vld.idx.msk [tilespmem:v11+s2+$0x0], $0xffff  }
0x1c7: {  	v3 =	vadd.f32 $9.999999740e-05, v3;
	v9 =	vmax.f32 v10, v9;
	v10 =	vld.idx.msk [tilespmem:v1+s29+$0x150 ss:$0x1], $0xffff  }
0x1c8: {  	v9 =	vadd.f32 $9.999999740e-05, v9;
	v11 =	vld.idx.msk [tilespmem:v1+s29+$0x1D0 ss:$0x1], $0xffff  }
0x1c9: {  	v2 =	vmax.f32 v4, v2;
	[tilespmem:v0+s10+$0x20 ss:$0x1] =	vst.idx.msk $0xffff, v3;
	v3 =	vld.idx.msk [tilespmem:v1+s29+$0x250 ss:$0x1], $0xffff  }
0x1ca: {  	v2 =	vadd.f32 $9.999999740e-05, v2;
	v5 =	vmax.f32 v5, v6;
	v4 =	vld.idx.msk [tilespmem:v1+s22+$0x110 ss:$0x1], $0xffff;
	[tilespmem:v0+s10+$0xA0 ss:$0x1] =	vst.idx.msk $0xffff, v9  }
0x1cb: {  	v5 =	vadd.f32 $9.999999740e-05, v5;
	v6 =	vld.idx.msk [tilespmem:v1+s22+$0x190 ss:$0x1], $0xffff  }
0x1cc: {  	v9 =	vld.idx.msk [tilespmem:v1+s22+$0x210 ss:$0x1], $0xffff;
	[tilespmem:v0+s10+$0x120 ss:$0x1] =	vst.idx.msk $0xffff, v2;
	v2 =	vmax.f32 v7, v8  }
0x1cd: {  	v7 =	vld.idx.msk [tilespmem:v1+s22+$0x290 ss:$0x1], $0xffff;
	v2 =	vadd.f32 $9.999999740e-05, v2;
	[tilespmem:v0+s7+$0x160 ss:$0x1] =	vst.idx.msk $0xffff, v5  }
0x1ce: {  	v5 =	vld.idx.msk [tilespmem:v1+s22+$0x310 ss:$0x1], $0xffff  }
0x1cf: {  	v8 =	vld.idx.msk [tilespmem:v1+s22+$0x390 ss:$0x1], $0xffff;
	[tilespmem:v0+s10+$0x1B0 ss:$0x1] =	vst.idx.msk $0xffff, v2  }
0x1d0: {  	v2 =	vld.idx.msk [tilespmem:v1+s22+$0x420 ss:$0x1], $0xffff  }
0x1d1: {  	v12 =	vld.idx.msk [tilespmem:v1+s22+$0x4A0 ss:$0x1], $0xffff  }
0x1d2: {  	v4 =	vld.idx.msk [tilespmem:v4+s2+$0x0], $0xffff  }
0x1d3: {  	v6 =	vld.idx.msk [tilespmem:v6+s2+$0x0], $0xffff  }
0x1d4: {  	v9 =	vld.idx.msk [tilespmem:v9+s2+$0x0], $0xffff  }
0x1d5: {  	v7 =	vld.idx.msk [tilespmem:v7+s2+$0x0], $0xffff  }
0x1d6: {  	v5 =	vld.idx.msk [tilespmem:v5+s2+$0x0], $0xffff  }
0x1d7: {  	v8 =	vld.idx.msk [tilespmem:v8+s2+$0x0], $0xffff  }
0x1d8: {  	v2 =	vld.idx.msk [tilespmem:v2+s2+$0x0], $0xffff  }
0x1d9: {  	v4 =	vmax.f32 v4, v6;
	v6 =	vld.idx.msk [tilespmem:v12+s2+$0x0], $0xffff  }
0x1da: {  	v4 =	vadd.f32 $9.999999740e-05, v4;
	v12 =	vld.idx.msk [tilespmem:v1+s29+$0x2D0 ss:$0x1], $0xffff  }
0x1db: {  	v7 =	vmax.f32 v9, v7;
	v9 =	vld.idx.msk [tilespmem:v1+s29+$0x350 ss:$0x1], $0xffff  }
0x1dc: {  	[tilespmem:v0+s10+$0x30 ss:$0x1] =	vst.idx.msk $0xffff, v4;
	v4 =	vadd.f32 $9.999999740e-05, v7;
	v13 =	vld.idx.msk [tilespmem:v1+s29+$0x3D0 ss:$0x1], $0xffff;
	s29 =	smov.u32 s22  }
0x1dd: {  	v5 =	vmax.f32 v5, v8;
	v7 =	vld.idx.msk [tilespmem:v1+s22+$0x120 ss:$0x1], $0xffff  }
0x1de: {  	v8 =	vld.idx.msk [tilespmem:v1+s22+$0x1A0 ss:$0x1], $0xffff;
	[tilespmem:v0+s10+$0xB0 ss:$0x1] =	vst.idx.msk $0xffff, v4;
	v4 =	vadd.f32 $9.999999740e-05, v5  }
0x1df: {  	v2 =	vmax.f32 v2, v6;
	v5 =	vld.idx.msk [tilespmem:v1+s22+$0x220 ss:$0x1], $0xffff  }
0x1e0: {  	v2 =	vadd.f32 $9.999999740e-05, v2;
	v6 =	vld.idx.msk [tilespmem:v1+s22+$0x2A0 ss:$0x1], $0xffff;
	[tilespmem:v0+s10+$0x130 ss:$0x1] =	vst.idx.msk $0xffff, v4  }
0x1e1: {  	v4 =	vld.idx.msk [tilespmem:v1+s22+$0x320 ss:$0x1], $0xffff  }
0x1e2: {  	v14 =	vld.idx.msk [tilespmem:v1+s22+$0x3A0 ss:$0x1], $0xffff;
	[tilespmem:v0+s10+$0x1C0 ss:$0x1] =	vst.idx.msk $0xffff, v2  }
0x1e3: {  	v2 =	vld.idx.msk [tilespmem:v1+s22+$0x430 ss:$0x1], $0xffff  }
0x1e4: {  	v15 =	vld.idx.msk [tilespmem:v1+s22+$0x4B0 ss:$0x1], $0xffff  }
0x1e5: {  	v7 =	vld.idx.msk [tilespmem:v7+s2+$0x0], $0xffff  }
0x1e6: {  	v8 =	vld.idx.msk [tilespmem:v8+s2+$0x0], $0xffff  }
0x1e7: {  	v5 =	vld.idx.msk [tilespmem:v5+s2+$0x0], $0xffff  }
0x1e8: {  	v6 =	vld.idx.msk [tilespmem:v6+s2+$0x0], $0xffff  }
0x1e9: {  	v16 =	vld.idx.msk [tilespmem:v4+s2+$0x0], $0xffff  }
0x1ea: {  	v14 =	vld.idx.msk [tilespmem:v14+s2+$0x0], $0xffff  }
0x1eb: {  	v2 =	vld.idx.msk [tilespmem:v2+s2+$0x0], $0xffff  }
0x1ec: {  	v4 =	vmax.f32 v7, v8;
	v7 =	vld.idx.msk [tilespmem:v15+s2+$0x0], $0xffff  }
0x1ed: {  	v4 =	vadd.f32 $9.999999740e-05, v4;
	v8 =	vld.idx.msk [tilespmem:v10+s2+$0x0], $0xffff  }
0x1ee: {  	v5 =	vmax.f32 v5, v6;
	v6 =	vld.idx.msk [tilespmem:v11+s2+$0x0], $0xffff  }
0x1ef: {  	v5 =	vadd.f32 $9.999999740e-05, v5;
	[tilespmem:v0+s10+$0x40 ss:$0x1] =	vst.idx.msk $0xffff, v4;
	v4 =	vld.idx.msk [tilespmem:v3+s2+$0x0], $0xffff  }
0x1f0: {  	v10 =	vmax.f32 v16, v14;
	v3 =	vld.idx.msk [tilespmem:v1+s22+$0x130 ss:$0x1], $0xffff  }
0x1f1: {  	v11 =	vld.idx.msk [tilespmem:v1+s22+$0x1B0 ss:$0x1], $0xffff;
	[tilespmem:v0+s10+$0xC0 ss:$0x1] =	vst.idx.msk $0xffff, v5;
	v5 =	vadd.f32 $9.999999740e-05, v10  }
0x1f2: {  	v2 =	vmax.f32 v2, v7;
	v10 =	vld.idx.msk [tilespmem:v1+s22+$0x230 ss:$0x1], $0xffff  }
0x1f3: {  	v2 =	vadd.f32 $9.999999740e-05, v2;
	v7 =	vld.idx.msk [tilespmem:v1+s22+$0x2B0 ss:$0x1], $0xffff;
	[tilespmem:v0+s10+$0x140 ss:$0x1] =	vst.idx.msk $0xffff, v5  }
0x1f4: {  	v6 =	vmax.f32 v8, v6;
	v5 =	vld.idx.msk [tilespmem:v1+s22+$0x330 ss:$0x1], $0xffff  }
0x1f5: {  	v8 =	vld.idx.msk [tilespmem:v1+s22+$0x3B0 ss:$0x1], $0xffff;
	[tilespmem:v0+s10+$0x1D0 ss:$0x1] =	vst.idx.msk $0xffff, v2;
	v2 =	vadd.f32 $9.999999740e-05, v6  }
0x1f6: {  	v6 =	vld.idx.msk [tilespmem:v1+s22+$0x440 ss:$0x1], $0xffff  }
0x1f7: {  	v14 =	vld.idx.msk [tilespmem:v1+s22+$0x4C0 ss:$0x1], $0xffff;
	[tilespmem:v0+s7+$0x70 ss:$0x1] =	vst.idx.msk $0xffff, v2  }
0x1f8: {  	v2 =	vld.idx.msk [tilespmem:v3+s2+$0x0], $0xffff  }
0x1f9: {  	v3 =	vld.idx.msk [tilespmem:v11+s2+$0x0], $0xffff  }
0x1fa: {  	v10 =	vld.idx.msk [tilespmem:v10+s2+$0x0], $0xffff  }
0x1fb: {  	v11 =	vld.idx.msk [tilespmem:v7+s2+$0x0], $0xffff  }
0x1fc: {  	v15 =	vld.idx.msk [tilespmem:v5+s2+$0x0], $0xffff  }
0x1fd: {  	v16 =	vld.idx.msk [tilespmem:v8+s2+$0x0], $0xffff  }
0x1fe: {  	v7 =	vld.idx.msk [tilespmem:v6+s2+$0x0], $0xffff  }
.Ltmp6:
0x1ff: {  	v2 =	vmax.f32 v2, v3;
	v8 =	vld.idx.msk [tilespmem:v14+s2+$0x0], $0xffff;
	(pc) =	sbr.rel @p3 .LBB2_10-.Ltmp6, $4  }
0x200: {  	v2 =	vadd.f32 $9.999999740e-05, v2;
	v5 =	vld.idx.msk [tilespmem:v12+s2+$0x0], $0xffff  }
0x201: {  	v6 =	vmax.f32 v10, v11;
	v3 =	vld.idx.msk [tilespmem:v9+s2+$0x0], $0xffff  }
0x202: {  	v9 =	vadd.f32 $9.999999740e-05, v6;
	[tilespmem:v0+s10+$0x50 ss:$0x1] =	vst.idx.msk $0xffff, v2;
	v6 =	vld.idx.msk [tilespmem:v13+s2+$0x0], $0xffff  }
0x203: {  	s22 =	sadd.s32 $0x400, s22;
	v10 =	vmax.f32 v15, v16;
	v2 =	vld.idx.msk [tilespmem:v1+s29+$0x140 ss:$0x1], $0xffff  }
0x204: {  	_ =	sdelay $0x3  }
0x205: {  	[tilespmem:v0+s10+$0xD0 ss:$0x1] =	vst.idx.msk $0xffff, v9;
	v41 =	vadd.f32 $9.999999740e-05, v10;
	v42 =	vld.idx.msk [tilespmem:v1+s29+$0x1C0 ss:$0x1], $0xffff  }
0x206: {  	v11 =	vld.idx.msk [tilespmem:v1+s29+$0x240 ss:$0x1], $0xffff  }
0x207: {  	v43 =	vld.idx.msk [tilespmem:v1+s29+$0x2C0 ss:$0x1], $0xffff;
	[tilespmem:v0+s10+$0x150 ss:$0x1] =	vst.idx.msk $0xffff, v41  }
0x208: {  	v12 =	vld.idx.msk [tilespmem:v1+s29+$0x340 ss:$0x1], $0xffff  }
0x209: {  	v13 =	vld.idx.msk [tilespmem:v1+s29+$0x3C0 ss:$0x1], $0xffff;
	_ =	sdelay $0x2  }
0x20a: {  	v2 =	vld.idx.msk [tilespmem:v2+s2+$0x0], $0xffff  }
0x20b: {  	v10 =	vld.idx.msk [tilespmem:v42+s2+$0x0], $0xffff  }
0x20c: {  	v11 =	vld.idx.msk [tilespmem:v11+s2+$0x0], $0xffff  }
0x20d: {  	v9 =	vld.idx.msk [tilespmem:v43+s2+$0x0], $0xffff  }
0x20e: {  	v7 =	vmax.f32 v7, v8;
	v44 =	vld.idx.msk [tilespmem:v12+s2+$0x0], $0xffff  }
0x20f: {  	v7 =	vadd.f32 $9.999999740e-05, v7;
	v45 =	vld.idx.msk [tilespmem:v13+s2+$0x0], $0xffff  }
0x210: {  	v2 =	vmax.f32 v2, v10  }
0x211: {  	[tilespmem:v0+s10+$0x1E0 ss:$0x1] =	vst.idx.msk $0xffff, v7;
	v2 =	vadd.f32 $9.999999740e-05, v2  }
0x212: {  	v7 =	vld.idx.msk [tilespmem:v1+s29+$0x450 ss:$0x1], $0xffff;
	v9 =	vmax.f32 v11, v9  }
0x213: {  	v46 =	vld.idx.msk [tilespmem:v1+s29+$0x4D0 ss:$0x1], $0xffff;
	v47 =	vadd.f32 $9.999999740e-05, v9;
	[tilespmem:v0+s10+$0x60 ss:$0x1] =	vst.idx.msk $0xffff, v2  }
0x214: {  	v8 =	vmax.f32 v44, v45;
	v48 =	vld.idx.msk [tilespmem:v1+s29+$0x150 ss:$0x1], $0xffff  }
0x215: {  	[tilespmem:v0+s10+$0xE0 ss:$0x1] =	vst.idx.msk $0xffff, v47;
	v49 =	vld.idx.msk [tilespmem:v1+s29+$0x1D0 ss:$0x1], $0xffff;
	v8 =	vadd.f32 $9.999999740e-05, v8  }
0x216: {  	v50 =	vld.idx.msk [tilespmem:v1+s29+$0x250 ss:$0x1], $0xffff  }
0x217: {  	v51 =	vld.idx.msk [tilespmem:v1+s29+$0x2D0 ss:$0x1], $0xffff;
	[tilespmem:v0+s10+$0x160 ss:$0x1] =	vst.idx.msk $0xffff, v8  }
0x218: {  	v52 =	vld.idx.msk [tilespmem:v1+s29+$0x350 ss:$0x1], $0xffff  }
0x219: {  	v53 =	vld.idx.msk [tilespmem:v1+s29+$0x3D0 ss:$0x1], $0xffff  }
0x21a: {  	v7 =	vld.idx.msk [tilespmem:v7+s2+$0x0], $0xffff  }
0x21b: {  	v10 =	vld.idx.msk [tilespmem:v46+s2+$0x0], $0xffff  }
0x21c: {  	v9 =	vld.idx.msk [tilespmem:v48+s2+$0x0], $0xffff  }
0x21d: {  	v2 =	vld.idx.msk [tilespmem:v49+s2+$0x0], $0xffff  }
0x21e: {  	v11 =	vld.idx.msk [tilespmem:v50+s2+$0x0], $0xffff  }
0x21f: {  	v8 =	vld.idx.msk [tilespmem:v51+s2+$0x0], $0xffff  }
0x220: {  	v12 =	vld.idx.msk [tilespmem:v52+s2+$0x0], $0xffff  }
0x221: {  	v4 =	vmax.f32 v4, v5;
	v1 =	vld.idx.msk [tilespmem:v53+s2+$0x0], $0xffff  }
0x222: {  	v4 =	vadd.f32 $9.999999740e-05, v4;
	v3 =	vmax.f32 v3, v6  }
0x223: {  	v3 =	vadd.f32 $9.999999740e-05, v3;
	v54 =	vmax.f32 v7, v10  }
0x224: {  	[tilespmem:v0+s7+$0xF0 ss:$0x1] =	vst.idx.msk $0xffff, v4;
	v55 =	vadd.f32 $9.999999740e-05, v54;
	v2 =	vmax.f32 v9, v2  }
0x225: {  	[tilespmem:v0+s7+$0x170 ss:$0x1] =	vst.idx.msk $0xffff, v3;
	v2 =	vadd.f32 $9.999999740e-05, v2;
	v56 =	vmax.f32 v11, v8  }
0x226: {  	[tilespmem:v0+s10+$0x1F0 ss:$0x1] =	vst.idx.msk $0xffff, v55;
	v3 =	vadd.f32 $9.999999740e-05, v56;
	v1 =	vmax.f32 v12, v1  }
0x227: {  	[tilespmem:v0+s10+$0x70 ss:$0x1] =	vst.idx.msk $0xffff, v2;
	v1 =	vadd.f32 $9.999999740e-05, v1  }
0x228: {  	[tilespmem:v0+s10+$0xF0 ss:$0x1] =	vst.idx.msk $0xffff, v3  }
0x229: {  	[tilespmem:v0+s10+$0x170 ss:$0x1] =	vst.idx.msk $0xffff, v1  }
0x22a: {  	v0 =	vld [tilespmem:s6+$0x19F00]  }
0x22b: {  	v1 =	vld [tilespmem:s6+$0x19F80];
	_ =	sdelay $0x6  }
0x22c: {  	v0 =	vld.idx.msk [tilespmem:v0+s2+$0x0], $0xffff  }
0x22d: {  	v1 =	vld.idx.msk [tilespmem:v1+s2+$0x0], $0xffff;
	_ =	sdelay $0x4  }
0x22e: {  	v0 =	vmax.f32 v0, v1  }
0x22f: {  	v0 =	vadd.f32 $9.999999740e-05, v0;
	_ =	sdelay $0x1  }
0x230: {  	[tilespmem:s20+$0x1E0A0] =	vst v0  }
0x231: {  	v0 =	vld [tilespmem:s6+$0x19F10]  }
0x232: {  	v57 =	vld [tilespmem:s6+$0x19F90];
	_ =	sdelay $0x6  }
0x233: {  	v0 =	vld.idx.msk [tilespmem:v0+s2+$0x0], $0xffff  }
0x234: {  	v1 =	vld.idx.msk [tilespmem:v57+s2+$0x0], $0xffff;
	_ =	sdelay $0x4  }
0x235: {  	v0 =	vmax.f32 v0, v1  }
0x236: {  	v0 =	vadd.f32 $9.999999740e-05, v0;
	_ =	sdelay $0x1  }
0x237: {  	[tilespmem:s20+$0x1E0B0] =	vst v0  }
0x238: {  	v0 =	vld [tilespmem:s6+$0x19FA0]  }
0x239: {  	v58 =	vld [tilespmem:s6+$0x1A020];
	_ =	sdelay $0x6  }
0x23a: {  	v0 =	vld.idx.msk [tilespmem:v0+s2+$0x0], $0xffff  }
0x23b: {  	v1 =	vld.idx.msk [tilespmem:v58+s2+$0x0], $0xffff;
	_ =	sdelay $0x4  }
0x23c: {  	v0 =	vmax.f32 v0, v1  }
0x23d: {  	v0 =	vadd.f32 $9.999999740e-05, v0;
	_ =	sdelay $0x1  }
0x23e: {  	[tilespmem:s20+$0x1E0C0] =	vst v0  }
0x23f: {  	v0 =	vld [tilespmem:s6+$0x19FB0]  }
0x240: {  	v59 =	vld [tilespmem:s6+$0x1A030];
	_ =	sdelay $0x6  }
0x241: {  	v0 =	vld.idx.msk [tilespmem:v0+s2+$0x0], $0xffff  }
0x242: {  	v1 =	vld.idx.msk [tilespmem:v59+s2+$0x0], $0xffff;
	_ =	sdelay $0x4  }
0x243: {  	v0 =	vmax.f32 v0, v1  }
0x244: {  	v0 =	vadd.f32 $9.999999740e-05, v0;
	_ =	sdelay $0x1  }
0x245: {  	[tilespmem:s20+$0x1E0D0] =	vst v0  }
0x246: {  	v0 =	vld [tilespmem:s6+$0x19FC0]  }
0x247: {  	v60 =	vld [tilespmem:s6+$0x1A040];
	_ =	sdelay $0x6  }
0x248: {  	v0 =	vld.idx.msk [tilespmem:v0+s2+$0x0], $0xffff  }
0x249: {  	v1 =	vld.idx.msk [tilespmem:v60+s2+$0x0], $0xffff;
	_ =	sdelay $0x4  }
0x24a: {  	v0 =	vmax.f32 v0, v1  }
0x24b: {  	v0 =	vadd.f32 $9.999999740e-05, v0;
	_ =	sdelay $0x1  }
0x24c: {  	[tilespmem:s20+$0x1E0E0] =	vst v0  }
0x24d: {  	v0 =	vld [tilespmem:s6+$0x19FD0]  }
0x24e: {  	v61 =	vld [tilespmem:s6+$0x1A050];
	_ =	sdelay $0x6  }
0x24f: {  	v0 =	vld.idx.msk [tilespmem:v0+s2+$0x0], $0xffff  }
0x250: {  	v1 =	vld.idx.msk [tilespmem:v61+s2+$0x0], $0xffff;
	_ =	sdelay $0x4  }
0x251: {  	v0 =	vmax.f32 v0, v1  }
0x252: {  	v0 =	vadd.f32 $9.999999740e-05, v0;
	_ =	sdelay $0x1  }
0x253: {  	[tilespmem:s20+$0x1E0F0] =	vst v0  }
0x254: {  	v0 =	vld [tilespmem:s6+$0x19FE0]  }
0x255: {  	v62 =	vld [tilespmem:s6+$0x1A060];
	_ =	sdelay $0x6  }
0x256: {  	v0 =	vld.idx.msk [tilespmem:v0+s2+$0x0], $0xffff  }
0x257: {  	v1 =	vld.idx.msk [tilespmem:v62+s2+$0x0], $0xffff;
	_ =	sdelay $0x4  }
0x258: {  	v0 =	vmax.f32 v0, v1  }
0x259: {  	v0 =	vadd.f32 $9.999999740e-05, v0;
	_ =	sdelay $0x1  }
0x25a: {  	[tilespmem:s20+$0x1E100] =	vst v0  }
0x25b: {  	v0 =	vld [tilespmem:s6+$0x19FF0]  }
0x25c: {  	v63 =	vld [tilespmem:s6+$0x1A070];
	_ =	sdelay $0x6  }
0x25d: {  	v0 =	vld.idx.msk [tilespmem:v0+s2+$0x0], $0xffff  }
0x25e: {  	v1 =	vld.idx.msk [tilespmem:v63+s2+$0x0], $0xffff;
	_ =	sdelay $0x2  }
0x25f: {  	s26 =	sadd.s32 $0x1, s26  }
0x260: {  	s22 =	sadd.s32 s8, s11;
	p3 =	sne.s32 s26, s12  }
.Ltmp7:
0x261: {  	s6 =	sshll.u32 s22, $0x8;
	v0 =	vmax.f32 v0, v1;
	(pc) =	sbr.rel @p3 .LBB2_9-.Ltmp7, $4  }
0x262: {  	s6 =	sor.u32 s15, s6;
	v0 =	vadd.f32 $9.999999740e-05, v0  }
0x263: {  	s28 =	sadd.s32 $0x1A00, s28;
	s6 =	sshrl.u32 s6, $0x3  }
0x264: {  	s13 =	sadd.s32 $0xC80, s13;
	s29 =	sadd.s32 $0x4, s9;
	s6 =	sadd.s32 s4, s6;
	[tilespmem:s20+$0x1E110] =	vst v0  }
0x265: {  	[hbm4b:s6+s30] =	stream.strided.scatter [tilespmem:s21], [sflag:s29], $0xC80, s31, s30, $0x38;
	[tilespmem:$0x1FBA0] =	vst v63  }
0x266: {  	_ =	swait.ge [sflag:s16], $0xC80  }
0x267: {  	[sflag:s16] =	ssyncset.done $0x0  }
0x268: {  	[sflag:s16] =	ssyncadd.s32 $0xFFFFF380  }
0x269: {  	_ =	swait.ge [sflag:s17], $0xC80  }
0x26a: {  	[sflag:s17] =	ssyncset.done $0x0  }
0x26b: {  	[sflag:s17] =	ssyncadd.s32 $0xFFFFF380  }
0x26c: {  	_ =	swait.ge [sflag:s18], $0xC80  }
0x26d: {  	p3 =	sle.u32 s19, $0x0;
	[sflag:s18] =	ssyncset.done $0x0  }
0x26e: {  	s7 =	simm.s32 @!p3 $0x7;
	[sflag:s18] =	ssyncadd.s32 $0xFFFFF380  }
0x26f: {  	_ =	swait.ge @!p3 [sflag:s7], $0x80  }
0x270: {  	s6 =	simm.s32 $0x10;
	[sflag:s7] =	ssyncset.done @!p3 $0x0  }
.LBB2_13:
0x271: {  	[sflag:s7] =	ssyncadd.s32 @!p3 $0xFFFFFF80;
	s7 =	smov.u32 s6;
	s6 =	sadd.s32 $0x10, s6  }
0x272: {  	p4 =	sne.s32 s6, $0x310  }
.Ltmp8:
0x273: {  	(pc) =	sbr.rel @p4 .LBB2_13-.Ltmp8, $4  }
0x274: {  	p3 =	sge.u32 s7, s19  }
0x275: {  	s7 =	simm.s32 @!p3 $0x7  }
0x276: {  	_ =	swait.ge @!p3 [sflag:s7], $0x80  }
0x277: {  	[sflag:s7] =	ssyncset.done @!p3 $0x0  }
.Ltmp9:
0x278: {  	(pc) =	sbr.rel @p0 .LBB2_18-.Ltmp9, $2  }
0x279: {  	_ =	sdelay $0x2  }
0x27a: {  	[sflag:s7] =	ssyncadd.s32 @!p3 $0xFFFFFF80  }
0x27b: {  	s6 =	rddreg [dreg:$0xb];
	s7 =	simm.s32 $0x186A0  }
0x27c: {  	[tilespmem:s7], [sflag:$0x8] =	stream.linear.gather [hbm4b:s6+s2], $0x1900, $0x38;
	[tilespmem:$0x1FBA0] =	vst v63  }
0x27d: {  	_ =	swait.ge [sflag:s25], $0x1900  }
0x27e: {  	[sflag:s25] =	ssyncset.done $0x0  }
0x27f: {  	s9 =	simm.s32 $0x18810;
	[sflag:s25] =	ssyncadd.s32 $0xFFFFE700  }
0x280: {  	v0 =	vld [tilespmem:s9+$0xFFFFFFF0]  }
0x281: {  	v1 =	vld [tilespmem:s9+$0x70];
	_ =	sdelay $0x6  }
0x282: {  	v0 =	vld.idx.msk [tilespmem:v0+s2+$0x0], $0xffff  }
0x283: {  	v1 =	vld.idx.msk [tilespmem:v1+s2+$0x0], $0xffff;
	_ =	sdelay $0x4  }
0x284: {  	v0 =	vmax.f32 v0, v1  }
0x285: {  	v0 =	vadd.f32 $9.999999740e-05, v0  }
0x286: {  	s7 =	simm.s32 $0x1D520;
	v2 =	vld [tilespmem:s9+$0xFFFFFF70]  }
0x287: {  	v1 =	vld [tilespmem:s9+$0xFFFFFEF0];
	[tilespmem:s7+$0x0] =	vst v0  }
0x288: {  	v0 =	vld [tilespmem:s9+$0x0]  }
0x289: {  	v3 =	vld [tilespmem:s9+$0x80];
	_ =	sdelay $0x4  }
0x28a: {  	v2 =	vld.idx.msk [tilespmem:v2+s2+$0x0], $0xffff  }
0x28b: {  	v1 =	vld.idx.msk [tilespmem:v1+s2+$0x0], $0xffff  }
0x28c: {  	v0 =	vld.idx.msk [tilespmem:v0+s2+$0x0], $0xffff  }
0x28d: {  	v3 =	vld.idx.msk [tilespmem:v3+s2+$0x0], $0xffff;
	_ =	sdelay $0x2  }
0x28e: {  	v1 =	vmax.f32 v1, v2  }
0x28f: {  	v1 =	vadd.f32 $9.999999740e-05, v1  }
0x290: {  	v0 =	vmax.f32 v0, v3  }
0x291: {  	[tilespmem:s7+$0xFFFFFF80] =	vst v1;
	v0 =	vadd.f32 $9.999999740e-05, v0  }
0x292: {  	v1 =	vld [tilespmem:s9+$0xFFFFFF00]  }
0x293: {  	v2 =	vld [tilespmem:s9+$0xFFFFFF80];
	[tilespmem:s7+$0x10] =	vst v0  }
0x294: {  	v0 =	vld [tilespmem:s9+$0x90]  }
0x295: {  	v3 =	vld [tilespmem:s9+$0x110];
	_ =	sdelay $0x4  }
0x296: {  	v1 =	vld.idx.msk [tilespmem:v1+s2+$0x0], $0xffff  }
0x297: {  	v2 =	vld.idx.msk [tilespmem:v2+s2+$0x0], $0xffff  }
0x298: {  	v0 =	vld.idx.msk [tilespmem:v0+s2+$0x0], $0xffff  }
0x299: {  	v3 =	vld.idx.msk [tilespmem:v3+s2+$0x0], $0xffff;
	_ =	sdelay $0x2  }
0x29a: {  	v1 =	vmax.f32 v1, v2  }
0x29b: {  	v1 =	vadd.f32 $9.999999740e-05, v1  }
0x29c: {  	v0 =	vmax.f32 v0, v3  }
0x29d: {  	[tilespmem:s7+$0xFFFFFF90] =	vst v1;
	v0 =	vadd.f32 $9.999999740e-05, v0  }
0x29e: {  	v1 =	vld [tilespmem:s9+$0xFFFFFF90]  }
0x29f: {  	v2 =	vld [tilespmem:s9+$0x10];
	[tilespmem:s7+$0x20] =	vst v0  }
0x2a0: {  	v0 =	vld [tilespmem:s9+$0xA0]  }
0x2a1: {  	v3 =	vld [tilespmem:s9+$0x120];
	_ =	sdelay $0x1  }
0x2a2: {  	s8 =	simm.s32 $0x18A10  }
0x2a3: {  	v4 =	vld [tilespmem:s8+$0xFFFFFFF0]  }
0x2a4: {  	v5 =	vld [tilespmem:s8+$0x70]  }
0x2a5: {  	v1 =	vld.idx.msk [tilespmem:v1+s2+$0x0], $0xffff  }
0x2a6: {  	v2 =	vld.idx.msk [tilespmem:v2+s2+$0x0], $0xffff  }
0x2a7: {  	v0 =	vld.idx.msk [tilespmem:v0+s2+$0x0], $0xffff  }
0x2a8: {  	v3 =	vld.idx.msk [tilespmem:v3+s2+$0x0], $0xffff  }
0x2a9: {  	v6 =	vld [tilespmem:s8+$0xFFFFFF70];
	_ =	sdelay $0x1  }
0x2aa: {  	v4 =	vld.idx.msk [tilespmem:v4+s2+$0x0], $0xffff  }
0x2ab: {  	v1 =	vmax.f32 v1, v2;
	v2 =	vld [tilespmem:s8+$0xFFFFFEF0]  }
0x2ac: {  	v1 =	vadd.f32 $9.999999740e-05, v1;
	v0 =	vmax.f32 v0, v3;
	v3 =	vld.idx.msk [tilespmem:v5+s2+$0x0], $0xffff;
	_ =	sdelay $0x1  }
0x2ad: {  	[tilespmem:s7+$0xFFFFFFA0] =	vst v1;
	v0 =	vadd.f32 $9.999999740e-05, v0  }
0x2ae: {  	v1 =	vld [tilespmem:s9+$0xFFFFFFA0]  }
0x2af: {  	v5 =	vld.idx.msk [tilespmem:v6+s2+$0x0], $0xffff;
	[tilespmem:s7+$0x30] =	vst v0  }
0x2b0: {  	v0 =	vld [tilespmem:s9+$0xB0];
	v3 =	vmax.f32 v4, v3  }
0x2b1: {  	v6 =	vld [tilespmem:s9+$0x130];
	v3 =	vadd.f32 $9.999999740e-05, v3  }
0x2b2: {  	s6 =	simm.s32 $0x1D620;
	v2 =	vld.idx.msk [tilespmem:v2+s2+$0x0], $0xffff  }
0x2b3: {  	v4 =	vld [tilespmem:s9+$0x20];
	[tilespmem:s6+$0x0] =	vst v3  }
0x2b4: {  	v3 =	vld [tilespmem:s8+$0x0]  }
0x2b5: {  	v7 =	vld [tilespmem:s8+$0x80];
	_ =	sdelay $0x2  }
0x2b6: {  	v2 =	vmax.f32 v2, v5;
	v0 =	vld.idx.msk [tilespmem:v0+s2+$0x0], $0xffff  }
0x2b7: {  	v2 =	vadd.f32 $9.999999740e-05, v2;
	v5 =	vld.idx.msk [tilespmem:v6+s2+$0x0], $0xffff  }
0x2b8: {  	v1 =	vld.idx.msk [tilespmem:v1+s2+$0x0], $0xffff  }
0x2b9: {  	[tilespmem:s6+$0xFFFFFF80] =	vst v2;
	v2 =	vld.idx.msk [tilespmem:v4+s2+$0x0], $0xffff  }
0x2ba: {  	v3 =	vld.idx.msk [tilespmem:v3+s2+$0x0], $0xffff  }
0x2bb: {  	v6 =	vld.idx.msk [tilespmem:v7+s2+$0x0], $0xffff  }
0x2bc: {  	v0 =	vmax.f32 v0, v5  }
0x2bd: {  	v0 =	vadd.f32 $9.999999740e-05, v0  }
0x2be: {  	v4 =	vld [tilespmem:s8+$0xFFFFFF00];
	v1 =	vmax.f32 v1, v2  }
0x2bf: {  	v5 =	vld [tilespmem:s8+$0xFFFFFF80];
	[tilespmem:s7+$0x40] =	vst v0;
	v0 =	vadd.f32 $9.999999740e-05, v1  }
0x2c0: {  	v1 =	vld [tilespmem:s9+$0xC0];
	v3 =	vmax.f32 v3, v6  }
0x2c1: {  	v2 =	vld [tilespmem:s9+$0x140];
	[tilespmem:s7+$0xFFFFFFB0] =	vst v0;
	v0 =	vadd.f32 $9.999999740e-05, v3  }
0x2c2: {  	v3 =	vld [tilespmem:s9+$0xFFFFFFB0]  }
0x2c3: {  	v6 =	vld [tilespmem:s9+$0x30];
	[tilespmem:s6+$0x10] =	vst v0  }
0x2c4: {  	v0 =	vld [tilespmem:s8+$0x90]  }
0x2c5: {  	v7 =	vld [tilespmem:s8+$0x110]  }
0x2c6: {  	v4 =	vld.idx.msk [tilespmem:v4+s2+$0x0], $0xffff  }
0x2c7: {  	v5 =	vld.idx.msk [tilespmem:v5+s2+$0x0], $0xffff  }
0x2c8: {  	v1 =	vld.idx.msk [tilespmem:v1+s2+$0x0], $0xffff  }
0x2c9: {  	v2 =	vld.idx.msk [tilespmem:v2+s2+$0x0], $0xffff  }
0x2ca: {  	v3 =	vld.idx.msk [tilespmem:v3+s2+$0x0], $0xffff  }
0x2cb: {  	v6 =	vld.idx.msk [tilespmem:v6+s2+$0x0], $0xffff  }
0x2cc: {  	v0 =	vld.idx.msk [tilespmem:v0+s2+$0x0], $0xffff  }
0x2cd: {  	v4 =	vmax.f32 v4, v5;
	v5 =	vld.idx.msk [tilespmem:v7+s2+$0x0], $0xffff  }
0x2ce: {  	s10 =	simm.s32 $0x18C10;
	v1 =	vmax.f32 v1, v2  }
0x2cf: {  	v8 =	vld [tilespmem:s10+$0xFFFFFFF0];
	v1 =	vadd.f32 $9.999999740e-05, v1  }
0x2d0: {  	v9 =	vld [tilespmem:s10+$0x70]  }
0x2d1: {  	v10 =	vld [tilespmem:s10+$0xFFFFFF70];
	v4 =	vadd.f32 $9.999999740e-05, v4;
	v3 =	vmax.f32 v3, v6;
	[tilespmem:s7+$0x50] =	vst v1  }
0x2d2: {  	v1 =	vadd.f32 $9.999999740e-05, v3;
	v3 =	vld [tilespmem:s9+$0xD0];
	v0 =	vmax.f32 v0, v5  }
0x2d3: {  	[tilespmem:s6+$0xFFFFFF90] =	vst v4;
	v4 =	vld [tilespmem:s9+$0x150];
	v0 =	vadd.f32 $9.999999740e-05, v0  }
0x2d4: {  	v2 =	vld [tilespmem:s8+$0xFFFFFF90]  }
0x2d5: {  	v5 =	vld [tilespmem:s8+$0x10];
	[tilespmem:s6+$0x20] =	vst v0  }
0x2d6: {  	v0 =	vld [tilespmem:s8+$0xA0]  }
0x2d7: {  	[tilespmem:s7+$0xFFFFFFC0] =	vst v1;
	v7 =	vld [tilespmem:s8+$0x120]  }
0x2d8: {  	v1 =	vld [tilespmem:s9+$0xFFFFFFC0]  }
0x2d9: {  	v6 =	vld [tilespmem:s9+$0x40]  }
0x2da: {  	v3 =	vld.idx.msk [tilespmem:v3+s2+$0x0], $0xffff  }
0x2db: {  	v4 =	vld.idx.msk [tilespmem:v4+s2+$0x0], $0xffff  }
0x2dc: {  	v2 =	vld.idx.msk [tilespmem:v2+s2+$0x0], $0xffff  }
0x2dd: {  	v5 =	vld.idx.msk [tilespmem:v5+s2+$0x0], $0xffff  }
0x2de: {  	v0 =	vld.idx.msk [tilespmem:v0+s2+$0x0], $0xffff  }
0x2df: {  	v7 =	vld.idx.msk [tilespmem:v7+s2+$0x0], $0xffff  }
0x2e0: {  	v3 =	vmax.f32 v3, v4;
	v4 =	vld [tilespmem:s10+$0xFFFFFEF0];
	_ =	sdelay $0x1  }
0x2e1: {  	v1 =	vld.idx.msk [tilespmem:v1+s2+$0x0], $0xffff  }
0x2e2: {  	v2 =	vmax.f32 v2, v5;
	v3 =	vadd.f32 $9.999999740e-05, v3;
	v5 =	vld.idx.msk [tilespmem:v6+s2+$0x0], $0xffff  }
0x2e3: {  	v6 =	vld.idx.msk [tilespmem:v8+s2+$0x0], $0xffff  }
0x2e4: {  	v2 =	vadd.f32 $9.999999740e-05, v2;
	[tilespmem:s7+$0x60] =	vst v3;
	v3 =	vld.idx.msk [tilespmem:v9+s2+$0x0], $0xffff;
	v0 =	vmax.f32 v0, v7  }
0x2e5: {  	v8 =	vld.idx.msk [tilespmem:v10+s2+$0x0], $0xffff;
	v0 =	vadd.f32 $9.999999740e-05, v0  }
0x2e6: {  	[tilespmem:s6+$0xFFFFFFA0] =	vst v2;
	v2 =	vld [tilespmem:s9+$0xE0]  }
0x2e7: {  	[tilespmem:s6+$0x30] =	vst v0;
	v4 =	vld.idx.msk [tilespmem:v4+s2+$0x0], $0xffff  }
0x2e8: {  	v0 =	vld [tilespmem:s8+$0xB0]  }
0x2e9: {  	v3 =	vmax.f32 v6, v3;
	v9 =	vld [tilespmem:s8+$0x130]  }
0x2ea: {  	v10 =	vld [tilespmem:s9+$0x160];
	v3 =	vadd.f32 $9.999999740e-05, v3  }
0x2eb: {  	s14 =	simm.s32 $0x1D720;
	v7 =	vld [tilespmem:s8+$0xFFFFFFA0]  }
0x2ec: {  	v6 =	vld [tilespmem:s8+$0x20];
	[tilespmem:s14+$0x0] =	vst v3  }
0x2ed: {  	v3 =	vld [tilespmem:s10+$0x0]  }
0x2ee: {  	v11 =	vld [tilespmem:s10+$0x80];
	v4 =	vmax.f32 v4, v8  }
0x2ef: {  	v2 =	vld.idx.msk [tilespmem:v2+s2+$0x0], $0xffff;
	v4 =	vadd.f32 $9.999999740e-05, v4  }
0x2f0: {  	v0 =	vld.idx.msk [tilespmem:v0+s2+$0x0], $0xffff  }
0x2f1: {  	[tilespmem:s14+$0xFFFFFF80] =	vst v4;
	v8 =	vld.idx.msk [tilespmem:v9+s2+$0x0], $0xffff  }
0x2f2: {  	v1 =	vmax.f32 v1, v5;
	v5 =	vld [tilespmem:s10+$0xFFFFFF00]  }
0x2f3: {  	v1 =	vadd.f32 $9.999999740e-05, v1;
	v7 =	vld.idx.msk [tilespmem:v7+s2+$0x0], $0xffff  }
0x2f4: {  	v4 =	vld.idx.msk [tilespmem:v6+s2+$0x0], $0xffff  }
0x2f5: {  	[tilespmem:s7+$0xFFFFFFD0] =	vst v1;
	v1 =	vld [tilespmem:s10+$0xFFFFFF80]  }
0x2f6: {  	v9 =	vld [tilespmem:s9+$0x50]  }
0x2f7: {  	v3 =	vld.idx.msk [tilespmem:v3+s2+$0x0], $0xffff;
	v0 =	vmax.f32 v0, v8  }
0x2f8: {  	v6 =	vld.idx.msk [tilespmem:v11+s2+$0x0], $0xffff;
	v0 =	vadd.f32 $9.999999740e-05, v0  }
0x2f9: {  	v8 =	vld [tilespmem:s9+$0xFFFFFFD0]  }
0x2fa: {  	v4 =	vmax.f32 v7, v4;
	[tilespmem:s6+$0x40] =	vst v0;
	v5 =	vld.idx.msk [tilespmem:v5+s2+$0x0], $0xffff  }
0x2fb: {  	v0 =	vadd.f32 $9.999999740e-05, v4;
	v4 =	vld [tilespmem:s8+$0xC0]  }
0x2fc: {  	v7 =	vld [tilespmem:s8+$0x140]  }
0x2fd: {  	v3 =	vmax.f32 v3, v6;
	v1 =	vld.idx.msk [tilespmem:v1+s2+$0x0], $0xffff;
	[tilespmem:s6+$0xFFFFFFB0] =	vst v0  }
0x2fe: {  	v0 =	vadd.f32 $9.999999740e-05, v3;
	v3 =	vld [tilespmem:s8+$0xFFFFFFB0]  }
0x2ff: {  	v6 =	vld [tilespmem:s8+$0x30]  }
0x300: {  	v9 =	vld.idx.msk [tilespmem:v9+s2+$0x0], $0xffff;
	[tilespmem:s14+$0x10] =	vst v0  }
0x301: {  	v0 =	vld [tilespmem:s10+$0x90]  }
0x302: {  	v11 =	vld [tilespmem:s10+$0x110]  }
0x303: {  	v4 =	vld.idx.msk [tilespmem:v4+s2+$0x0], $0xffff  }
0x304: {  	v1 =	vmax.f32 v5, v1;
	v7 =	vld.idx.msk [tilespmem:v7+s2+$0x0], $0xffff  }
0x305: {  	v8 =	vld.idx.msk [tilespmem:v8+s2+$0x0], $0xffff;
	v1 =	vadd.f32 $9.999999740e-05, v1  }
0x306: {  	v3 =	vld.idx.msk [tilespmem:v3+s2+$0x0], $0xffff  }
0x307: {  	[tilespmem:s14+$0xFFFFFF90] =	vst v1;
	v5 =	vld.idx.msk [tilespmem:v6+s2+$0x0], $0xffff  }
0x308: {  	v6 =	vld [tilespmem:s10+$0xFFFFFF90]  }
0x309: {  	v0 =	vld.idx.msk [tilespmem:v0+s2+$0x0], $0xffff;
	v4 =	vmax.f32 v4, v7  }
0x30a: {  	v1 =	vld.idx.msk [tilespmem:v11+s2+$0x0], $0xffff;
	v4 =	vadd.f32 $9.999999740e-05, v4  }
0x30b: {  	v10 =	vld.idx.msk [tilespmem:v10+s2+$0x0], $0xffff;
	v7 =	vmax.f32 v8, v9  }
0x30c: {  	v8 =	vld [tilespmem:s10+$0x10];
	v7 =	vadd.f32 $9.999999740e-05, v7;
	v3 =	vmax.f32 v3, v5;
	[tilespmem:s6+$0x50] =	vst v4  }
0x30d: {  	v3 =	vadd.f32 $9.999999740e-05, v3;
	v4 =	vld [tilespmem:s8+$0xD0]  }
0x30e: {  	[tilespmem:s7+$0xFFFFFFE0] =	vst v7;
	v9 =	vld [tilespmem:s8+$0x150]  }
0x30f: {  	v1 =	vmax.f32 v0, v1;
	v0 =	vld [tilespmem:s9+$0xFFFFFFE0];
	[tilespmem:s6+$0xFFFFFFC0] =	vst v3  }
0x310: {  	v3 =	vadd.f32 $9.999999740e-05, v1;
	v11 =	vld [tilespmem:s8+$0xFFFFFFC0]  }
0x311: {  	v5 =	vld.idx.msk [tilespmem:v6+s2+$0x0], $0xffff  }
0x312: {  	v1 =	vld [tilespmem:s8+$0x40];
	[tilespmem:s14+$0x20] =	vst v3  }
0x313: {  	v6 =	vld [tilespmem:s10+$0xA0]  }
0x314: {  	v7 =	vld [tilespmem:s10+$0x120]  }
0x315: {  	v2 =	vmax.f32 v2, v10;
	v8 =	vld.idx.msk [tilespmem:v8+s2+$0x0], $0xffff  }
0x316: {  	v2 =	vadd.f32 $9.999999740e-05, v2;
	v3 =	vld.idx.msk [tilespmem:v4+s2+$0x0], $0xffff  }
0x317: {  	v4 =	vld.idx.msk [tilespmem:v9+s2+$0x0], $0xffff  }
0x318: {  	s20 =	simm.s32 $0x4;
	s21 =	simm.s32 $0x18E10;
	s13 =	simm.s32 $0x1D720;
	[tilespmem:s7+$0x70] =	vst v2;
	v2 =	vld.idx.msk [tilespmem:v11+s2+$0x0], $0xffff  }
.LBB2_16:
0x319: {  	v9 =	vld [tilespmem:s21+$0xFFFFFFF0]  }
0x31a: {  	v10 =	vld [tilespmem:s21+$0x70]  }
0x31b: {  	v6 =	vld.idx.msk [tilespmem:v6+s2+$0x0], $0xffff  }
0x31c: {  	v3 =	vmax.f32 v3, v4;
	v7 =	vld.idx.msk [tilespmem:v7+s2+$0x0], $0xffff  }
0x31d: {  	v5 =	vmax.f32 v5, v8;
	v3 =	vadd.f32 $9.999999740e-05, v3;
	v4 =	vld [tilespmem:s21+$0xFFFFFF70]  }
0x31e: {  	v5 =	vadd.f32 $9.999999740e-05, v5;
	v8 =	vld [tilespmem:s21+$0xFFFFFEF0]  }
0x31f: {  	v1 =	vld.idx.msk [tilespmem:v1+s2+$0x0], $0xffff;
	[tilespmem:s6+$0x60] =	vst v3  }
0x320: {  	[tilespmem:s14+$0xFFFFFFA0] =	vst v5;
	v3 =	vld [tilespmem:s8+$0xE0]  }
0x321: {  	v5 =	vld [tilespmem:s8+$0x160]  }
0x322: {  	v6 =	vmax.f32 v6, v7;
	v9 =	vld.idx.msk [tilespmem:v9+s2+$0x0], $0xffff  }
0x323: {  	s20 =	sadd.s32 $0x2, s20;
	v6 =	vadd.f32 $9.999999740e-05, v6;
	v7 =	vld.idx.msk [tilespmem:v10+s2+$0x0], $0xffff  }
0x324: {  	p3 =	slt.u32 s20, $0x16;
	v10 =	vld [tilespmem:s10+$0xFFFFFFA0]  }
0x325: {  	v1 =	vmax.f32 v2, v1;
	v4 =	vld.idx.msk [tilespmem:v4+s2+$0x0], $0xffff;
	[tilespmem:s14+$0x30] =	vst v6  }
0x326: {  	v1 =	vadd.f32 $9.999999740e-05, v1;
	v2 =	vld [tilespmem:s10+$0xB0]  }
0x327: {  	v6 =	vld [tilespmem:s10+$0x130]  }
0x328: {  	[tilespmem:s6+$0xFFFFFFD0] =	vst v1;
	v1 =	vld.idx.msk [tilespmem:v3+s2+$0x0], $0xffff  }
0x329: {  	v3 =	vmax.f32 v9, v7;
	v5 =	vld.idx.msk [tilespmem:v5+s2+$0x0], $0xffff  }
0x32a: {  	v3 =	vadd.f32 $9.999999740e-05, v3;
	v7 =	vld.idx.msk [tilespmem:v8+s2+$0x0], $0xffff  }
0x32b: {  	s14 =	sadd.s32 $0x100, s14;
	v8 =	vld [tilespmem:s10+$0x20]  }
0x32c: {  	[tilespmem:s14+$0x0] =	vst v3;
	v3 =	vld.idx.msk [tilespmem:v10+s2+$0x0], $0xffff  }
0x32d: {  	v9 =	vld [tilespmem:s21+$0x0]  }
0x32e: {  	v10 =	vld [tilespmem:s21+$0x80]  }
0x32f: {  	v1 =	vmax.f32 v1, v5;
	v2 =	vld.idx.msk [tilespmem:v2+s2+$0x0], $0xffff  }
0x330: {  	v4 =	vmax.f32 v7, v4;
	v1 =	vadd.f32 $9.999999740e-05, v1;
	v5 =	vld.idx.msk [tilespmem:v6+s2+$0x0], $0xffff  }
0x331: {  	v4 =	vadd.f32 $9.999999740e-05, v4;
	v6 =	vld [tilespmem:s8+$0xFFFFFFD0]  }
0x332: {  	v7 =	vld [tilespmem:s8+$0x50];
	[tilespmem:s6+$0x70] =	vst v1  }
0x333: {  	[tilespmem:s14+$0xFFFFFF80] =	vst v4;
	v1 =	vld.idx.msk [tilespmem:v8+s2+$0x0], $0xffff  }
0x334: {  	v4 =	vld [tilespmem:s21+$0xFFFFFF00]  }
0x335: {  	v8 =	vld.idx.msk [tilespmem:v9+s2+$0x0], $0xffff  }
0x336: {  	v2 =	vmax.f32 v2, v5;
	v9 =	vld.idx.msk [tilespmem:v10+s2+$0x0], $0xffff  }
0x337: {  	v2 =	vadd.f32 $9.999999740e-05, v2;
	v5 =	vld [tilespmem:s21+$0xFFFFFF80]  }
0x338: {  	v10 =	vld [tilespmem:s9+$0x60];
	s9 =	smov.u32 s8;
	s8 =	smov.u32 s10;
	s10 =	smov.u32 s21  }
0x339: {  	v1 =	vmax.f32 v3, v1;
	[tilespmem:s13+$0x40] =	vst v2;
	v2 =	vld.idx.msk [tilespmem:v6+s2+$0x0], $0xffff  }
0x33a: {  	v1 =	vadd.f32 $9.999999740e-05, v1;
	v3 =	vld [tilespmem:s8+$0xC0]  }
0x33b: {  	v6 =	vld [tilespmem:s8+$0x140]  }
0x33c: {  	v8 =	vmax.f32 v8, v9;
	v4 =	vld.idx.msk [tilespmem:v4+s2+$0x0], $0xffff;
	[tilespmem:s13+$0xFFFFFFB0] =	vst v1  }
0x33d: {  	v1 =	vadd.f32 $9.999999740e-05, v8;
	v8 =	vld [tilespmem:s8+$0xFFFFFFB0]  }
0x33e: {  	v9 =	vld [tilespmem:s8+$0x30]  }
0x33f: {  	v5 =	vld.idx.msk [tilespmem:v5+s2+$0x0], $0xffff;
	[tilespmem:s14+$0x10] =	vst v1  }
0x340: {  	v1 =	vld [tilespmem:s21+$0x90]  }
0x341: {  	v11 =	vld [tilespmem:s21+$0x110]  }
0x342: {  	v3 =	vld.idx.msk [tilespmem:v3+s2+$0x0], $0xffff  }
0x343: {  	v6 =	vld.idx.msk [tilespmem:v6+s2+$0x0], $0xffff  }
0x344: {  	v7 =	vld.idx.msk [tilespmem:v7+s2+$0x0], $0xffff  }
0x345: {  	v4 =	vmax.f32 v4, v5;
	v5 =	vld.idx.msk [tilespmem:v8+s2+$0x0], $0xffff  }
0x346: {  	v4 =	vadd.f32 $9.999999740e-05, v4;
	v8 =	vld.idx.msk [tilespmem:v9+s2+$0x0], $0xffff  }
0x347: {  	v9 =	vld.idx.msk [tilespmem:v0+s2+$0x0], $0xffff  }
0x348: {  	[tilespmem:s14+$0xFFFFFF90] =	vst v4;
	v0 =	vld.idx.msk [tilespmem:v1+s2+$0x0], $0xffff  }
0x349: {  	v3 =	vmax.f32 v3, v6;
	v1 =	vld.idx.msk [tilespmem:v11+s2+$0x0], $0xffff  }
0x34a: {  	v3 =	vadd.f32 $9.999999740e-05, v3;
	v2 =	vmax.f32 v2, v7;
	v4 =	vld [tilespmem:s21+$0xFFFFFF90]  }
0x34b: {  	v2 =	vadd.f32 $9.999999740e-05, v2;
	v11 =	vld [tilespmem:s21+$0x10]  }
0x34c: {  	v5 =	vmax.f32 v5, v8;
	[tilespmem:s13+$0x50] =	vst v3;
	v3 =	vld.idx.msk [tilespmem:v10+s2+$0x0], $0xffff  }
0x34d: {  	v5 =	vadd.f32 $9.999999740e-05, v5;
	v8 =	vld [tilespmem:s8+$0xD0];
	[tilespmem:s6+$0xFFFFFFE0] =	vst v2  }
0x34e: {  	v2 =	vld [tilespmem:s8+$0x150]  }
0x34f: {  	v1 =	vmax.f32 v0, v1;
	[tilespmem:s13+$0xFFFFFFC0] =	vst v5;
	v0 =	vld [tilespmem:s9+$0xFFFFFFE0]  }
0x350: {  	v6 =	vadd.f32 $9.999999740e-05, v1;
	v10 =	vld [tilespmem:s8+$0xFFFFFFC0]  }
0x351: {  	v1 =	vld [tilespmem:s8+$0x40]  }
0x352: {  	v3 =	vmax.f32 v9, v3;
	v5 =	vld.idx.msk [tilespmem:v4+s2+$0x0], $0xffff;
	[tilespmem:s14+$0x20] =	vst v6  }
0x353: {  	v4 =	vadd.f32 $9.999999740e-05, v3;
	v6 =	vld [tilespmem:s21+$0xA0]  }
.Ltmp10:
0x354: {  	v7 =	vld [tilespmem:s21+$0x120];
	(pc) =	sbr.rel @p3 .LBB2_16-.Ltmp10, $4  }
0x355: {  	v3 =	vld.idx.msk [tilespmem:v8+s2+$0x0], $0xffff;
	[tilespmem:s7+$0xFFFFFFF0] =	vst v4;
	s7 =	smov.u32 s6;
	s6 =	smov.u32 s13;
	s13 =	smov.u32 s14  }
0x356: {  	v4 =	vld.idx.msk [tilespmem:v2+s2+$0x0], $0xffff  }
0x357: {  	v8 =	vld.idx.msk [tilespmem:v11+s2+$0x0], $0xffff  }
0x358: {  	s21 =	sadd.s32 $0x200, s21;
	v2 =	vld.idx.msk [tilespmem:v10+s2+$0x0], $0xffff  }
0x359: {  	_ =	sdelay $0x2  }
0x35a: {  	v5 =	vmax.f32 v5, v8  }
0x35b: {  	v5 =	vadd.f32 $9.999999740e-05, v5;
	_ =	sdelay $0x1  }
0x35c: {  	[tilespmem:s14+$0xFFFFFFA0] =	vst v5  }
0x35d: {  	v5 =	vld [tilespmem:s10+$0xFFFFFFA0]  }
0x35e: {  	v42 =	vld [tilespmem:s10+$0x20];
	_ =	sdelay $0x3  }
0x35f: {  	v6 =	vld.idx.msk [tilespmem:v6+s2+$0x0], $0xffff  }
0x360: {  	v7 =	vld.idx.msk [tilespmem:v7+s2+$0x0], $0xffff;
	_ =	sdelay $0x1  }
0x361: {  	v5 =	vld.idx.msk [tilespmem:v5+s2+$0x0], $0xffff  }
0x362: {  	v8 =	vld.idx.msk [tilespmem:v42+s2+$0x0], $0xffff;
	_ =	sdelay $0x1  }
0x363: {  	v6 =	vmax.f32 v6, v7  }
0x364: {  	v6 =	vadd.f32 $9.999999740e-05, v6;
	_ =	sdelay $0x1  }
0x365: {  	[tilespmem:s14+$0x30] =	vst v6;
	v5 =	vmax.f32 v5, v8  }
0x366: {  	v6 =	vld [tilespmem:s10+$0xB0];
	v5 =	vadd.f32 $9.999999740e-05, v5  }
0x367: {  	v43 =	vld [tilespmem:s10+$0x130]  }
0x368: {  	[tilespmem:s13+$0xFFFFFFB0] =	vst v5  }
0x369: {  	v5 =	vld [tilespmem:s10+$0xFFFFFFB0]  }
0x36a: {  	v44 =	vld [tilespmem:s10+$0x30];
	_ =	sdelay $0x3  }
0x36b: {  	v6 =	vld.idx.msk [tilespmem:v6+s2+$0x0], $0xffff  }
0x36c: {  	v7 =	vld.idx.msk [tilespmem:v43+s2+$0x0], $0xffff;
	_ =	sdelay $0x1  }
0x36d: {  	v5 =	vld.idx.msk [tilespmem:v5+s2+$0x0], $0xffff  }
0x36e: {  	v8 =	vld.idx.msk [tilespmem:v44+s2+$0x0], $0xffff;
	_ =	sdelay $0x1  }
0x36f: {  	v6 =	vmax.f32 v6, v7  }
0x370: {  	v6 =	vadd.f32 $9.999999740e-05, v6;
	_ =	sdelay $0x1  }
0x371: {  	[tilespmem:s13+$0x40] =	vst v6;
	v5 =	vmax.f32 v5, v8  }
0x372: {  	v6 =	vld [tilespmem:s10+$0xC0];
	v5 =	vadd.f32 $9.999999740e-05, v5  }
0x373: {  	v45 =	vld [tilespmem:s10+$0x140]  }
0x374: {  	[tilespmem:s13+$0xFFFFFFC0] =	vst v5  }
0x375: {  	v5 =	vld [tilespmem:s10+$0xFFFFFFC0]  }
0x376: {  	v46 =	vld [tilespmem:s10+$0x40];
	_ =	sdelay $0x2  }
0x377: {  	v1 =	vld.idx.msk [tilespmem:v1+s2+$0x0], $0xffff  }
0x378: {  	v6 =	vld.idx.msk [tilespmem:v6+s2+$0x0], $0xffff  }
0x379: {  	v7 =	vld.idx.msk [tilespmem:v45+s2+$0x0], $0xffff;
	_ =	sdelay $0x1  }
0x37a: {  	v5 =	vld.idx.msk [tilespmem:v5+s2+$0x0], $0xffff  }
0x37b: {  	v1 =	vmax.f32 v2, v1;
	v8 =	vld.idx.msk [tilespmem:v46+s2+$0x0], $0xffff  }
0x37c: {  	v1 =	vadd.f32 $9.999999740e-05, v1  }
0x37d: {  	v6 =	vmax.f32 v6, v7  }
0x37e: {  	[tilespmem:s6+$0xFFFFFFD0] =	vst v1;
	v6 =	vadd.f32 $9.999999740e-05, v6  }
0x37f: {  	v49 =	vld [tilespmem:s8+$0xFFFFFFD0]  }
0x380: {  	v50 =	vld [tilespmem:s8+$0x50];
	[tilespmem:s13+$0x50] =	vst v6;
	v5 =	vmax.f32 v5, v8  }
0x381: {  	v47 =	vld [tilespmem:s10+$0xD0];
	v5 =	vadd.f32 $9.999999740e-05, v5  }
0x382: {  	v3 =	vmax.f32 v3, v4;
	v48 =	vld [tilespmem:s10+$0x150]  }
0x383: {  	v3 =	vadd.f32 $9.999999740e-05, v3;
	[tilespmem:s13+$0xFFFFFFD0] =	vst v5  }
0x384: {  	v5 =	vld [tilespmem:s10+$0xFFFFFFD0]  }
0x385: {  	[tilespmem:s6+$0x60] =	vst v3;
	v51 =	vld [tilespmem:s10+$0x50]  }
0x386: {  	v52 =	vld [tilespmem:s8+$0xE0]  }
0x387: {  	v4 =	vld.idx.msk [tilespmem:v49+s2+$0x0], $0xffff  }
0x388: {  	v6 =	vld.idx.msk [tilespmem:v50+s2+$0x0], $0xffff  }
0x389: {  	v2 =	vld.idx.msk [tilespmem:v47+s2+$0x0], $0xffff  }
0x38a: {  	v1 =	vld.idx.msk [tilespmem:v48+s2+$0x0], $0xffff;
	_ =	sdelay $0x1  }
0x38b: {  	v5 =	vld.idx.msk [tilespmem:v5+s2+$0x0], $0xffff  }
0x38c: {  	v3 =	vld.idx.msk [tilespmem:v51+s2+$0x0], $0xffff  }
0x38d: {  	v56 =	vld [tilespmem:s9+$0x60];
	v4 =	vmax.f32 v4, v6  }
0x38e: {  	v0 =	vld.idx.msk [tilespmem:v0+s2+$0x0], $0xffff;
	v4 =	vadd.f32 $9.999999740e-05, v4;
	v1 =	vmax.f32 v2, v1  }
0x38f: {  	v53 =	vld [tilespmem:s8+$0x160];
	v1 =	vadd.f32 $9.999999740e-05, v1  }
0x390: {  	v54 =	vld.idx.msk [tilespmem:v52+s2+$0x0], $0xffff;
	[tilespmem:s6+$0xFFFFFFE0] =	vst v4  }
0x391: {  	v59 =	vld [tilespmem:s8+$0x60];
	[tilespmem:s13+$0x60] =	vst v1;
	v3 =	vmax.f32 v5, v3  }
0x392: {  	v1 =	vld [tilespmem:s10+$0xE0];
	v3 =	vadd.f32 $9.999999740e-05, v3  }
0x393: {  	v57 =	vld [tilespmem:s10+$0x160]  }
0x394: {  	v58 =	vld [tilespmem:s8+$0xFFFFFFE0];
	[tilespmem:s13+$0xFFFFFFE0] =	vst v3  }
0x395: {  	v3 =	vld [tilespmem:s10+$0xFFFFFFE0]  }
0x396: {  	v9 =	vld [tilespmem:s10+$0x60]  }
0x397: {  	v55 =	vld.idx.msk [tilespmem:v53+s2+$0x0], $0xffff  }
0x398: {  	v6 =	vld.idx.msk [tilespmem:v56+s2+$0x0], $0xffff  }
0x399: {  	v8 =	vld.idx.msk [tilespmem:v59+s2+$0x0], $0xffff  }
0x39a: {  	v1 =	vld.idx.msk [tilespmem:v1+s2+$0x0], $0xffff  }
0x39b: {  	v4 =	vld.idx.msk [tilespmem:v57+s2+$0x0], $0xffff  }
0x39c: {  	v5 =	vld.idx.msk [tilespmem:v58+s2+$0x0], $0xffff  }
0x39d: {  	v3 =	vld.idx.msk [tilespmem:v3+s2+$0x0], $0xffff  }
0x39e: {  	v9 =	vld.idx.msk [tilespmem:v9+s2+$0x0], $0xffff  }
0x39f: {  	v0 =	vmax.f32 v0, v6  }
0x3a0: {  	v0 =	vadd.f32 $9.999999740e-05, v0;
	v2 =	vmax.f32 v54, v55  }
0x3a1: {  	v2 =	vadd.f32 $9.999999740e-05, v2;
	v1 =	vmax.f32 v1, v4  }
0x3a2: {  	[tilespmem:s7+$0xFFFFFFF0] =	vst v0;
	v1 =	vadd.f32 $9.999999740e-05, v1;
	v60 =	vmax.f32 v5, v8  }
0x3a3: {  	[tilespmem:s6+$0x70] =	vst v2;
	v61 =	vadd.f32 $9.999999740e-05, v60;
	v62 =	vmax.f32 v3, v9  }
0x3a4: {  	[tilespmem:s13+$0x70] =	vst v1;
	v63 =	vadd.f32 $9.999999740e-05, v62  }
0x3a5: {  	[tilespmem:s6+$0xFFFFFFF0] =	vst v61  }
0x3a6: {  	[tilespmem:s13+$0xFFFFFFF0] =	vst v63  }
.Ltmp11:
0x3a7: {  	s29 =	simm.s32 $0x1D4A0;
	s6 =	rddreg [dreg:$0xc];
	(pc) =	sbr.rel .LBB2_18-.Ltmp11, $4  }
0x3a8: {  	[hbm4b:s6+s30] =	stream.strided.scatter [tilespmem:s29], [sflag:$0x8], $0xC00, s31, s30, $0x38;
	[tilespmem:$0x1FBA0] =	vst v63  }
0x3a9: {  	_ =	swait.ge [sflag:s25], $0xC00  }
0x3aa: {  	[sflag:s25] =	ssyncset.done $0x0  }
0x3ab: {  	[sflag:s25] =	ssyncadd.s32 $0xFFFFF400  }
.LBB2_19:
0x3ac: {  	_ =	sfence.sel $0x180000  }
0x3ad: {  	[bflag:$0x0] =	sbarrier.arrive $0xFFFF  }
0x3ae: {  	_ =	strace $0x90000047  }
0x3af: {  	[bflag:$0x2] =	sbarrier.arrive $0xFFFF  }
0x3b0: {  	s0 =	rddreg [dreg:$0x3]  }
0x3b1: {  	s0 =	sadd.s32 @!p1 $0x100000, s0  }
0x3b2: {  	[sflag:s0] =	ssyncadd.tile.s32 @!p1 $0x1;
	_ =	shalt  }
.Lfunc_end2:
_tile_overlayer_lowered:
.L_overlay_start_2:
0x3b3: {  	(tag) =	ssettag $0x2  }
0x3b4: {  	s0 =	rddreg [dreg:$0x0];
	s2 =	stileid.u32  }
0x3b5: {  	s1 =	rddreg [dreg:$0x1];
	p0 =	sne.s32 s2, $0x0  }
0x3b6: {  	s3 =	rddreg [dreg:$0x2];
	[bflag:$0x3] =	sbarrier.arrive $0xFFFF;
	s2 =	simm.s32 @!p0 $0x1C08  }
0x3b7: {  	[timem:s3], [sflag:s2] =	dma.local @!p0 [hbm:s0], s1  }
0x3b8: {  	s0 =	simm.s32 @!p0 $0x8  }
0x3b9: {  	_ =	swait.ge @!p0 [sflag:s0], s1  }
0x3ba: {  	s1 =	ssub.s32 @!p0 $0x0, s1;
	[sflag:s0] =	ssyncset.done @!p0 $0x0  }
0x3bb: {  	[sflag:s0] =	ssyncadd.s32 @!p0 s1  }
0x3bc: {  	[bflag:$0x3] =	sbarrier.arrive $0xFFFF  }
0x3bd: {  	_ =	shalt  }

</sc_bundles>
